<compile_context>
chip_gen: v7x
topology: tpu7x:2x2x1
jax: 0.10.2.dev20260603
libtpu: 0.0.44.dev20260713+nightly
codegen_flags: <defaults>
</compile_context>

<pallas_src>
import functools

import jax
import jax.numpy as jnp
from jax import lax
from jax.experimental import pallas as pl
from jax.experimental.pallas import tpu as pltpu
from jax.experimental.pallas import tpu_sc as plsc

V_N = 10000
E_N = 160000
V_ATTR = 128
E_ATTR = 16
V_HID = 128
E_HID = 128

NC = 2
NS = 16
NW = NC * NS
EPW = E_N // NW
CH = 56
NCH = EPW // CH
TAIL = EPW - NCH * CH
V_PAD = 10240
RPS = V_PAD // NS
LANES = 16


def _dot(x, w):
    return lax.dot_general(x, w, (((1,), (0,)), ((), ())),
                           preferred_element_type=jnp.float32,
                           precision=lax.Precision.HIGHEST)



def _ab_body(v_ref, p_ref, q_ref, a_ref, b_ref):
    v = v_ref[...]
    a_ref[...] = _dot(v, p_ref[...])
    b_ref[...] = _dot(v, q_ref[...])


def _c_body(et_ref, r_ref, be_ref, c_ref):
    c_ref[...] = lax.dot_general(
        et_ref[...], r_ref[...], (((0,), (0,)), ((), ())),
        preferred_element_type=jnp.float32,
        precision=lax.Precision.HIGHEST) + be_ref[...]



def _sc_body(a_hbm, b_hbm, c_hbm, ev_hbm,
             enew_hbm, agg_hbm,
             src0, src1, dst0, dst1, srct_v, dstt_v,
             ab0, ab1, bb0, bb1, cb0, cb1,
             acc, semi0, semi1, semg0, semg1, semo0, semo1):
    cid = lax.axis_index("c")
    sid = lax.axis_index("s")
    wid = sid * NC + cid
    ebase = wid * EPW

    srcs = (src0, src1)
    dsts = (dst0, dst1)
    abs_ = (ab0, ab1)
    bbs = (bb0, bb1)
    cbs = (cb0, cb1)
    semi = (semi0, semi1)
    semg = (semg0, semg1)
    semo = (semo0, semo1)

    zv = jnp.zeros((LANES,), jnp.float32)

    def zero_row(r, carry):
        for j in range(E_HID // LANES):
            cb0[r, pl.ds(j * LANES, LANES)] = zv
        return carry
    lax.fori_loop(0, CH, zero_row, 0)
    nz = RPS // CH + 1
    last = RPS - (nz - 1) * CH
    for j in range(nz - 1):
        pltpu.sync_copy(cb0, acc.at[pl.ds(sid * RPS + j * CH, CH)])
    pltpu.sync_copy(cb0.at[pl.ds(0, last)],
                    acc.at[pl.ds(sid * RPS + (nz - 1) * CH, last)])
    plsc.subcore_barrier()


    def idx_issue(k, s):
        base = pl.multiple_of(ebase + k * CH, 8)
        pltpu.async_copy(ev_hbm.at[pl.ds(base, CH)], srcs[s], semi[s])
        pltpu.async_copy(ev_hbm.at[pl.ds(E_N + base, CH)], dsts[s], semi[s])

    def idx_wait(s):
        pltpu.make_async_copy(ev_hbm.at[pl.ds(0, CH)], srcs[s], semi[s]).wait()
        pltpu.make_async_copy(ev_hbm.at[pl.ds(0, CH)], dsts[s], semi[s]).wait()

    def gather_issue(k, s):
        base = pl.multiple_of(ebase + k * CH, 8)
        pltpu.async_copy(a_hbm.at[srcs[s]], abs_[s], semg[s])
        pltpu.async_copy(b_hbm.at[dsts[s]], bbs[s], semg[s])
        pltpu.async_copy(c_hbm.at[pl.ds(base, CH)], cbs[s], semg[s])

    def gather_wait(k, s):
        base = pl.multiple_of(ebase + k * CH, 8)
        pltpu.make_async_copy(a_hbm.at[srcs[s]], abs_[s], semg[s]).wait()
        pltpu.make_async_copy(b_hbm.at[dsts[s]], bbs[s], semg[s]).wait()
        pltpu.make_async_copy(c_hbm.at[pl.ds(base, CH)], cbs[s],
                              semg[s]).wait()

    def out_wait(k, s):
        base = pl.multiple_of(ebase + k * CH, 8)
        pltpu.make_async_copy(cbs[s], enew_hbm.at[pl.ds(base, CH)],
                              semo[s]).wait()

    def sum_row(a, b, c, r):
        for j in range(E_HID // LANES):
            sl = pl.ds(j * LANES, LANES)
            c[r, sl] = jnp.maximum(a[r, sl] + b[r, sl] + c[r, sl], 0.0)

    def comp(s):
        a, b, c = abs_[s], bbs[s], cbs[s]

        def row(r, carry):
            sum_row(a, b, c, r)
            return carry
        lax.fori_loop(0, CH, row, 0)

    def step(k, s):
        s1 = 1 - s

        @pl.when(k >= 1)
        def _():
            out_wait(k - 1, s1)

        @pl.when(k + 1 < NCH)
        def _():
            idx_wait(s1)
            gather_issue(k + 1, s1)

        gather_wait(k, s)
        comp(s)
        base = pl.multiple_of(ebase + k * CH, 8)
        pltpu.async_copy(cbs[s], enew_hbm.at[pl.ds(base, CH)], semo[s])
        pltpu.sync_copy(cbs[s], acc.at[dsts[s]], add=True)

        @pl.when(k + 2 < NCH)
        def _():
            idx_issue(k + 2, s)

    idx_issue(0, 0)
    idx_issue(1, 1)
    idx_wait(0)
    gather_issue(0, 0)

    def pair(j, carry):
        step(2 * j, 0)
        step(2 * j + 1, 1)
        return carry
    lax.fori_loop(0, NCH // 2, pair, 0)
    if NCH % 2:
        step(jnp.int32(NCH - 1), (NCH - 1) % 2)
    out_wait(NCH - 1, (NCH - 1) % 2)

    tbase = pl.multiple_of(ebase + NCH * CH, 8)
    pltpu.sync_copy(ev_hbm.at[pl.ds(tbase, TAIL)], srct_v)
    pltpu.sync_copy(ev_hbm.at[pl.ds(E_N + tbase, TAIL)], dstt_v)
    tc = cb0.at[pl.ds(0, TAIL)]
    ca = pltpu.async_copy(a_hbm.at[srct_v], ab0.at[pl.ds(0, TAIL)], semg0)
    cb = pltpu.async_copy(b_hbm.at[dstt_v], bb0.at[pl.ds(0, TAIL)], semg0)
    cc = pltpu.async_copy(c_hbm.at[pl.ds(tbase, TAIL)], tc, semg0)
    ca.wait()
    cb.wait()
    cc.wait()

    def trow(r, carry):
        sum_row(ab0, bb0, cb0, r)
        return carry
    lax.fori_loop(0, TAIL, trow, 0)
    pltpu.sync_copy(tc, enew_hbm.at[pl.ds(tbase, TAIL)])
    pltpu.sync_copy(tc, acc.at[dstt_v], add=True)

    plsc.subcore_barrier()
    pltpu.sync_copy(acc.at[pl.ds(sid * RPS, RPS)],
                    agg_hbm.at[cid, pl.ds(sid * RPS, RPS)])


_sc_call = functools.partial(
    pl.kernel,
    out_type=(jax.ShapeDtypeStruct((E_N, E_HID), jnp.float32),
              jax.ShapeDtypeStruct((NC, V_PAD, E_HID), jnp.float32)),
    mesh=plsc.VectorSubcoreMesh(core_axis_name="c", subcore_axis_name="s"),
    scratch_types=[
        pltpu.VMEM((CH,), jnp.int32),
        pltpu.VMEM((CH,), jnp.int32),
        pltpu.VMEM((CH,), jnp.int32),
        pltpu.VMEM((CH,), jnp.int32),
        pltpu.VMEM((TAIL,), jnp.int32),
        pltpu.VMEM((TAIL,), jnp.int32),
        pltpu.VMEM((CH, E_HID), jnp.float32),
        pltpu.VMEM((CH, E_HID), jnp.float32),
        pltpu.VMEM((CH, E_HID), jnp.float32),
        pltpu.VMEM((CH, E_HID), jnp.float32),
        pltpu.VMEM((CH, E_HID), jnp.float32),
        pltpu.VMEM((CH, E_HID), jnp.float32),
        pltpu.VMEM_SHARED((V_PAD, E_HID), jnp.float32),
        pltpu.SemaphoreType.DMA,
        pltpu.SemaphoreType.DMA,
        pltpu.SemaphoreType.DMA,
        pltpu.SemaphoreType.DMA,
        pltpu.SemaphoreType.DMA,
        pltpu.SemaphoreType.DMA,
    ],
)(_sc_body)



def _v_body(e0_ref, e1_ref, v_ref, wv1_ref, wv2_ref, bv_ref, wo_ref, bo_ref,
            vn_ref, u_ref, acc_ref):
    i = pl.program_id(0)
    eagg = e0_ref[0] + e1_ref[0]
    x = _dot(eagg, wv1_ref[...]) + _dot(v_ref[...], wv2_ref[...]) + bv_ref[...]
    vn = jnp.maximum(x, 0.0)
    vn_ref[...] = vn
    part = jnp.sum(vn, axis=0, keepdims=True)

    @pl.when(i == 0)
    def _():
        acc_ref[...] = part

    @pl.when(i > 0)
    def _():
        acc_ref[...] = acc_ref[...] + part

    @pl.when(i == pl.num_programs(0) - 1)
    def _():
        u_ref[...] = jnp.maximum(_dot(acc_ref[...], wo_ref[...]) + bo_ref[...],
                                 0.0)


def kernel(E, E_V, V, W_e, b_e, W_v, b_v, W_o, b_o):
    P = W_e[:, :V_ATTR].T
    Q = W_e[:, V_ATTR:2 * V_ATTR].T
    R = W_e[:, 2 * V_ATTR:].T
    be2 = b_e.reshape(1, E_HID)
    Wv1 = W_v[:, :E_HID].T
    Wv2 = W_v[:, E_HID:].T
    bv2 = b_v.reshape(1, V_HID)
    WoT = W_o.T
    bo2 = b_o.reshape(1, V_HID)
    EVF = E_V.T.reshape(2 * E_N)

    VB = 2000
    A, B = pl.pallas_call(
        _ab_body,
        grid=(V_N // VB,),
        in_specs=[pl.BlockSpec((VB, V_ATTR), lambda i: (i, 0)),
                  pl.BlockSpec((V_ATTR, V_ATTR), lambda i: (0, 0)),
                  pl.BlockSpec((V_ATTR, V_ATTR), lambda i: (0, 0))],
        out_specs=[pl.BlockSpec((VB, E_HID), lambda i: (i, 0)),
                   pl.BlockSpec((VB, E_HID), lambda i: (i, 0))],
        out_shape=[jax.ShapeDtypeStruct((V_N, E_HID), jnp.float32),
                   jax.ShapeDtypeStruct((V_N, E_HID), jnp.float32)],
    )(V, P, Q)

    EB = 6400
    C = pl.pallas_call(
        _c_body,
        grid=(E_N // EB,),
        in_specs=[pl.BlockSpec((E_ATTR, EB), lambda i: (0, i)),
                  pl.BlockSpec((E_ATTR, E_HID), lambda i: (0, 0)),
                  pl.BlockSpec((1, E_HID), lambda i: (0, 0))],
        out_specs=pl.BlockSpec((EB, E_HID), lambda i: (i, 0)),
        out_shape=jax.ShapeDtypeStruct((E_N, E_HID), jnp.float32),
    )(E.T, R, be2)

    E_new, AGG = _sc_call(A, B, C, EVF)

    NB = 2000
    V_new, u = pl.pallas_call(
        _v_body,
        grid=(V_N // NB,),
        in_specs=[pl.BlockSpec((1, NB, E_HID), lambda i: (0, i, 0)),
                  pl.BlockSpec((1, NB, E_HID), lambda i: (1, i, 0)),
                  pl.BlockSpec((NB, V_ATTR), lambda i: (i, 0)),
                  pl.BlockSpec((E_HID, V_HID), lambda i: (0, 0)),
                  pl.BlockSpec((V_ATTR, V_HID), lambda i: (0, 0)),
                  pl.BlockSpec((1, V_HID), lambda i: (0, 0)),
                  pl.BlockSpec((V_HID, V_HID), lambda i: (0, 0)),
                  pl.BlockSpec((1, V_HID), lambda i: (0, 0))],
        out_specs=[pl.BlockSpec((NB, V_HID), lambda i: (i, 0)),
                   pl.BlockSpec((1, V_HID), lambda i: (0, 0))],
        out_shape=[jax.ShapeDtypeStruct((V_N, V_HID), jnp.float32),
                   jax.ShapeDtypeStruct((1, V_HID), jnp.float32)],
        scratch_shapes=[pltpu.VMEM((1, V_HID), jnp.float32)],
    )(AGG, AGG, V, Wv1, Wv2, bv2, WoT, bo2)

    return (E_new, V_new, u.reshape(V_HID))

# --- scband reference (transcript-rebuilt; emitter-appended) ---
"""Pipeline reference for scband-mpnn-55027120996420 (READ-ONLY COPY).

The authoritative reference and input builder live on the scoring server;
editing this copy changes nothing except your own understanding.
"""

import jax, jax.numpy as jnp
import numpy as np

V_N = 10000
E_N = 160000
V_ATTR = 128
E_ATTR = 16
V_HID = 128
E_HID = 128


def setup_inputs(seed: int = 0) -> dict:
    key = jax.random.key(seed)
    ks = jax.random.split(key, 10)
    E_V = jax.random.randint(ks[0], (E_N, 2), 0, V_N, dtype=jnp.int32)
    V = jax.random.normal(ks[1], (V_N, V_ATTR), dtype=jnp.float32)
    E = jax.random.normal(ks[2], (E_N, E_ATTR), dtype=jnp.float32)
    # The module aggregates edges into node i where E[j][1] == i, i.e. the
    # destination node id is stored (as a float) in edge-attribute column 1.
    # Make that meaningful by writing the dst ids from E_V into that column.
    E = E.at[:, 1].set(E_V[:, 1].astype(jnp.float32))
    d_ein = 2 * V_ATTR + E_ATTR   # 272
    d_vin = E_HID + V_ATTR        # 256
    W_e = jax.random.normal(ks[3], (E_HID, d_ein), jnp.float32) / jnp.sqrt(d_ein)
    b_e = jnp.zeros((E_HID,), jnp.float32)
    W_v = jax.random.normal(ks[4], (V_HID, d_vin), jnp.float32) / jnp.sqrt(d_vin)
    b_v = jnp.zeros((V_HID,), jnp.float32)
    W_o = jax.random.normal(ks[5], (V_HID, V_HID), jnp.float32) / jnp.sqrt(V_HID)
    b_o = jnp.zeros((V_HID,), jnp.float32)
    return {"E": E, "E_V": E_V, "V": V,
            "W_e": W_e, "b_e": b_e, "W_v": W_v, "b_v": b_v,
            "W_o": W_o, "b_o": b_o}


def reference(E, E_V, V, W_e, b_e, W_v, b_v, W_o, b_o):
    V_n = V.shape[0]
    # ---- edge update: message = edge_nn(cat([V_src, V_dst_listed, E])) ----
    V0 = jnp.take(V, E_V[:, 0], axis=0)          # gather [E_N, V_ATTR]
    V1 = jnp.take(V, E_V[:, 1], axis=0)          # gather [E_N, V_ATTR]
    msg_in = jnp.concatenate([V0, V1, E], axis=1)  # [E_N, 272]
    E_new = jax.nn.relu(msg_in @ W_e.T + b_e)      # [E_N, E_HID]
    # ---- aggregation: faithful to `if E[j][1] == i` (exact float equality) ----
    ids = E[:, 1]
    idx = ids.astype(jnp.int32)
    valid = (idx.astype(ids.dtype) == ids) & (idx >= 0) & (idx < V_n)
    safe_idx = jnp.clip(idx, 0, V_n - 1)
    contrib = jnp.where(valid[:, None], E_new, 0.0)
    E_agg = jnp.zeros((V_n, E_HID), E_new.dtype).at[safe_idx].add(contrib)
    # ---- vertex update: node_nn(cat([E_agg, V])) ----
    v_in = jnp.concatenate([E_agg, V], axis=1)   # [V_N, 256]
    V_new = jax.nn.relu(v_in @ W_v.T + b_v)      # [V_N, V_HID]
    # ---- readout: u = output_nn(sum_i V_new[i]) ----
    V_agg = jnp.sum(V_new, axis=0)               # [V_HID]
    u = jax.nn.relu(V_agg @ W_o.T + b_o)         # [V_HID]
    return (E_new, V_new, u)

if __name__ == "__main__":
    import jax
    _d = setup_inputs()
    print(jax.jit(kernel)(*tuple(_d.values())))

</pallas_src>

<mosaic_0001>
#map = affine_map<(d0, d1) -> (0, 0)>
#map1 = affine_map<(d0, d1) -> (0)>
#map2 = affine_map<(d0, d1) -> (0, 0, 0)>
module attributes {stable_mosaic.version = 14 : i64} {
  func.func @_sc_body(%arg0: i32, %arg1: i32, %arg2: memref<10000x128xf32, #tpu.memory_space<hbm>>, %arg3: memref<10000x128xf32, #tpu.memory_space<hbm>>, %arg4: memref<160000x128xf32, #tpu.memory_space<hbm>>, %arg5: memref<320000xi32, #tpu.memory_space<hbm>>, %arg6: memref<160000x128xf32, #tpu.memory_space<hbm>>, %arg7: memref<2x10240x128xf32, #tpu.memory_space<hbm>>, %arg8: memref<56xi32, #tpu.memory_space<vmem>>, %arg9: memref<56xi32, #tpu.memory_space<vmem>>, %arg10: memref<56xi32, #tpu.memory_space<vmem>>, %arg11: memref<56xi32, #tpu.memory_space<vmem>>, %arg12: memref<16xi32, #tpu.memory_space<vmem>>, %arg13: memref<16xi32, #tpu.memory_space<vmem>>, %arg14: memref<56x128xf32, #tpu.memory_space<vmem>>, %arg15: memref<56x128xf32, #tpu.memory_space<vmem>>, %arg16: memref<56x128xf32, #tpu.memory_space<vmem>>, %arg17: memref<56x128xf32, #tpu.memory_space<vmem>>, %arg18: memref<56x128xf32, #tpu.memory_space<vmem>>, %arg19: memref<56x128xf32, #tpu.memory_space<vmem>>, %arg20: memref<10240x128xf32, #tpu.memory_space<vmem_shared>>, %arg21: memref<!tpu.dma_semaphore, #tpu.memory_space<semaphore_mem>>, %arg22: memref<!tpu.dma_semaphore, #tpu.memory_space<semaphore_mem>>, %arg23: memref<!tpu.dma_semaphore, #tpu.memory_space<semaphore_mem>>, %arg24: memref<!tpu.dma_semaphore, #tpu.memory_space<semaphore_mem>>, %arg25: memref<!tpu.dma_semaphore, #tpu.memory_space<semaphore_mem>>, %arg26: memref<!tpu.dma_semaphore, #tpu.memory_space<semaphore_mem>>) attributes {dimension_semantics = [#tpu.dimension_semantics<core_parallel>, #tpu.dimension_semantics<subcore_parallel>], iteration_bounds = array<i64: 2, 16>, scalar_prefetch = 0 : i64, scratch_operands = 19 : i64, tpu.core_type = #tpu.core_type<sc_vector_subcore>, window_params = [{transform_indices = #map}, {transform_indices = #map}, {transform_indices = #map}, {transform_indices = #map1}, {transform_indices = #map}, {transform_indices = #map2}]} {
    %mul3A = arith.constant 2 : i32
    %mul3A_0 = arith.muli %arg1, %mul3A : i32
    %add3A = arith.addi %mul3A_0, %arg0 : i32
    %mul3A_1 = arith.constant 5000 : i32
    %mul3A_2 = arith.muli %add3A, %mul3A_1 : i32
    %broadcast_in_dim3A = arith.constant 0.000000e+00 : f32
    %broadcast_in_dim3A_3 = vector.broadcast %broadcast_in_dim3A : f32 to vector<16xf32>
    %scan3A = arith.constant 0 : i32
    %scan3A_4 = arith.constant 0 : i32
    %scan3A_5 = arith.constant 56 : i32
    %scan3A_6 = arith.addi %scan3A_4, %scan3A_5 : i32
    %scan3A_7 = arith.constant 1 : i32
    scf.for %scan3A_217 = %scan3A_4 to %scan3A_6 step %scan3A_7  : i32 {
      %swap3A = arith.index_cast %scan3A_217 : i32 to index
      %swap3A_218 = arith.constant 0 : index
      %swap3A_219 = tpu.vector_load %arg18[%swap3A, %swap3A_218] {strides = array<i32>} : memref<56x128xf32, #tpu.memory_space<vmem>>, vector<1x16xf32>,
      %swap3A_220 = vector.shape_cast %swap3A_219 : vector<1x16xf32> to vector<16xf32>
      %swap3A_221 = vector.shape_cast %broadcast_in_dim3A_3 : vector<16xf32> to vector<1x16xf32>
      tpu.vector_store %arg18[%swap3A, %swap3A_218], %swap3A_221 {strides = array<i32>} : memref<56x128xf32, #tpu.memory_space<vmem>>, vector<1x16xf32>,
      %swap3A_222 = arith.index_cast %scan3A_217 : i32 to index
      %swap3A_223 = arith.constant 16 : index
      %swap3A_224 = tpu.vector_load %arg18[%swap3A_222, %swap3A_223] {strides = array<i32>} : memref<56x128xf32, #tpu.memory_space<vmem>>, vector<1x16xf32>,
      %swap3A_225 = vector.shape_cast %swap3A_224 : vector<1x16xf32> to vector<16xf32>
      %swap3A_226 = vector.shape_cast %broadcast_in_dim3A_3 : vector<16xf32> to vector<1x16xf32>
      tpu.vector_store %arg18[%swap3A_222, %swap3A_223], %swap3A_226 {strides = array<i32>} : memref<56x128xf32, #tpu.memory_space<vmem>>, vector<1x16xf32>,
      %swap3A_227 = arith.index_cast %scan3A_217 : i32 to index
      %swap3A_228 = arith.constant 32 : index
      %swap3A_229 = tpu.vector_load %arg18[%swap3A_227, %swap3A_228] {strides = array<i32>} : memref<56x128xf32, #tpu.memory_space<vmem>>, vector<1x16xf32>,
      %swap3A_230 = vector.shape_cast %swap3A_229 : vector<1x16xf32> to vector<16xf32>
      %swap3A_231 = vector.shape_cast %broadcast_in_dim3A_3 : vector<16xf32> to vector<1x16xf32>
      tpu.vector_store %arg18[%swap3A_227, %swap3A_228], %swap3A_231 {strides = array<i32>} : memref<56x128xf32, #tpu.memory_space<vmem>>, vector<1x16xf32>,
      %swap3A_232 = arith.index_cast %scan3A_217 : i32 to index
      %swap3A_233 = arith.constant 48 : index
      %swap3A_234 = tpu.vector_load %arg18[%swap3A_232, %swap3A_233] {strides = array<i32>} : memref<56x128xf32, #tpu.memory_space<vmem>>, vector<1x16xf32>,
      %swap3A_235 = vector.shape_cast %swap3A_234 : vector<1x16xf32> to vector<16xf32>
      %swap3A_236 = vector.shape_cast %broadcast_in_dim3A_3 : vector<16xf32> to vector<1x16xf32>
      tpu.vector_store %arg18[%swap3A_232, %swap3A_233], %swap3A_236 {strides = array<i32>} : memref<56x128xf32, #tpu.memory_space<vmem>>, vector<1x16xf32>,
      %swap3A_237 = arith.index_cast %scan3A_217 : i32 to index
      %swap3A_238 = arith.constant 64 : index
      %swap3A_239 = tpu.vector_load %arg18[%swap3A_237, %swap3A_238] {strides = array<i32>} : memref<56x128xf32, #tpu.memory_space<vmem>>, vector<1x16xf32>,
      %swap3A_240 = vector.shape_cast %swap3A_239 : vector<1x16xf32> to vector<16xf32>
      %swap3A_241 = vector.shape_cast %broadcast_in_dim3A_3 : vector<16xf32> to vector<1x16xf32>
      tpu.vector_store %arg18[%swap3A_237, %swap3A_238], %swap3A_241 {strides = array<i32>} : memref<56x128xf32, #tpu.memory_space<vmem>>, vector<1x16xf32>,
      %swap3A_242 = arith.index_cast %scan3A_217 : i32 to index
      %swap3A_243 = arith.constant 80 : index
      %swap3A_244 = tpu.vector_load %arg18[%swap3A_242, %swap3A_243] {strides = array<i32>} : memref<56x128xf32, #tpu.memory_space<vmem>>, vector<1x16xf32>,
      %swap3A_245 = vector.shape_cast %swap3A_244 : vector<1x16xf32> to vector<16xf32>
      %swap3A_246 = vector.shape_cast %broadcast_in_dim3A_3 : vector<16xf32> to vector<1x16xf32>
      tpu.vector_store %arg18[%swap3A_242, %swap3A_243], %swap3A_246 {strides = array<i32>} : memref<56x128xf32, #tpu.memory_space<vmem>>, vector<1x16xf32>,
      %swap3A_247 = arith.index_cast %scan3A_217 : i32 to index
      %swap3A_248 = arith.constant 96 : index
      %swap3A_249 = tpu.vector_load %arg18[%swap3A_247, %swap3A_248] {strides = array<i32>} : memref<56x128xf32, #tpu.memory_space<vmem>>, vector<1x16xf32>,
      %swap3A_250 = vector.shape_cast %swap3A_249 : vector<1x16xf32> to vector<16xf32>
      %swap3A_251 = vector.shape_cast %broadcast_in_dim3A_3 : vector<16xf32> to vector<1x16xf32>
      tpu.vector_store %arg18[%swap3A_247, %swap3A_248], %swap3A_251 {strides = array<i32>} : memref<56x128xf32, #tpu.memory_space<vmem>>, vector<1x16xf32>,
      %swap3A_252 = arith.index_cast %scan3A_217 : i32 to index
      %swap3A_253 = arith.constant 112 : index
      %swap3A_254 = tpu.vector_load %arg18[%swap3A_252, %swap3A_253] {strides = array<i32>} : memref<56x128xf32, #tpu.memory_space<vmem>>, vector<1x16xf32>,
      %swap3A_255 = vector.shape_cast %swap3A_254 : vector<1x16xf32> to vector<16xf32>
      %swap3A_256 = vector.shape_cast %broadcast_in_dim3A_3 : vector<16xf32> to vector<1x16xf32>
      tpu.vector_store %arg18[%swap3A_252, %swap3A_253], %swap3A_256 {strides = array<i32>} : memref<56x128xf32, #tpu.memory_space<vmem>>, vector<1x16xf32>,
    }
    %scan3A_8 = arith.constant 56 : i32
    %mul3A_9 = arith.constant 640 : i32
    %mul3A_10 = arith.muli %arg1, %mul3A_9 : i32
    %add3A_11 = arith.constant 0 : i32
    %add3A_12 = arith.addi %mul3A_10, %add3A_11 : i32
    "tpu.region"() ({
      %run_scoped3A = tpu.sem_alloc : memref<!tpu.dma_semaphore, #tpu.memory_space<semaphore_mem>>
      %dma_start3A_217 = arith.constant 0 : i32
      %dma_start3A_218 = tpu.memref_slice %arg20[%add3A_12, %dma_start3A_217] : memref<10240x128xf32, #tpu.memory_space<vmem_shared>> -> memref<56x128xf32, #tpu.memory_space<vmem_shared>>
      %dma_start3A_219 = arith.constant 0 : i32
      %dma_start3A_220 = tpu.memref_slice %arg20[%add3A_12, %dma_start3A_219] : memref<10240x128xf32, #tpu.memory_space<vmem_shared>> -> memref<56x128xf32, #tpu.memory_space<vmem_shared>>
      tpu.enqueue_dma source(%arg18 : memref<56x128xf32, #tpu.memory_space<vmem>>) target(%dma_start3A_220 : memref<56x128xf32, #tpu.memory_space<vmem_shared>>) target_semaphore(%run_scoped3A : memref<!tpu.dma_semaphore, #tpu.memory_space<semaphore_mem>>)
      %dma_wait3A_221 = arith.constant 0 : i32
      %dma_wait3A_222 = tpu.memref_slice %arg20[%add3A_12, %dma_wait3A_221] : memref<10240x128xf32, #tpu.memory_space<vmem_shared>> -> memref<56x128xf32, #tpu.memory_space<vmem_shared>>
      %dma_wait3A_223 = arith.constant 0 : i32
      %dma_wait3A_224 = tpu.memref_slice %arg20[%add3A_12, %dma_wait3A_223] : memref<10240x128xf32, #tpu.memory_space<vmem_shared>> -> memref<56x128xf32, #tpu.memory_space<vmem_shared>>
      tpu.wait_dma2 semaphore(%run_scoped3A : memref<!tpu.dma_semaphore, #tpu.memory_space<semaphore_mem>>) src(%arg18 : memref<56x128xf32, #tpu.memory_space<vmem>>) dst(%dma_wait3A_224 : memref<56x128xf32, #tpu.memory_space<vmem_shared>>)
      tpu.yield
    }) : () -> ()
    %mul3A_13 = arith.constant 640 : i32
    %mul3A_14 = arith.muli %arg1, %mul3A_13 : i32
    %add3A_15 = arith.constant 56 : i32
    %add3A_16 = arith.addi %mul3A_14, %add3A_15 : i32
    "tpu.region"() ({
      %run_scoped3A = tpu.sem_alloc : memref<!tpu.dma_semaphore, #tpu.memory_space<semaphore_mem>>
      %dma_start3A_217 = arith.constant 0 : i32
      %dma_start3A_218 = tpu.memref_slice %arg20[%add3A_16, %dma_start3A_217] : memref<10240x128xf32, #tpu.memory_space<vmem_shared>> -> memref<56x128xf32, #tpu.memory_space<vmem_shared>>
      %dma_start3A_219 = arith.constant 0 : i32
      %dma_start3A_220 = tpu.memref_slice %arg20[%add3A_16, %dma_start3A_219] : memref<10240x128xf32, #tpu.memory_space<vmem_shared>> -> memref<56x128xf32, #tpu.memory_space<vmem_shared>>
      tpu.enqueue_dma source(%arg18 : memref<56x128xf32, #tpu.memory_space<vmem>>) target(%dma_start3A_220 : memref<56x128xf32, #tpu.memory_space<vmem_shared>>) target_semaphore(%run_scoped3A : memref<!tpu.dma_semaphore, #tpu.memory_space<semaphore_mem>>)
      %dma_wait3A_221 = arith.constant 0 : i32
      %dma_wait3A_222 = tpu.memref_slice %arg20[%add3A_16, %dma_wait3A_221] : memref<10240x128xf32, #tpu.memory_space<vmem_shared>> -> memref<56x128xf32, #tpu.memory_space<vmem_shared>>
      %dma_wait3A_223 = arith.constant 0 : i32
      %dma_wait3A_224 = tpu.memref_slice %arg20[%add3A_16, %dma_wait3A_223] : memref<10240x128xf32, #tpu.memory_space<vmem_shared>> -> memref<56x128xf32, #tpu.memory_space<vmem_shared>>
      tpu.wait_dma2 semaphore(%run_scoped3A : memref<!tpu.dma_semaphore, #tpu.memory_space<semaphore_mem>>) src(%arg18 : memref<56x128xf32, #tpu.memory_space<vmem>>) dst(%dma_wait3A_224 : memref<56x128xf32, #tpu.memory_space<vmem_shared>>)
      tpu.yield
    }) : () -> ()
    %mul3A_17 = arith.constant 640 : i32
    %mul3A_18 = arith.muli %arg1, %mul3A_17 : i32
    %add3A_19 = arith.constant 112 : i32
    %add3A_20 = arith.addi %mul3A_18, %add3A_19 : i32
    "tpu.region"() ({
      %run_scoped3A = tpu.sem_alloc : memref<!tpu.dma_semaphore, #tpu.memory_space<semaphore_mem>>
      %dma_start3A_217 = arith.constant 0 : i32
      %dma_start3A_218 = tpu.memref_slice %arg20[%add3A_20, %dma_start3A_217] : memref<10240x128xf32, #tpu.memory_space<vmem_shared>> -> memref<56x128xf32, #tpu.memory_space<vmem_shared>>
      %dma_start3A_219 = arith.constant 0 : i32
      %dma_start3A_220 = tpu.memref_slice %arg20[%add3A_20, %dma_start3A_219] : memref<10240x128xf32, #tpu.memory_space<vmem_shared>> -> memref<56x128xf32, #tpu.memory_space<vmem_shared>>
      tpu.enqueue_dma source(%arg18 : memref<56x128xf32, #tpu.memory_space<vmem>>) target(%dma_start3A_220 : memref<56x128xf32, #tpu.memory_space<vmem_shared>>) target_semaphore(%run_scoped3A : memref<!tpu.dma_semaphore, #tpu.memory_space<semaphore_mem>>)
      %dma_wait3A_221 = arith.constant 0 : i32
      %dma_wait3A_222 = tpu.memref_slice %arg20[%add3A_20, %dma_wait3A_221] : memref<10240x128xf32, #tpu.memory_space<vmem_shared>> -> memref<56x128xf32, #tpu.memory_space<vmem_shared>>
      %dma_wait3A_223 = arith.constant 0 : i32
      %dma_wait3A_224 = tpu.memref_slice %arg20[%add3A_20, %dma_wait3A_223] : memref<10240x128xf32, #tpu.memory_space<vmem_shared>> -> memref<56x128xf32, #tpu.memory_space<vmem_shared>>
      tpu.wait_dma2 semaphore(%run_scoped3A : memref<!tpu.dma_semaphore, #tpu.memory_space<semaphore_mem>>) src(%arg18 : memref<56x128xf32, #tpu.memory_space<vmem>>) dst(%dma_wait3A_224 : memref<56x128xf32, #tpu.memory_space<vmem_shared>>)
      tpu.yield
    }) : () -> ()
    %mul3A_21 = arith.constant 640 : i32
    %mul3A_22 = arith.muli %arg1, %mul3A_21 : i32
    %add3A_23 = arith.constant 168 : i32
    %add3A_24 = arith.addi %mul3A_22, %add3A_23 : i32
    "tpu.region"() ({
      %run_scoped3A = tpu.sem_alloc : memref<!tpu.dma_semaphore, #tpu.memory_space<semaphore_mem>>
      %dma_start3A_217 = arith.constant 0 : i32
      %dma_start3A_218 = tpu.memref_slice %arg20[%add3A_24, %dma_start3A_217] : memref<10240x128xf32, #tpu.memory_space<vmem_shared>> -> memref<56x128xf32, #tpu.memory_space<vmem_shared>>
      %dma_start3A_219 = arith.constant 0 : i32
      %dma_start3A_220 = tpu.memref_slice %arg20[%add3A_24, %dma_start3A_219] : memref<10240x128xf32, #tpu.memory_space<vmem_shared>> -> memref<56x128xf32, #tpu.memory_space<vmem_shared>>
      tpu.enqueue_dma source(%arg18 : memref<56x128xf32, #tpu.memory_space<vmem>>) target(%dma_start3A_220 : memref<56x128xf32, #tpu.memory_space<vmem_shared>>) target_semaphore(%run_scoped3A : memref<!tpu.dma_semaphore, #tpu.memory_space<semaphore_mem>>)
      %dma_wait3A_221 = arith.constant 0 : i32
      %dma_wait3A_222 = tpu.memref_slice %arg20[%add3A_24, %dma_wait3A_221] : memref<10240x128xf32, #tpu.memory_space<vmem_shared>> -> memref<56x128xf32, #tpu.memory_space<vmem_shared>>
      %dma_wait3A_223 = arith.constant 0 : i32
      %dma_wait3A_224 = tpu.memref_slice %arg20[%add3A_24, %dma_wait3A_223] : memref<10240x128xf32, #tpu.memory_space<vmem_shared>> -> memref<56x128xf32, #tpu.memory_space<vmem_shared>>
      tpu.wait_dma2 semaphore(%run_scoped3A : memref<!tpu.dma_semaphore, #tpu.memory_space<semaphore_mem>>) src(%arg18 : memref<56x128xf32, #tpu.memory_space<vmem>>) dst(%dma_wait3A_224 : memref<56x128xf32, #tpu.memory_space<vmem_shared>>)
      tpu.yield
    }) : () -> ()
    %mul3A_25 = arith.constant 640 : i32
    %mul3A_26 = arith.muli %arg1, %mul3A_25 : i32
    %add3A_27 = arith.constant 224 : i32
    %add3A_28 = arith.addi %mul3A_26, %add3A_27 : i32
    "tpu.region"() ({
      %run_scoped3A = tpu.sem_alloc : memref<!tpu.dma_semaphore, #tpu.memory_space<semaphore_mem>>
      %dma_start3A_217 = arith.constant 0 : i32
      %dma_start3A_218 = tpu.memref_slice %arg20[%add3A_28, %dma_start3A_217] : memref<10240x128xf32, #tpu.memory_space<vmem_shared>> -> memref<56x128xf32, #tpu.memory_space<vmem_shared>>
      %dma_start3A_219 = arith.constant 0 : i32
      %dma_start3A_220 = tpu.memref_slice %arg20[%add3A_28, %dma_start3A_219] : memref<10240x128xf32, #tpu.memory_space<vmem_shared>> -> memref<56x128xf32, #tpu.memory_space<vmem_shared>>
      tpu.enqueue_dma source(%arg18 : memref<56x128xf32, #tpu.memory_space<vmem>>) target(%dma_start3A_220 : memref<56x128xf32, #tpu.memory_space<vmem_shared>>) target_semaphore(%run_scoped3A : memref<!tpu.dma_semaphore, #tpu.memory_space<semaphore_mem>>)
      %dma_wait3A_221 = arith.constant 0 : i32
      %dma_wait3A_222 = tpu.memref_slice %arg20[%add3A_28, %dma_wait3A_221] : memref<10240x128xf32, #tpu.memory_space<vmem_shared>> -> memref<56x128xf32, #tpu.memory_space<vmem_shared>>
      %dma_wait3A_223 = arith.constant 0 : i32
      %dma_wait3A_224 = tpu.memref_slice %arg20[%add3A_28, %dma_wait3A_223] : memref<10240x128xf32, #tpu.memory_space<vmem_shared>> -> memref<56x128xf32, #tpu.memory_space<vmem_shared>>
      tpu.wait_dma2 semaphore(%run_scoped3A : memref<!tpu.dma_semaphore, #tpu.memory_space<semaphore_mem>>) src(%arg18 : memref<56x128xf32, #tpu.memory_space<vmem>>) dst(%dma_wait3A_224 : memref<56x128xf32, #tpu.memory_space<vmem_shared>>)
      tpu.yield
    }) : () -> ()
    %mul3A_29 = arith.constant 640 : i32
    %mul3A_30 = arith.muli %arg1, %mul3A_29 : i32
    %add3A_31 = arith.constant 280 : i32
    %add3A_32 = arith.addi %mul3A_30, %add3A_31 : i32
    "tpu.region"() ({
      %run_scoped3A = tpu.sem_alloc : memref<!tpu.dma_semaphore, #tpu.memory_space<semaphore_mem>>
      %dma_start3A_217 = arith.constant 0 : i32
      %dma_start3A_218 = tpu.memref_slice %arg20[%add3A_32, %dma_start3A_217] : memref<10240x128xf32, #tpu.memory_space<vmem_shared>> -> memref<56x128xf32, #tpu.memory_space<vmem_shared>>
      %dma_start3A_219 = arith.constant 0 : i32
      %dma_start3A_220 = tpu.memref_slice %arg20[%add3A_32, %dma_start3A_219] : memref<10240x128xf32, #tpu.memory_space<vmem_shared>> -> memref<56x128xf32, #tpu.memory_space<vmem_shared>>
      tpu.enqueue_dma source(%arg18 : memref<56x128xf32, #tpu.memory_space<vmem>>) target(%dma_start3A_220 : memref<56x128xf32, #tpu.memory_space<vmem_shared>>) target_semaphore(%run_scoped3A : memref<!tpu.dma_semaphore, #tpu.memory_space<semaphore_mem>>)
      %dma_wait3A_221 = arith.constant 0 : i32
      %dma_wait3A_222 = tpu.memref_slice %arg20[%add3A_32, %dma_wait3A_221] : memref<10240x128xf32, #tpu.memory_space<vmem_shared>> -> memref<56x128xf32, #tpu.memory_space<vmem_shared>>
      %dma_wait3A_223 = arith.constant 0 : i32
      %dma_wait3A_224 = tpu.memref_slice %arg20[%add3A_32, %dma_wait3A_223] : memref<10240x128xf32, #tpu.memory_space<vmem_shared>> -> memref<56x128xf32, #tpu.memory_space<vmem_shared>>
      tpu.wait_dma2 semaphore(%run_scoped3A : memref<!tpu.dma_semaphore, #tpu.memory_space<semaphore_mem>>) src(%arg18 : memref<56x128xf32, #tpu.memory_space<vmem>>) dst(%dma_wait3A_224 : memref<56x128xf32, #tpu.memory_space<vmem_shared>>)
      tpu.yield
    }) : () -> ()
    %mul3A_33 = arith.constant 640 : i32
    %mul3A_34 = arith.muli %arg1, %mul3A_33 : i32
    %add3A_35 = arith.constant 336 : i32
    %add3A_36 = arith.addi %mul3A_34, %add3A_35 : i32
    "tpu.region"() ({
      %run_scoped3A = tpu.sem_alloc : memref<!tpu.dma_semaphore, #tpu.memory_space<semaphore_mem>>
      %dma_start3A_217 = arith.constant 0 : i32
      %dma_start3A_218 = tpu.memref_slice %arg20[%add3A_36, %dma_start3A_217] : memref<10240x128xf32, #tpu.memory_space<vmem_shared>> -> memref<56x128xf32, #tpu.memory_space<vmem_shared>>
      %dma_start3A_219 = arith.constant 0 : i32
      %dma_start3A_220 = tpu.memref_slice %arg20[%add3A_36, %dma_start3A_219] : memref<10240x128xf32, #tpu.memory_space<vmem_shared>> -> memref<56x128xf32, #tpu.memory_space<vmem_shared>>
      tpu.enqueue_dma source(%arg18 : memref<56x128xf32, #tpu.memory_space<vmem>>) target(%dma_start3A_220 : memref<56x128xf32, #tpu.memory_space<vmem_shared>>) target_semaphore(%run_scoped3A : memref<!tpu.dma_semaphore, #tpu.memory_space<semaphore_mem>>)
      %dma_wait3A_221 = arith.constant 0 : i32
      %dma_wait3A_222 = tpu.memref_slice %arg20[%add3A_36, %dma_wait3A_221] : memref<10240x128xf32, #tpu.memory_space<vmem_shared>> -> memref<56x128xf32, #tpu.memory_space<vmem_shared>>
      %dma_wait3A_223 = arith.constant 0 : i32
      %dma_wait3A_224 = tpu.memref_slice %arg20[%add3A_36, %dma_wait3A_223] : memref<10240x128xf32, #tpu.memory_space<vmem_shared>> -> memref<56x128xf32, #tpu.memory_space<vmem_shared>>
      tpu.wait_dma2 semaphore(%run_scoped3A : memref<!tpu.dma_semaphore, #tpu.memory_space<semaphore_mem>>) src(%arg18 : memref<56x128xf32, #tpu.memory_space<vmem>>) dst(%dma_wait3A_224 : memref<56x128xf32, #tpu.memory_space<vmem_shared>>)
      tpu.yield
    }) : () -> ()
    %mul3A_37 = arith.constant 640 : i32
    %mul3A_38 = arith.muli %arg1, %mul3A_37 : i32
    %add3A_39 = arith.constant 392 : i32
    %add3A_40 = arith.addi %mul3A_38, %add3A_39 : i32
    "tpu.region"() ({
      %run_scoped3A = tpu.sem_alloc : memref<!tpu.dma_semaphore, #tpu.memory_space<semaphore_mem>>
      %dma_start3A_217 = arith.constant 0 : i32
      %dma_start3A_218 = tpu.memref_slice %arg20[%add3A_40, %dma_start3A_217] : memref<10240x128xf32, #tpu.memory_space<vmem_shared>> -> memref<56x128xf32, #tpu.memory_space<vmem_shared>>
      %dma_start3A_219 = arith.constant 0 : i32
      %dma_start3A_220 = tpu.memref_slice %arg20[%add3A_40, %dma_start3A_219] : memref<10240x128xf32, #tpu.memory_space<vmem_shared>> -> memref<56x128xf32, #tpu.memory_space<vmem_shared>>
      tpu.enqueue_dma source(%arg18 : memref<56x128xf32, #tpu.memory_space<vmem>>) target(%dma_start3A_220 : memref<56x128xf32, #tpu.memory_space<vmem_shared>>) target_semaphore(%run_scoped3A : memref<!tpu.dma_semaphore, #tpu.memory_space<semaphore_mem>>)
      %dma_wait3A_221 = arith.constant 0 : i32
      %dma_wait3A_222 = tpu.memref_slice %arg20[%add3A_40, %dma_wait3A_221] : memref<10240x128xf32, #tpu.memory_space<vmem_shared>> -> memref<56x128xf32, #tpu.memory_space<vmem_shared>>
      %dma_wait3A_223 = arith.constant 0 : i32
      %dma_wait3A_224 = tpu.memref_slice %arg20[%add3A_40, %dma_wait3A_223] : memref<10240x128xf32, #tpu.memory_space<vmem_shared>> -> memref<56x128xf32, #tpu.memory_space<vmem_shared>>
      tpu.wait_dma2 semaphore(%run_scoped3A : memref<!tpu.dma_semaphore, #tpu.memory_space<semaphore_mem>>) src(%arg18 : memref<56x128xf32, #tpu.memory_space<vmem>>) dst(%dma_wait3A_224 : memref<56x128xf32, #tpu.memory_space<vmem_shared>>)
      tpu.yield
    }) : () -> ()
    %mul3A_41 = arith.constant 640 : i32
    %mul3A_42 = arith.muli %arg1, %mul3A_41 : i32
    %add3A_43 = arith.constant 448 : i32
    %add3A_44 = arith.addi %mul3A_42, %add3A_43 : i32
    "tpu.region"() ({
      %run_scoped3A = tpu.sem_alloc : memref<!tpu.dma_semaphore, #tpu.memory_space<semaphore_mem>>
      %dma_start3A_217 = arith.constant 0 : i32
      %dma_start3A_218 = tpu.memref_slice %arg20[%add3A_44, %dma_start3A_217] : memref<10240x128xf32, #tpu.memory_space<vmem_shared>> -> memref<56x128xf32, #tpu.memory_space<vmem_shared>>
      %dma_start3A_219 = arith.constant 0 : i32
      %dma_start3A_220 = tpu.memref_slice %arg20[%add3A_44, %dma_start3A_219] : memref<10240x128xf32, #tpu.memory_space<vmem_shared>> -> memref<56x128xf32, #tpu.memory_space<vmem_shared>>
      tpu.enqueue_dma source(%arg18 : memref<56x128xf32, #tpu.memory_space<vmem>>) target(%dma_start3A_220 : memref<56x128xf32, #tpu.memory_space<vmem_shared>>) target_semaphore(%run_scoped3A : memref<!tpu.dma_semaphore, #tpu.memory_space<semaphore_mem>>)
      %dma_wait3A_221 = arith.constant 0 : i32
      %dma_wait3A_222 = tpu.memref_slice %arg20[%add3A_44, %dma_wait3A_221] : memref<10240x128xf32, #tpu.memory_space<vmem_shared>> -> memref<56x128xf32, #tpu.memory_space<vmem_shared>>
      %dma_wait3A_223 = arith.constant 0 : i32
      %dma_wait3A_224 = tpu.memref_slice %arg20[%add3A_44, %dma_wait3A_223] : memref<10240x128xf32, #tpu.memory_space<vmem_shared>> -> memref<56x128xf32, #tpu.memory_space<vmem_shared>>
      tpu.wait_dma2 semaphore(%run_scoped3A : memref<!tpu.dma_semaphore, #tpu.memory_space<semaphore_mem>>) src(%arg18 : memref<56x128xf32, #tpu.memory_space<vmem>>) dst(%dma_wait3A_224 : memref<56x128xf32, #tpu.memory_space<vmem_shared>>)
      tpu.yield
    }) : () -> ()
    %mul3A_45 = arith.constant 640 : i32
    %mul3A_46 = arith.muli %arg1, %mul3A_45 : i32
    %add3A_47 = arith.constant 504 : i32
    %add3A_48 = arith.addi %mul3A_46, %add3A_47 : i32
    "tpu.region"() ({
      %run_scoped3A = tpu.sem_alloc : memref<!tpu.dma_semaphore, #tpu.memory_space<semaphore_mem>>
      %dma_start3A_217 = arith.constant 0 : i32
      %dma_start3A_218 = tpu.memref_slice %arg20[%add3A_48, %dma_start3A_217] : memref<10240x128xf32, #tpu.memory_space<vmem_shared>> -> memref<56x128xf32, #tpu.memory_space<vmem_shared>>
      %dma_start3A_219 = arith.constant 0 : i32
      %dma_start3A_220 = tpu.memref_slice %arg20[%add3A_48, %dma_start3A_219] : memref<10240x128xf32, #tpu.memory_space<vmem_shared>> -> memref<56x128xf32, #tpu.memory_space<vmem_shared>>
      tpu.enqueue_dma source(%arg18 : memref<56x128xf32, #tpu.memory_space<vmem>>) target(%dma_start3A_220 : memref<56x128xf32, #tpu.memory_space<vmem_shared>>) target_semaphore(%run_scoped3A : memref<!tpu.dma_semaphore, #tpu.memory_space<semaphore_mem>>)
      %dma_wait3A_221 = arith.constant 0 : i32
      %dma_wait3A_222 = tpu.memref_slice %arg20[%add3A_48, %dma_wait3A_221] : memref<10240x128xf32, #tpu.memory_space<vmem_shared>> -> memref<56x128xf32, #tpu.memory_space<vmem_shared>>
      %dma_wait3A_223 = arith.constant 0 : i32
      %dma_wait3A_224 = tpu.memref_slice %arg20[%add3A_48, %dma_wait3A_223] : memref<10240x128xf32, #tpu.memory_space<vmem_shared>> -> memref<56x128xf32, #tpu.memory_space<vmem_shared>>
      tpu.wait_dma2 semaphore(%run_scoped3A : memref<!tpu.dma_semaphore, #tpu.memory_space<semaphore_mem>>) src(%arg18 : memref<56x128xf32, #tpu.memory_space<vmem>>) dst(%dma_wait3A_224 : memref<56x128xf32, #tpu.memory_space<vmem_shared>>)
      tpu.yield
    }) : () -> ()
    %mul3A_49 = arith.constant 640 : i32
    %mul3A_50 = arith.muli %arg1, %mul3A_49 : i32
    %add3A_51 = arith.constant 560 : i32
    %add3A_52 = arith.addi %mul3A_50, %add3A_51 : i32
    "tpu.region"() ({
      %run_scoped3A = tpu.sem_alloc : memref<!tpu.dma_semaphore, #tpu.memory_space<semaphore_mem>>
      %dma_start3A_217 = arith.constant 0 : i32
      %dma_start3A_218 = tpu.memref_slice %arg20[%add3A_52, %dma_start3A_217] : memref<10240x128xf32, #tpu.memory_space<vmem_shared>> -> memref<56x128xf32, #tpu.memory_space<vmem_shared>>
      %dma_start3A_219 = arith.constant 0 : i32
      %dma_start3A_220 = tpu.memref_slice %arg20[%add3A_52, %dma_start3A_219] : memref<10240x128xf32, #tpu.memory_space<vmem_shared>> -> memref<56x128xf32, #tpu.memory_space<vmem_shared>>
      tpu.enqueue_dma source(%arg18 : memref<56x128xf32, #tpu.memory_space<vmem>>) target(%dma_start3A_220 : memref<56x128xf32, #tpu.memory_space<vmem_shared>>) target_semaphore(%run_scoped3A : memref<!tpu.dma_semaphore, #tpu.memory_space<semaphore_mem>>)
      %dma_wait3A_221 = arith.constant 0 : i32
      %dma_wait3A_222 = tpu.memref_slice %arg20[%add3A_52, %dma_wait3A_221] : memref<10240x128xf32, #tpu.memory_space<vmem_shared>> -> memref<56x128xf32, #tpu.memory_space<vmem_shared>>
      %dma_wait3A_223 = arith.constant 0 : i32
      %dma_wait3A_224 = tpu.memref_slice %arg20[%add3A_52, %dma_wait3A_223] : memref<10240x128xf32, #tpu.memory_space<vmem_shared>> -> memref<56x128xf32, #tpu.memory_space<vmem_shared>>
      tpu.wait_dma2 semaphore(%run_scoped3A : memref<!tpu.dma_semaphore, #tpu.memory_space<semaphore_mem>>) src(%arg18 : memref<56x128xf32, #tpu.memory_space<vmem>>) dst(%dma_wait3A_224 : memref<56x128xf32, #tpu.memory_space<vmem_shared>>)
      tpu.yield
    }) : () -> ()
    %mul3A_53 = arith.constant 640 : i32
    %mul3A_54 = arith.muli %arg1, %mul3A_53 : i32
    %add3A_55 = arith.constant 616 : i32
    %add3A_56 = arith.addi %mul3A_54, %add3A_55 : i32
    "tpu.region"() ({
      %run_scoped3A = tpu.sem_alloc : memref<!tpu.dma_semaphore, #tpu.memory_space<semaphore_mem>>
      %dma_start3A_217 = arith.constant 0 : i32
      %dma_start3A_218 = arith.constant 0 : i32
      %dma_start3A_219 = tpu.memref_slice %arg18[%dma_start3A_217, %dma_start3A_218] : memref<56x128xf32, #tpu.memory_space<vmem>> -> memref<24x128xf32, #tpu.memory_space<vmem>>
      %dma_start3A_220 = arith.constant 0 : i32
      %dma_start3A_221 = tpu.memref_slice %arg20[%add3A_56, %dma_start3A_220] : memref<10240x128xf32, #tpu.memory_space<vmem_shared>> -> memref<24x128xf32, #tpu.memory_space<vmem_shared>>
      %dma_start3A_222 = arith.constant 0 : i32
      %dma_start3A_223 = tpu.memref_slice %arg20[%add3A_56, %dma_start3A_222] : memref<10240x128xf32, #tpu.memory_space<vmem_shared>> -> memref<24x128xf32, #tpu.memory_space<vmem_shared>>
      %dma_start3A_224 = arith.constant 0 : i32
      %dma_start3A_225 = arith.constant 0 : i32
      %dma_start3A_226 = tpu.memref_slice %arg18[%dma_start3A_224, %dma_start3A_225] : memref<56x128xf32, #tpu.memory_space<vmem>> -> memref<24x128xf32, #tpu.memory_space<vmem>>
      tpu.enqueue_dma source(%dma_start3A_226 : memref<24x128xf32, #tpu.memory_space<vmem>>) target(%dma_start3A_223 : memref<24x128xf32, #tpu.memory_space<vmem_shared>>) target_semaphore(%run_scoped3A : memref<!tpu.dma_semaphore, #tpu.memory_space<semaphore_mem>>)
      %dma_wait3A_227 = arith.constant 0 : i32
      %dma_wait3A_228 = arith.constant 0 : i32
      %dma_wait3A_229 = tpu.memref_slice %arg18[%dma_wait3A_227, %dma_wait3A_228] : memref<56x128xf32, #tpu.memory_space<vmem>> -> memref<24x128xf32, #tpu.memory_space<vmem>>
      %dma_wait3A_230 = arith.constant 0 : i32
      %dma_wait3A_231 = tpu.memref_slice %arg20[%add3A_56, %dma_wait3A_230] : memref<10240x128xf32, #tpu.memory_space<vmem_shared>> -> memref<24x128xf32, #tpu.memory_space<vmem_shared>>
      %dma_wait3A_232 = arith.constant 0 : i32
      %dma_wait3A_233 = tpu.memref_slice %arg20[%add3A_56, %dma_wait3A_232] : memref<10240x128xf32, #tpu.memory_space<vmem_shared>> -> memref<24x128xf32, #tpu.memory_space<vmem_shared>>
      %dma_wait3A_234 = arith.constant 0 : i32
      %dma_wait3A_235 = arith.constant 0 : i32
      %dma_wait3A_236 = tpu.memref_slice %arg18[%dma_wait3A_234, %dma_wait3A_235] : memref<56x128xf32, #tpu.memory_space<vmem>> -> memref<24x128xf32, #tpu.memory_space<vmem>>
      tpu.wait_dma2 semaphore(%run_scoped3A : memref<!tpu.dma_semaphore, #tpu.memory_space<semaphore_mem>>) src(%dma_wait3A_236 : memref<24x128xf32, #tpu.memory_space<vmem>>) dst(%dma_wait3A_233 : memref<24x128xf32, #tpu.memory_space<vmem_shared>>)
      tpu.yield
    }) : () -> ()
    %barrier3A = arith.constant 0 : index
    tpu.barrier barrier_id(%barrier3A)
    %add3A_57 = arith.constant 0 : i32
    %add3A_58 = arith.addi %mul3A_2, %add3A_57 : i32
    %multiple_of3A = tpu.assume_multiple %add3A_58, 8 : i32
    %dma_start3A = tpu.memref_slice %arg5[%multiple_of3A] : memref<320000xi32, #tpu.memory_space<hbm>> -> memref<56xi32, #tpu.memory_space<hbm>>
    %dma_start3A_59 = tpu.memref_slice %arg5[%multiple_of3A] : memref<320000xi32, #tpu.memory_space<hbm>> -> memref<56xi32, #tpu.memory_space<hbm>>
    tpu.enqueue_dma source(%dma_start3A_59 : memref<56xi32, #tpu.memory_space<hbm>>) target(%arg8 : memref<56xi32, #tpu.memory_space<vmem>>) target_semaphore(%arg21 : memref<!tpu.dma_semaphore, #tpu.memory_space<semaphore_mem>>)
    %add3A_60 = arith.constant 160000 : i32
    %add3A_61 = arith.addi %add3A_60, %multiple_of3A : i32
    %dma_start3A_62 = tpu.memref_slice %arg5[%add3A_61] : memref<320000xi32, #tpu.memory_space<hbm>> -> memref<56xi32, #tpu.memory_space<hbm>>
    %dma_start3A_63 = tpu.memref_slice %arg5[%add3A_61] : memref<320000xi32, #tpu.memory_space<hbm>> -> memref<56xi32, #tpu.memory_space<hbm>>
    tpu.enqueue_dma source(%dma_start3A_63 : memref<56xi32, #tpu.memory_space<hbm>>) target(%arg10 : memref<56xi32, #tpu.memory_space<vmem>>) target_semaphore(%arg21 : memref<!tpu.dma_semaphore, #tpu.memory_space<semaphore_mem>>)
    %add3A_64 = arith.constant 56 : i32
    %add3A_65 = arith.addi %mul3A_2, %add3A_64 : i32
    %multiple_of3A_66 = tpu.assume_multiple %add3A_65, 8 : i32
    %dma_start3A_67 = tpu.memref_slice %arg5[%multiple_of3A_66] : memref<320000xi32, #tpu.memory_space<hbm>> -> memref<56xi32, #tpu.memory_space<hbm>>
    %dma_start3A_68 = tpu.memref_slice %arg5[%multiple_of3A_66] : memref<320000xi32, #tpu.memory_space<hbm>> -> memref<56xi32, #tpu.memory_space<hbm>>
    tpu.enqueue_dma source(%dma_start3A_68 : memref<56xi32, #tpu.memory_space<hbm>>) target(%arg9 : memref<56xi32, #tpu.memory_space<vmem>>) target_semaphore(%arg22 : memref<!tpu.dma_semaphore, #tpu.memory_space<semaphore_mem>>)
    %add3A_69 = arith.constant 160000 : i32
    %add3A_70 = arith.addi %add3A_69, %multiple_of3A_66 : i32
    %dma_start3A_71 = tpu.memref_slice %arg5[%add3A_70] : memref<320000xi32, #tpu.memory_space<hbm>> -> memref<56xi32, #tpu.memory_space<hbm>>
    %dma_start3A_72 = tpu.memref_slice %arg5[%add3A_70] : memref<320000xi32, #tpu.memory_space<hbm>> -> memref<56xi32, #tpu.memory_space<hbm>>
    tpu.enqueue_dma source(%dma_start3A_72 : memref<56xi32, #tpu.memory_space<hbm>>) target(%arg11 : memref<56xi32, #tpu.memory_space<vmem>>) target_semaphore(%arg22 : memref<!tpu.dma_semaphore, #tpu.memory_space<semaphore_mem>>)
    %dma_wait3A = arith.constant 0 : i32
    %dma_wait3A_73 = tpu.memref_slice %arg5[%dma_wait3A] : memref<320000xi32, #tpu.memory_space<hbm>> -> memref<56xi32, #tpu.memory_space<hbm>>
    %dma_wait3A_74 = arith.constant 0 : i32
    %dma_wait3A_75 = tpu.memref_slice %arg5[%dma_wait3A_74] : memref<320000xi32, #tpu.memory_space<hbm>> -> memref<56xi32, #tpu.memory_space<hbm>>
    tpu.wait_dma2 semaphore(%arg21 : memref<!tpu.dma_semaphore, #tpu.memory_space<semaphore_mem>>) src(%dma_wait3A_75 : memref<56xi32, #tpu.memory_space<hbm>>) dst(%arg8 : memref<56xi32, #tpu.memory_space<vmem>>)
    %dma_wait3A_76 = arith.constant 0 : i32
    %dma_wait3A_77 = tpu.memref_slice %arg5[%dma_wait3A_76] : memref<320000xi32, #tpu.memory_space<hbm>> -> memref<56xi32, #tpu.memory_space<hbm>>
    %dma_wait3A_78 = arith.constant 0 : i32
    %dma_wait3A_79 = tpu.memref_slice %arg5[%dma_wait3A_78] : memref<320000xi32, #tpu.memory_space<hbm>> -> memref<56xi32, #tpu.memory_space<hbm>>
    tpu.wait_dma2 semaphore(%arg21 : memref<!tpu.dma_semaphore, #tpu.memory_space<semaphore_mem>>) src(%dma_wait3A_79 : memref<56xi32, #tpu.memory_space<hbm>>) dst(%arg10 : memref<56xi32, #tpu.memory_space<vmem>>)
    %add3A_80 = arith.constant 0 : i32
    %add3A_81 = arith.addi %mul3A_2, %add3A_80 : i32
    %multiple_of3A_82 = tpu.assume_multiple %add3A_81, 8 : i32
    %dma_start3A_83 = arith.constant 0 : i32
    %dma_start3A_84 = arith.constant 0 : i32
    %dma_start3A_85 = tpu.memref_slice %arg2[%dma_start3A_83, %dma_start3A_84] : memref<10000x128xf32, #tpu.memory_space<hbm>> -> memref<10000x128xf32, #tpu.memory_space<hbm>>
    tpu.enqueue_indirect_dma source(%dma_start3A_85 : memref<10000x128xf32, #tpu.memory_space<hbm>>) target(%arg14 : memref<56x128xf32, #tpu.memory_space<vmem>>) offsets(%arg8 : memref<56xi32, #tpu.memory_space<vmem>>) semaphore(%arg23 : memref<!tpu.dma_semaphore, #tpu.memory_space<semaphore_mem>>)
    %dma_start3A_86 = arith.constant 0 : i32
    %dma_start3A_87 = arith.constant 0 : i32
    %dma_start3A_88 = tpu.memref_slice %arg3[%dma_start3A_86, %dma_start3A_87] : memref<10000x128xf32, #tpu.memory_space<hbm>> -> memref<10000x128xf32, #tpu.memory_space<hbm>>
    tpu.enqueue_indirect_dma source(%dma_start3A_88 : memref<10000x128xf32, #tpu.memory_space<hbm>>) target(%arg16 : memref<56x128xf32, #tpu.memory_space<vmem>>) offsets(%arg10 : memref<56xi32, #tpu.memory_space<vmem>>) semaphore(%arg23 : memref<!tpu.dma_semaphore, #tpu.memory_space<semaphore_mem>>)
    %dma_start3A_89 = arith.constant 0 : i32
    %dma_start3A_90 = tpu.memref_slice %arg4[%multiple_of3A_82, %dma_start3A_89] : memref<160000x128xf32, #tpu.memory_space<hbm>> -> memref<56x128xf32, #tpu.memory_space<hbm>>
    %dma_start3A_91 = arith.constant 0 : i32
    %dma_start3A_92 = tpu.memref_slice %arg4[%multiple_of3A_82, %dma_start3A_91] : memref<160000x128xf32, #tpu.memory_space<hbm>> -> memref<56x128xf32, #tpu.memory_space<hbm>>
    tpu.enqueue_dma source(%dma_start3A_92 : memref<56x128xf32, #tpu.memory_space<hbm>>) target(%arg18 : memref<56x128xf32, #tpu.memory_space<vmem>>) target_semaphore(%arg23 : memref<!tpu.dma_semaphore, #tpu.memory_space<semaphore_mem>>)
    %scan3A_93 = arith.constant 0 : i32
    %scan3A_94 = arith.constant 0 : i32
    %scan3A_95 = arith.constant 44 : i32
    %scan3A_96 = arith.addi %scan3A_94, %scan3A_95 : i32
    %scan3A_97 = arith.constant 1 : i32
    scf.for %scan3A_217 = %scan3A_94 to %scan3A_96 step %scan3A_97  : i32 {
      %mul3A_218 = arith.constant 2 : i32
      %mul3A_219 = arith.muli %mul3A_218, %scan3A_217 : i32
      %ge3A_220 = arith.constant 1 : i32
      %ge3A_221 = arith.cmpi sge, %mul3A_219, %ge3A_220 : i32
      %convert_element_type3A_222 = arith.extui %ge3A_221 : i1 to i32
      %cond3A_223 = arith.constant 0 : i32
      %cond3A_224 = arith.cmpi ne, %convert_element_type3A_222, %cond3A_223 : i32
      scf.if %cond3A_224 {
        %sub3A = arith.constant 1 : i32
        %sub3A_318 = arith.subi %mul3A_219, %sub3A : i32
        %mul3A_319 = arith.constant 56 : i32
        %mul3A_320 = arith.muli %sub3A_318, %mul3A_319 : i32
        %add3A_321 = arith.addi %mul3A_2, %mul3A_320 : i32
        %multiple_of3A_322 = tpu.assume_multiple %add3A_321, 8 : i32
        %dma_wait3A_323 = arith.constant 0 : i32
        %dma_wait3A_324 = tpu.memref_slice %arg6[%multiple_of3A_322, %dma_wait3A_323] : memref<160000x128xf32, #tpu.memory_space<hbm>> -> memref<56x128xf32, #tpu.memory_space<hbm>>
        %dma_wait3A_325 = arith.constant 0 : i32
        %dma_wait3A_326 = tpu.memref_slice %arg6[%multiple_of3A_322, %dma_wait3A_325] : memref<160000x128xf32, #tpu.memory_space<hbm>> -> memref<56x128xf32, #tpu.memory_space<hbm>>
        tpu.wait_dma2 semaphore(%arg26 : memref<!tpu.dma_semaphore, #tpu.memory_space<semaphore_mem>>) src(%arg19 : memref<56x128xf32, #tpu.memory_space<vmem>>) dst(%dma_wait3A_326 : memref<56x128xf32, #tpu.memory_space<hbm>>)
      } else {
      }
      %add3A_225 = arith.constant 1 : i32
      %add3A_226 = arith.addi %mul3A_219, %add3A_225 : i32
      %lt3A_227 = arith.constant 89 : i32
      %lt3A_228 = arith.cmpi slt, %add3A_226, %lt3A_227 : i32
      %convert_element_type3A_229 = arith.extui %lt3A_228 : i1 to i32
      %cond3A_230 = arith.constant 0 : i32
      %cond3A_231 = arith.cmpi ne, %convert_element_type3A_229, %cond3A_230 : i32
      scf.if %cond3A_231 {
        %dma_wait3A_318 = arith.constant 0 : i32
        %dma_wait3A_319 = tpu.memref_slice %arg5[%dma_wait3A_318] : memref<320000xi32, #tpu.memory_space<hbm>> -> memref<56xi32, #tpu.memory_space<hbm>>
        %dma_wait3A_320 = arith.constant 0 : i32
        %dma_wait3A_321 = tpu.memref_slice %arg5[%dma_wait3A_320] : memref<320000xi32, #tpu.memory_space<hbm>> -> memref<56xi32, #tpu.memory_space<hbm>>
        tpu.wait_dma2 semaphore(%arg22 : memref<!tpu.dma_semaphore, #tpu.memory_space<semaphore_mem>>) src(%dma_wait3A_321 : memref<56xi32, #tpu.memory_space<hbm>>) dst(%arg9 : memref<56xi32, #tpu.memory_space<vmem>>)
        %dma_wait3A_322 = arith.constant 0 : i32
        %dma_wait3A_323 = tpu.memref_slice %arg5[%dma_wait3A_322] : memref<320000xi32, #tpu.memory_space<hbm>> -> memref<56xi32, #tpu.memory_space<hbm>>
        %dma_wait3A_324 = arith.constant 0 : i32
        %dma_wait3A_325 = tpu.memref_slice %arg5[%dma_wait3A_324] : memref<320000xi32, #tpu.memory_space<hbm>> -> memref<56xi32, #tpu.memory_space<hbm>>
        tpu.wait_dma2 semaphore(%arg22 : memref<!tpu.dma_semaphore, #tpu.memory_space<semaphore_mem>>) src(%dma_wait3A_325 : memref<56xi32, #tpu.memory_space<hbm>>) dst(%arg11 : memref<56xi32, #tpu.memory_space<vmem>>)
        %add3A_326 = arith.constant 1 : i32
        %add3A_327 = arith.addi %mul3A_219, %add3A_326 : i32
        %mul3A_328 = arith.constant 56 : i32
        %mul3A_329 = arith.muli %add3A_327, %mul3A_328 : i32
        %add3A_330 = arith.addi %mul3A_2, %mul3A_329 : i32
        %multiple_of3A_331 = tpu.assume_multiple %add3A_330, 8 : i32
        %dma_start3A_332 = arith.constant 0 : i32
        %dma_start3A_333 = arith.constant 0 : i32
        %dma_start3A_334 = tpu.memref_slice %arg2[%dma_start3A_332, %dma_start3A_333] : memref<10000x128xf32, #tpu.memory_space<hbm>> -> memref<10000x128xf32, #tpu.memory_space<hbm>>
        tpu.enqueue_indirect_dma source(%dma_start3A_334 : memref<10000x128xf32, #tpu.memory_space<hbm>>) target(%arg15 : memref<56x128xf32, #tpu.memory_space<vmem>>) offsets(%arg9 : memref<56xi32, #tpu.memory_space<vmem>>) semaphore(%arg24 : memref<!tpu.dma_semaphore, #tpu.memory_space<semaphore_mem>>)
        %dma_start3A_335 = arith.constant 0 : i32
        %dma_start3A_336 = arith.constant 0 : i32
        %dma_start3A_337 = tpu.memref_slice %arg3[%dma_start3A_335, %dma_start3A_336] : memref<10000x128xf32, #tpu.memory_space<hbm>> -> memref<10000x128xf32, #tpu.memory_space<hbm>>
        tpu.enqueue_indirect_dma source(%dma_start3A_337 : memref<10000x128xf32, #tpu.memory_space<hbm>>) target(%arg17 : memref<56x128xf32, #tpu.memory_space<vmem>>) offsets(%arg11 : memref<56xi32, #tpu.memory_space<vmem>>) semaphore(%arg24 : memref<!tpu.dma_semaphore, #tpu.memory_space<semaphore_mem>>)
        %dma_start3A_338 = arith.constant 0 : i32
        %dma_start3A_339 = tpu.memref_slice %arg4[%multiple_of3A_331, %dma_start3A_338] : memref<160000x128xf32, #tpu.memory_space<hbm>> -> memref<56x128xf32, #tpu.memory_space<hbm>>
        %dma_start3A_340 = arith.constant 0 : i32
        %dma_start3A_341 = tpu.memref_slice %arg4[%multiple_of3A_331, %dma_start3A_340] : memref<160000x128xf32, #tpu.memory_space<hbm>> -> memref<56x128xf32, #tpu.memory_space<hbm>>
        tpu.enqueue_dma source(%dma_start3A_341 : memref<56x128xf32, #tpu.memory_space<hbm>>) target(%arg19 : memref<56x128xf32, #tpu.memory_space<vmem>>) target_semaphore(%arg24 : memref<!tpu.dma_semaphore, #tpu.memory_space<semaphore_mem>>)
      } else {
      }
      %mul3A_232 = arith.constant 56 : i32
      %mul3A_233 = arith.muli %mul3A_219, %mul3A_232 : i32
      %add3A_234 = arith.addi %mul3A_2, %mul3A_233 : i32
      %multiple_of3A_235 = tpu.assume_multiple %add3A_234, 8 : i32
      %dma_wait3A_236 = arith.constant 0 : i32
      %dma_wait3A_237 = arith.constant 0 : i32
      %dma_wait3A_238 = tpu.memref_slice %arg2[%dma_wait3A_236, %dma_wait3A_237] : memref<10000x128xf32, #tpu.memory_space<hbm>> -> memref<10000x128xf32, #tpu.memory_space<hbm>>
      tpu.wait_indirect_dma semaphore(%arg23 : memref<!tpu.dma_semaphore, #tpu.memory_space<semaphore_mem>>) src(%dma_wait3A_238 : memref<10000x128xf32, #tpu.memory_space<hbm>>) dst(%arg14 : memref<56x128xf32, #tpu.memory_space<vmem>>)
      %dma_wait3A_239 = arith.constant 0 : i32
      %dma_wait3A_240 = arith.constant 0 : i32
      %dma_wait3A_241 = tpu.memref_slice %arg3[%dma_wait3A_239, %dma_wait3A_240] : memref<10000x128xf32, #tpu.memory_space<hbm>> -> memref<10000x128xf32, #tpu.memory_space<hbm>>
      tpu.wait_indirect_dma semaphore(%arg23 : memref<!tpu.dma_semaphore, #tpu.memory_space<semaphore_mem>>) src(%dma_wait3A_241 : memref<10000x128xf32, #tpu.memory_space<hbm>>) dst(%arg16 : memref<56x128xf32, #tpu.memory_space<vmem>>)
      %dma_wait3A_242 = arith.constant 0 : i32
      %dma_wait3A_243 = tpu.memref_slice %arg4[%multiple_of3A_235, %dma_wait3A_242] : memref<160000x128xf32, #tpu.memory_space<hbm>> -> memref<56x128xf32, #tpu.memory_space<hbm>>
      %dma_wait3A_244 = arith.constant 0 : i32
      %dma_wait3A_245 = tpu.memref_slice %arg4[%multiple_of3A_235, %dma_wait3A_244] : memref<160000x128xf32, #tpu.memory_space<hbm>> -> memref<56x128xf32, #tpu.memory_space<hbm>>
      tpu.wait_dma2 semaphore(%arg23 : memref<!tpu.dma_semaphore, #tpu.memory_space<semaphore_mem>>) src(%dma_wait3A_245 : memref<56x128xf32, #tpu.memory_space<hbm>>) dst(%arg18 : memref<56x128xf32, #tpu.memory_space<vmem>>)
      %scan3A_246 = arith.constant 0 : i32
      %scan3A_247 = arith.constant 0 : i32
      %scan3A_248 = arith.constant 56 : i32
      %scan3A_249 = arith.addi %scan3A_247, %scan3A_248 : i32
      %scan3A_250 = arith.constant 1 : i32
      scf.for %scan3A_318 = %scan3A_247 to %scan3A_249 step %scan3A_250  : i32 {
        %get3A = arith.index_cast %scan3A_318 : i32 to index
        %get3A_319 = arith.constant 0 : index
        %get3A_320 = tpu.vector_load %arg14[%get3A, %get3A_319] {strides = array<i32>} : memref<56x128xf32, #tpu.memory_space<vmem>>, vector<1x16xf32>,
        %get3A_321 = vector.shape_cast %get3A_320 : vector<1x16xf32> to vector<16xf32>
        %get3A_322 = arith.index_cast %scan3A_318 : i32 to index
        %get3A_323 = arith.constant 0 : index
        %get3A_324 = tpu.vector_load %arg16[%get3A_322, %get3A_323] {strides = array<i32>} : memref<56x128xf32, #tpu.memory_space<vmem>>, vector<1x16xf32>,
        %get3A_325 = vector.shape_cast %get3A_324 : vector<1x16xf32> to vector<16xf32>
        %add3A_326 = arith.addf %get3A_321, %get3A_325 : vector<16xf32>
        %get3A_327 = arith.index_cast %scan3A_318 : i32 to index
        %get3A_328 = arith.constant 0 : index
        %get3A_329 = tpu.vector_load %arg18[%get3A_327, %get3A_328] {strides = array<i32>} : memref<56x128xf32, #tpu.memory_space<vmem>>, vector<1x16xf32>,
        %get3A_330 = vector.shape_cast %get3A_329 : vector<1x16xf32> to vector<16xf32>
        %add3A_331 = arith.addf %add3A_326, %get3A_330 : vector<16xf32>
        %max3A = arith.constant 0.000000e+00 : f32
        %max3A_332 = vector.broadcast %max3A : f32 to vector<16xf32>
        %max3A_333 = arith.maximumf %add3A_331, %max3A_332 : vector<16xf32>
        %swap3A = arith.index_cast %scan3A_318 : i32 to index
        %swap3A_334 = arith.constant 0 : index
        %swap3A_335 = tpu.vector_load %arg18[%swap3A, %swap3A_334] {strides = array<i32>} : memref<56x128xf32, #tpu.memory_space<vmem>>, vector<1x16xf32>,
        %swap3A_336 = vector.shape_cast %swap3A_335 : vector<1x16xf32> to vector<16xf32>
        %swap3A_337 = vector.shape_cast %max3A_333 : vector<16xf32> to vector<1x16xf32>
        tpu.vector_store %arg18[%swap3A, %swap3A_334], %swap3A_337 {strides = array<i32>} : memref<56x128xf32, #tpu.memory_space<vmem>>, vector<1x16xf32>,
        %get3A_338 = arith.index_cast %scan3A_318 : i32 to index
        %get3A_339 = arith.constant 16 : index
        %get3A_340 = tpu.vector_load %arg14[%get3A_338, %get3A_339] {strides = array<i32>} : memref<56x128xf32, #tpu.memory_space<vmem>>, vector<1x16xf32>,
        %get3A_341 = vector.shape_cast %get3A_340 : vector<1x16xf32> to vector<16xf32>
        %get3A_342 = arith.index_cast %scan3A_318 : i32 to index
        %get3A_343 = arith.constant 16 : index
        %get3A_344 = tpu.vector_load %arg16[%get3A_342, %get3A_343] {strides = array<i32>} : memref<56x128xf32, #tpu.memory_space<vmem>>, vector<1x16xf32>,
        %get3A_345 = vector.shape_cast %get3A_344 : vector<1x16xf32> to vector<16xf32>
        %add3A_346 = arith.addf %get3A_341, %get3A_345 : vector<16xf32>
        %get3A_347 = arith.index_cast %scan3A_318 : i32 to index
        %get3A_348 = arith.constant 16 : index
        %get3A_349 = tpu.vector_load %arg18[%get3A_347, %get3A_348] {strides = array<i32>} : memref<56x128xf32, #tpu.memory_space<vmem>>, vector<1x16xf32>,
        %get3A_350 = vector.shape_cast %get3A_349 : vector<1x16xf32> to vector<16xf32>
        %add3A_351 = arith.addf %add3A_346, %get3A_350 : vector<16xf32>
        %max3A_352 = arith.constant 0.000000e+00 : f32
        %max3A_353 = vector.broadcast %max3A_352 : f32 to vector<16xf32>
        %max3A_354 = arith.maximumf %add3A_351, %max3A_353 : vector<16xf32>
        %swap3A_355 = arith.index_cast %scan3A_318 : i32 to index
        %swap3A_356 = arith.constant 16 : index
        %swap3A_357 = tpu.vector_load %arg18[%swap3A_355, %swap3A_356] {strides = array<i32>} : memref<56x128xf32, #tpu.memory_space<vmem>>, vector<1x16xf32>,
        %swap3A_358 = vector.shape_cast %swap3A_357 : vector<1x16xf32> to vector<16xf32>
        %swap3A_359 = vector.shape_cast %max3A_354 : vector<16xf32> to vector<1x16xf32>
        tpu.vector_store %arg18[%swap3A_355, %swap3A_356], %swap3A_359 {strides = array<i32>} : memref<56x128xf32, #tpu.memory_space<vmem>>, vector<1x16xf32>,
        %get3A_360 = arith.index_cast %scan3A_318 : i32 to index
        %get3A_361 = arith.constant 32 : index
        %get3A_362 = tpu.vector_load %arg14[%get3A_360, %get3A_361] {strides = array<i32>} : memref<56x128xf32, #tpu.memory_space<vmem>>, vector<1x16xf32>,
        %get3A_363 = vector.shape_cast %get3A_362 : vector<1x16xf32> to vector<16xf32>
        %get3A_364 = arith.index_cast %scan3A_318 : i32 to index
        %get3A_365 = arith.constant 32 : index
        %get3A_366 = tpu.vector_load %arg16[%get3A_364, %get3A_365] {strides = array<i32>} : memref<56x128xf32, #tpu.memory_space<vmem>>, vector<1x16xf32>,
        %get3A_367 = vector.shape_cast %get3A_366 : vector<1x16xf32> to vector<16xf32>
        %add3A_368 = arith.addf %get3A_363, %get3A_367 : vector<16xf32>
        %get3A_369 = arith.index_cast %scan3A_318 : i32 to index
        %get3A_370 = arith.constant 32 : index
        %get3A_371 = tpu.vector_load %arg18[%get3A_369, %get3A_370] {strides = array<i32>} : memref<56x128xf32, #tpu.memory_space<vmem>>, vector<1x16xf32>,
        %get3A_372 = vector.shape_cast %get3A_371 : vector<1x16xf32> to vector<16xf32>
        %add3A_373 = arith.addf %add3A_368, %get3A_372 : vector<16xf32>
        %max3A_374 = arith.constant 0.000000e+00 : f32
        %max3A_375 = vector.broadcast %max3A_374 : f32 to vector<16xf32>
        %max3A_376 = arith.maximumf %add3A_373, %max3A_375 : vector<16xf32>
        %swap3A_377 = arith.index_cast %scan3A_318 : i32 to index
        %swap3A_378 = arith.constant 32 : index
        %swap3A_379 = tpu.vector_load %arg18[%swap3A_377, %swap3A_378] {strides = array<i32>} : memref<56x128xf32, #tpu.memory_space<vmem>>, vector<1x16xf32>,
        %swap3A_380 = vector.shape_cast %swap3A_379 : vector<1x16xf32> to vector<16xf32>
        %swap3A_381 = vector.shape_cast %max3A_376 : vector<16xf32> to vector<1x16xf32>
        tpu.vector_store %arg18[%swap3A_377, %swap3A_378], %swap3A_381 {strides = array<i32>} : memref<56x128xf32, #tpu.memory_space<vmem>>, vector<1x16xf32>,
        %get3A_382 = arith.index_cast %scan3A_318 : i32 to index
        %get3A_383 = arith.constant 48 : index
        %get3A_384 = tpu.vector_load %arg14[%get3A_382, %get3A_383] {strides = array<i32>} : memref<56x128xf32, #tpu.memory_space<vmem>>, vector<1x16xf32>,
        %get3A_385 = vector.shape_cast %get3A_384 : vector<1x16xf32> to vector<16xf32>
        %get3A_386 = arith.index_cast %scan3A_318 : i32 to index
        %get3A_387 = arith.constant 48 : index
        %get3A_388 = tpu.vector_load %arg16[%get3A_386, %get3A_387] {strides = array<i32>} : memref<56x128xf32, #tpu.memory_space<vmem>>, vector<1x16xf32>,
        %get3A_389 = vector.shape_cast %get3A_388 : vector<1x16xf32> to vector<16xf32>
        %add3A_390 = arith.addf %get3A_385, %get3A_389 : vector<16xf32>
        %get3A_391 = arith.index_cast %scan3A_318 : i32 to index
        %get3A_392 = arith.constant 48 : index
        %get3A_393 = tpu.vector_load %arg18[%get3A_391, %get3A_392] {strides = array<i32>} : memref<56x128xf32, #tpu.memory_space<vmem>>, vector<1x16xf32>,
        %get3A_394 = vector.shape_cast %get3A_393 : vector<1x16xf32> to vector<16xf32>
        %add3A_395 = arith.addf %add3A_390, %get3A_394 : vector<16xf32>
        %max3A_396 = arith.constant 0.000000e+00 : f32
        %max3A_397 = vector.broadcast %max3A_396 : f32 to vector<16xf32>
        %max3A_398 = arith.maximumf %add3A_395, %max3A_397 : vector<16xf32>
        %swap3A_399 = arith.index_cast %scan3A_318 : i32 to index
        %swap3A_400 = arith.constant 48 : index
        %swap3A_401 = tpu.vector_load %arg18[%swap3A_399, %swap3A_400] {strides = array<i32>} : memref<56x128xf32, #tpu.memory_space<vmem>>, vector<1x16xf32>,
        %swap3A_402 = vector.shape_cast %swap3A_401 : vector<1x16xf32> to vector<16xf32>
        %swap3A_403 = vector.shape_cast %max3A_398 : vector<16xf32> to vector<1x16xf32>
        tpu.vector_store %arg18[%swap3A_399, %swap3A_400], %swap3A_403 {strides = array<i32>} : memref<56x128xf32, #tpu.memory_space<vmem>>, vector<1x16xf32>,
        %get3A_404 = arith.index_cast %scan3A_318 : i32 to index
        %get3A_405 = arith.constant 64 : index
        %get3A_406 = tpu.vector_load %arg14[%get3A_404, %get3A_405] {strides = array<i32>} : memref<56x128xf32, #tpu.memory_space<vmem>>, vector<1x16xf32>,
        %get3A_407 = vector.shape_cast %get3A_406 : vector<1x16xf32> to vector<16xf32>
        %get3A_408 = arith.index_cast %scan3A_318 : i32 to index
        %get3A_409 = arith.constant 64 : index
        %get3A_410 = tpu.vector_load %arg16[%get3A_408, %get3A_409] {strides = array<i32>} : memref<56x128xf32, #tpu.memory_space<vmem>>, vector<1x16xf32>,
        %get3A_411 = vector.shape_cast %get3A_410 : vector<1x16xf32> to vector<16xf32>
        %add3A_412 = arith.addf %get3A_407, %get3A_411 : vector<16xf32>
        %get3A_413 = arith.index_cast %scan3A_318 : i32 to index
        %get3A_414 = arith.constant 64 : index
        %get3A_415 = tpu.vector_load %arg18[%get3A_413, %get3A_414] {strides = array<i32>} : memref<56x128xf32, #tpu.memory_space<vmem>>, vector<1x16xf32>,
        %get3A_416 = vector.shape_cast %get3A_415 : vector<1x16xf32> to vector<16xf32>
        %add3A_417 = arith.addf %add3A_412, %get3A_416 : vector<16xf32>
        %max3A_418 = arith.constant 0.000000e+00 : f32
        %max3A_419 = vector.broadcast %max3A_418 : f32 to vector<16xf32>
        %max3A_420 = arith.maximumf %add3A_417, %max3A_419 : vector<16xf32>
        %swap3A_421 = arith.index_cast %scan3A_318 : i32 to index
        %swap3A_422 = arith.constant 64 : index
        %swap3A_423 = tpu.vector_load %arg18[%swap3A_421, %swap3A_422] {strides = array<i32>} : memref<56x128xf32, #tpu.memory_space<vmem>>, vector<1x16xf32>,
        %swap3A_424 = vector.shape_cast %swap3A_423 : vector<1x16xf32> to vector<16xf32>
        %swap3A_425 = vector.shape_cast %max3A_420 : vector<16xf32> to vector<1x16xf32>
        tpu.vector_store %arg18[%swap3A_421, %swap3A_422], %swap3A_425 {strides = array<i32>} : memref<56x128xf32, #tpu.memory_space<vmem>>, vector<1x16xf32>,
        %get3A_426 = arith.index_cast %scan3A_318 : i32 to index
        %get3A_427 = arith.constant 80 : index
        %get3A_428 = tpu.vector_load %arg14[%get3A_426, %get3A_427] {strides = array<i32>} : memref<56x128xf32, #tpu.memory_space<vmem>>, vector<1x16xf32>,
        %get3A_429 = vector.shape_cast %get3A_428 : vector<1x16xf32> to vector<16xf32>
        %get3A_430 = arith.index_cast %scan3A_318 : i32 to index
        %get3A_431 = arith.constant 80 : index
        %get3A_432 = tpu.vector_load %arg16[%get3A_430, %get3A_431] {strides = array<i32>} : memref<56x128xf32, #tpu.memory_space<vmem>>, vector<1x16xf32>,
        %get3A_433 = vector.shape_cast %get3A_432 : vector<1x16xf32> to vector<16xf32>
        %add3A_434 = arith.addf %get3A_429, %get3A_433 : vector<16xf32>
        %get3A_435 = arith.index_cast %scan3A_318 : i32 to index
        %get3A_436 = arith.constant 80 : index
        %get3A_437 = tpu.vector_load %arg18[%get3A_435, %get3A_436] {strides = array<i32>} : memref<56x128xf32, #tpu.memory_space<vmem>>, vector<1x16xf32>,
        %get3A_438 = vector.shape_cast %get3A_437 : vector<1x16xf32> to vector<16xf32>
        %add3A_439 = arith.addf %add3A_434, %get3A_438 : vector<16xf32>
        %max3A_440 = arith.constant 0.000000e+00 : f32
        %max3A_441 = vector.broadcast %max3A_440 : f32 to vector<16xf32>
        %max3A_442 = arith.maximumf %add3A_439, %max3A_441 : vector<16xf32>
        %swap3A_443 = arith.index_cast %scan3A_318 : i32 to index
        %swap3A_444 = arith.constant 80 : index
        %swap3A_445 = tpu.vector_load %arg18[%swap3A_443, %swap3A_444] {strides = array<i32>} : memref<56x128xf32, #tpu.memory_space<vmem>>, vector<1x16xf32>,
        %swap3A_446 = vector.shape_cast %swap3A_445 : vector<1x16xf32> to vector<16xf32>
        %swap3A_447 = vector.shape_cast %max3A_442 : vector<16xf32> to vector<1x16xf32>
        tpu.vector_store %arg18[%swap3A_443, %swap3A_444], %swap3A_447 {strides = array<i32>} : memref<56x128xf32, #tpu.memory_space<vmem>>, vector<1x16xf32>,
        %get3A_448 = arith.index_cast %scan3A_318 : i32 to index
        %get3A_449 = arith.constant 96 : index
        %get3A_450 = tpu.vector_load %arg14[%get3A_448, %get3A_449] {strides = array<i32>} : memref<56x128xf32, #tpu.memory_space<vmem>>, vector<1x16xf32>,
        %get3A_451 = vector.shape_cast %get3A_450 : vector<1x16xf32> to vector<16xf32>
        %get3A_452 = arith.index_cast %scan3A_318 : i32 to index
        %get3A_453 = arith.constant 96 : index
        %get3A_454 = tpu.vector_load %arg16[%get3A_452, %get3A_453] {strides = array<i32>} : memref<56x128xf32, #tpu.memory_space<vmem>>, vector<1x16xf32>,
        %get3A_455 = vector.shape_cast %get3A_454 : vector<1x16xf32> to vector<16xf32>
        %add3A_456 = arith.addf %get3A_451, %get3A_455 : vector<16xf32>
        %get3A_457 = arith.index_cast %scan3A_318 : i32 to index
        %get3A_458 = arith.constant 96 : index
        %get3A_459 = tpu.vector_load %arg18[%get3A_457, %get3A_458] {strides = array<i32>} : memref<56x128xf32, #tpu.memory_space<vmem>>, vector<1x16xf32>,
        %get3A_460 = vector.shape_cast %get3A_459 : vector<1x16xf32> to vector<16xf32>
        %add3A_461 = arith.addf %add3A_456, %get3A_460 : vector<16xf32>
        %max3A_462 = arith.constant 0.000000e+00 : f32
        %max3A_463 = vector.broadcast %max3A_462 : f32 to vector<16xf32>
        %max3A_464 = arith.maximumf %add3A_461, %max3A_463 : vector<16xf32>
        %swap3A_465 = arith.index_cast %scan3A_318 : i32 to index
        %swap3A_466 = arith.constant 96 : index
        %swap3A_467 = tpu.vector_load %arg18[%swap3A_465, %swap3A_466] {strides = array<i32>} : memref<56x128xf32, #tpu.memory_space<vmem>>, vector<1x16xf32>,
        %swap3A_468 = vector.shape_cast %swap3A_467 : vector<1x16xf32> to vector<16xf32>
        %swap3A_469 = vector.shape_cast %max3A_464 : vector<16xf32> to vector<1x16xf32>
        tpu.vector_store %arg18[%swap3A_465, %swap3A_466], %swap3A_469 {strides = array<i32>} : memref<56x128xf32, #tpu.memory_space<vmem>>, vector<1x16xf32>,
        %get3A_470 = arith.index_cast %scan3A_318 : i32 to index
        %get3A_471 = arith.constant 112 : index
        %get3A_472 = tpu.vector_load %arg14[%get3A_470, %get3A_471] {strides = array<i32>} : memref<56x128xf32, #tpu.memory_space<vmem>>, vector<1x16xf32>,
        %get3A_473 = vector.shape_cast %get3A_472 : vector<1x16xf32> to vector<16xf32>
        %get3A_474 = arith.index_cast %scan3A_318 : i32 to index
        %get3A_475 = arith.constant 112 : index
        %get3A_476 = tpu.vector_load %arg16[%get3A_474, %get3A_475] {strides = array<i32>} : memref<56x128xf32, #tpu.memory_space<vmem>>, vector<1x16xf32>,
        %get3A_477 = vector.shape_cast %get3A_476 : vector<1x16xf32> to vector<16xf32>
        %add3A_478 = arith.addf %get3A_473, %get3A_477 : vector<16xf32>
        %get3A_479 = arith.index_cast %scan3A_318 : i32 to index
        %get3A_480 = arith.constant 112 : index
        %get3A_481 = tpu.vector_load %arg18[%get3A_479, %get3A_480] {strides = array<i32>} : memref<56x128xf32, #tpu.memory_space<vmem>>, vector<1x16xf32>,
        %get3A_482 = vector.shape_cast %get3A_481 : vector<1x16xf32> to vector<16xf32>
        %add3A_483 = arith.addf %add3A_478, %get3A_482 : vector<16xf32>
        %max3A_484 = arith.constant 0.000000e+00 : f32
        %max3A_485 = vector.broadcast %max3A_484 : f32 to vector<16xf32>
        %max3A_486 = arith.maximumf %add3A_483, %max3A_485 : vector<16xf32>
        %swap3A_487 = arith.index_cast %scan3A_318 : i32 to index
        %swap3A_488 = arith.constant 112 : index
        %swap3A_489 = tpu.vector_load %arg18[%swap3A_487, %swap3A_488] {strides = array<i32>} : memref<56x128xf32, #tpu.memory_space<vmem>>, vector<1x16xf32>,
        %swap3A_490 = vector.shape_cast %swap3A_489 : vector<1x16xf32> to vector<16xf32>
        %swap3A_491 = vector.shape_cast %max3A_486 : vector<16xf32> to vector<1x16xf32>
        tpu.vector_store %arg18[%swap3A_487, %swap3A_488], %swap3A_491 {strides = array<i32>} : memref<56x128xf32, #tpu.memory_space<vmem>>, vector<1x16xf32>,
      }
      %scan3A_251 = arith.constant 56 : i32
      %mul3A_252 = arith.constant 56 : i32
      %mul3A_253 = arith.muli %mul3A_219, %mul3A_252 : i32
      %add3A_254 = arith.addi %mul3A_2, %mul3A_253 : i32
      %multiple_of3A_255 = tpu.assume_multiple %add3A_254, 8 : i32
      %dma_start3A_256 = arith.constant 0 : i32
      %dma_start3A_257 = tpu.memref_slice %arg6[%multiple_of3A_255, %dma_start3A_256] : memref<160000x128xf32, #tpu.memory_space<hbm>> -> memref<56x128xf32, #tpu.memory_space<hbm>>
      %dma_start3A_258 = arith.constant 0 : i32
      %dma_start3A_259 = tpu.memref_slice %arg6[%multiple_of3A_255, %dma_start3A_258] : memref<160000x128xf32, #tpu.memory_space<hbm>> -> memref<56x128xf32, #tpu.memory_space<hbm>>
      tpu.enqueue_dma source(%arg18 : memref<56x128xf32, #tpu.memory_space<vmem>>) target(%dma_start3A_259 : memref<56x128xf32, #tpu.memory_space<hbm>>) target_semaphore(%arg25 : memref<!tpu.dma_semaphore, #tpu.memory_space<semaphore_mem>>)
      "tpu.region"() ({
        %run_scoped3A = tpu.sem_alloc : memref<!tpu.dma_semaphore, #tpu.memory_space<semaphore_mem>>
        %dma_start3A_318 = arith.constant 0 : i32
        %dma_start3A_319 = arith.constant 0 : i32
        %dma_start3A_320 = tpu.memref_slice %arg20[%dma_start3A_318, %dma_start3A_319] : memref<10240x128xf32, #tpu.memory_space<vmem_shared>> -> memref<10240x128xf32, #tpu.memory_space<vmem_shared>>
        tpu.enqueue_indirect_dma source(%arg18 : memref<56x128xf32, #tpu.memory_space<vmem>>) target(%dma_start3A_320 : memref<10240x128xf32, #tpu.memory_space<vmem_shared>>) offsets(%arg10 : memref<56xi32, #tpu.memory_space<vmem>>) semaphore(%run_scoped3A : memref<!tpu.dma_semaphore, #tpu.memory_space<semaphore_mem>>) {add = true}
        %dma_wait3A_321 = arith.constant 0 : i32
        %dma_wait3A_322 = arith.constant 0 : i32
        %dma_wait3A_323 = tpu.memref_slice %arg20[%dma_wait3A_321, %dma_wait3A_322] : memref<10240x128xf32, #tpu.memory_space<vmem_shared>> -> memref<10240x128xf32, #tpu.memory_space<vmem_shared>>
        tpu.wait_indirect_dma semaphore(%run_scoped3A : memref<!tpu.dma_semaphore, #tpu.memory_space<semaphore_mem>>) src(%arg18 : memref<56x128xf32, #tpu.memory_space<vmem>>) dst(%dma_wait3A_323 : memref<10240x128xf32, #tpu.memory_space<vmem_shared>>)
        tpu.yield
      }) : () -> ()
      %add3A_260 = arith.constant 2 : i32
      %add3A_261 = arith.addi %mul3A_219, %add3A_260 : i32
      %lt3A_262 = arith.constant 89 : i32
      %lt3A_263 = arith.cmpi slt, %add3A_261, %lt3A_262 : i32
      %convert_element_type3A_264 = arith.extui %lt3A_263 : i1 to i32
      %cond3A_265 = arith.constant 0 : i32
      %cond3A_266 = arith.cmpi ne, %convert_element_type3A_264, %cond3A_265 : i32
      scf.if %cond3A_266 {
        %add3A_318 = arith.constant 2 : i32
        %add3A_319 = arith.addi %mul3A_219, %add3A_318 : i32
        %mul3A_320 = arith.constant 56 : i32
        %mul3A_321 = arith.muli %add3A_319, %mul3A_320 : i32
        %add3A_322 = arith.addi %mul3A_2, %mul3A_321 : i32
        %multiple_of3A_323 = tpu.assume_multiple %add3A_322, 8 : i32
        %dma_start3A_324 = tpu.memref_slice %arg5[%multiple_of3A_323] : memref<320000xi32, #tpu.memory_space<hbm>> -> memref<56xi32, #tpu.memory_space<hbm>>
        %dma_start3A_325 = tpu.memref_slice %arg5[%multiple_of3A_323] : memref<320000xi32, #tpu.memory_space<hbm>> -> memref<56xi32, #tpu.memory_space<hbm>>
        tpu.enqueue_dma source(%dma_start3A_325 : memref<56xi32, #tpu.memory_space<hbm>>) target(%arg8 : memref<56xi32, #tpu.memory_space<vmem>>) target_semaphore(%arg21 : memref<!tpu.dma_semaphore, #tpu.memory_space<semaphore_mem>>)
        %add3A_326 = arith.constant 160000 : i32
        %add3A_327 = arith.addi %add3A_326, %multiple_of3A_323 : i32
        %dma_start3A_328 = tpu.memref_slice %arg5[%add3A_327] : memref<320000xi32, #tpu.memory_space<hbm>> -> memref<56xi32, #tpu.memory_space<hbm>>
        %dma_start3A_329 = tpu.memref_slice %arg5[%add3A_327] : memref<320000xi32, #tpu.memory_space<hbm>> -> memref<56xi32, #tpu.memory_space<hbm>>
        tpu.enqueue_dma source(%dma_start3A_329 : memref<56xi32, #tpu.memory_space<hbm>>) target(%arg10 : memref<56xi32, #tpu.memory_space<vmem>>) target_semaphore(%arg21 : memref<!tpu.dma_semaphore, #tpu.memory_space<semaphore_mem>>)
      } else {
      }
      %mul3A_267 = arith.constant 2 : i32
      %mul3A_268 = arith.muli %mul3A_267, %scan3A_217 : i32
      %add3A_269 = arith.constant 1 : i32
      %add3A_270 = arith.addi %mul3A_268, %add3A_269 : i32
      %ge3A_271 = arith.constant 1 : i32
      %ge3A_272 = arith.cmpi sge, %add3A_270, %ge3A_271 : i32
      %convert_element_type3A_273 = arith.extui %ge3A_272 : i1 to i32
      %cond3A_274 = arith.constant 0 : i32
      %cond3A_275 = arith.cmpi ne, %convert_element_type3A_273, %cond3A_274 : i32
      scf.if %cond3A_275 {
        %sub3A = arith.constant 1 : i32
        %sub3A_318 = arith.subi %add3A_270, %sub3A : i32
        %mul3A_319 = arith.constant 56 : i32
        %mul3A_320 = arith.muli %sub3A_318, %mul3A_319 : i32
        %add3A_321 = arith.addi %mul3A_2, %mul3A_320 : i32
        %multiple_of3A_322 = tpu.assume_multiple %add3A_321, 8 : i32
        %dma_wait3A_323 = arith.constant 0 : i32
        %dma_wait3A_324 = tpu.memref_slice %arg6[%multiple_of3A_322, %dma_wait3A_323] : memref<160000x128xf32, #tpu.memory_space<hbm>> -> memref<56x128xf32, #tpu.memory_space<hbm>>
        %dma_wait3A_325 = arith.constant 0 : i32
        %dma_wait3A_326 = tpu.memref_slice %arg6[%multiple_of3A_322, %dma_wait3A_325] : memref<160000x128xf32, #tpu.memory_space<hbm>> -> memref<56x128xf32, #tpu.memory_space<hbm>>
        tpu.wait_dma2 semaphore(%arg25 : memref<!tpu.dma_semaphore, #tpu.memory_space<semaphore_mem>>) src(%arg18 : memref<56x128xf32, #tpu.memory_space<vmem>>) dst(%dma_wait3A_326 : memref<56x128xf32, #tpu.memory_space<hbm>>)
      } else {
      }
      %add3A_276 = arith.constant 1 : i32
      %add3A_277 = arith.addi %add3A_270, %add3A_276 : i32
      %lt3A_278 = arith.constant 89 : i32
      %lt3A_279 = arith.cmpi slt, %add3A_277, %lt3A_278 : i32
      %convert_element_type3A_280 = arith.extui %lt3A_279 : i1 to i32
      %cond3A_281 = arith.constant 0 : i32
      %cond3A_282 = arith.cmpi ne, %convert_element_type3A_280, %cond3A_281 : i32
      scf.if %cond3A_282 {
        %dma_wait3A_318 = arith.constant 0 : i32
        %dma_wait3A_319 = tpu.memref_slice %arg5[%dma_wait3A_318] : memref<320000xi32, #tpu.memory_space<hbm>> -> memref<56xi32, #tpu.memory_space<hbm>>
        %dma_wait3A_320 = arith.constant 0 : i32
        %dma_wait3A_321 = tpu.memref_slice %arg5[%dma_wait3A_320] : memref<320000xi32, #tpu.memory_space<hbm>> -> memref<56xi32, #tpu.memory_space<hbm>>
        tpu.wait_dma2 semaphore(%arg21 : memref<!tpu.dma_semaphore, #tpu.memory_space<semaphore_mem>>) src(%dma_wait3A_321 : memref<56xi32, #tpu.memory_space<hbm>>) dst(%arg8 : memref<56xi32, #tpu.memory_space<vmem>>)
        %dma_wait3A_322 = arith.constant 0 : i32
        %dma_wait3A_323 = tpu.memref_slice %arg5[%dma_wait3A_322] : memref<320000xi32, #tpu.memory_space<hbm>> -> memref<56xi32, #tpu.memory_space<hbm>>
        %dma_wait3A_324 = arith.constant 0 : i32
        %dma_wait3A_325 = tpu.memref_slice %arg5[%dma_wait3A_324] : memref<320000xi32, #tpu.memory_space<hbm>> -> memref<56xi32, #tpu.memory_space<hbm>>
        tpu.wait_dma2 semaphore(%arg21 : memref<!tpu.dma_semaphore, #tpu.memory_space<semaphore_mem>>) src(%dma_wait3A_325 : memref<56xi32, #tpu.memory_space<hbm>>) dst(%arg10 : memref<56xi32, #tpu.memory_space<vmem>>)
        %add3A_326 = arith.constant 1 : i32
        %add3A_327 = arith.addi %add3A_270, %add3A_326 : i32
        %mul3A_328 = arith.constant 56 : i32
        %mul3A_329 = arith.muli %add3A_327, %mul3A_328 : i32
        %add3A_330 = arith.addi %mul3A_2, %mul3A_329 : i32
        %multiple_of3A_331 = tpu.assume_multiple %add3A_330, 8 : i32
        %dma_start3A_332 = arith.constant 0 : i32
        %dma_start3A_333 = arith.constant 0 : i32
        %dma_start3A_334 = tpu.memref_slice %arg2[%dma_start3A_332, %dma_start3A_333] : memref<10000x128xf32, #tpu.memory_space<hbm>> -> memref<10000x128xf32, #tpu.memory_space<hbm>>
        tpu.enqueue_indirect_dma source(%dma_start3A_334 : memref<10000x128xf32, #tpu.memory_space<hbm>>) target(%arg14 : memref<56x128xf32, #tpu.memory_space<vmem>>) offsets(%arg8 : memref<56xi32, #tpu.memory_space<vmem>>) semaphore(%arg23 : memref<!tpu.dma_semaphore, #tpu.memory_space<semaphore_mem>>)
        %dma_start3A_335 = arith.constant 0 : i32
        %dma_start3A_336 = arith.constant 0 : i32
        %dma_start3A_337 = tpu.memref_slice %arg3[%dma_start3A_335, %dma_start3A_336] : memref<10000x128xf32, #tpu.memory_space<hbm>> -> memref<10000x128xf32, #tpu.memory_space<hbm>>
        tpu.enqueue_indirect_dma source(%dma_start3A_337 : memref<10000x128xf32, #tpu.memory_space<hbm>>) target(%arg16 : memref<56x128xf32, #tpu.memory_space<vmem>>) offsets(%arg10 : memref<56xi32, #tpu.memory_space<vmem>>) semaphore(%arg23 : memref<!tpu.dma_semaphore, #tpu.memory_space<semaphore_mem>>)
        %dma_start3A_338 = arith.constant 0 : i32
        %dma_start3A_339 = tpu.memref_slice %arg4[%multiple_of3A_331, %dma_start3A_338] : memref<160000x128xf32, #tpu.memory_space<hbm>> -> memref<56x128xf32, #tpu.memory_space<hbm>>
        %dma_start3A_340 = arith.constant 0 : i32
        %dma_start3A_341 = tpu.memref_slice %arg4[%multiple_of3A_331, %dma_start3A_340] : memref<160000x128xf32, #tpu.memory_space<hbm>> -> memref<56x128xf32, #tpu.memory_space<hbm>>
        tpu.enqueue_dma source(%dma_start3A_341 : memref<56x128xf32, #tpu.memory_space<hbm>>) target(%arg18 : memref<56x128xf32, #tpu.memory_space<vmem>>) target_semaphore(%arg23 : memref<!tpu.dma_semaphore, #tpu.memory_space<semaphore_mem>>)
      } else {
      }
      %mul3A_283 = arith.constant 56 : i32
      %mul3A_284 = arith.muli %add3A_270, %mul3A_283 : i32
      %add3A_285 = arith.addi %mul3A_2, %mul3A_284 : i32
      %multiple_of3A_286 = tpu.assume_multiple %add3A_285, 8 : i32
      %dma_wait3A_287 = arith.constant 0 : i32
      %dma_wait3A_288 = arith.constant 0 : i32
      %dma_wait3A_289 = tpu.memref_slice %arg2[%dma_wait3A_287, %dma_wait3A_288] : memref<10000x128xf32, #tpu.memory_space<hbm>> -> memref<10000x128xf32, #tpu.memory_space<hbm>>
      tpu.wait_indirect_dma semaphore(%arg24 : memref<!tpu.dma_semaphore, #tpu.memory_space<semaphore_mem>>) src(%dma_wait3A_289 : memref<10000x128xf32, #tpu.memory_space<hbm>>) dst(%arg15 : memref<56x128xf32, #tpu.memory_space<vmem>>)
      %dma_wait3A_290 = arith.constant 0 : i32
      %dma_wait3A_291 = arith.constant 0 : i32
      %dma_wait3A_292 = tpu.memref_slice %arg3[%dma_wait3A_290, %dma_wait3A_291] : memref<10000x128xf32, #tpu.memory_space<hbm>> -> memref<10000x128xf32, #tpu.memory_space<hbm>>
      tpu.wait_indirect_dma semaphore(%arg24 : memref<!tpu.dma_semaphore, #tpu.memory_space<semaphore_mem>>) src(%dma_wait3A_292 : memref<10000x128xf32, #tpu.memory_space<hbm>>) dst(%arg17 : memref<56x128xf32, #tpu.memory_space<vmem>>)
      %dma_wait3A_293 = arith.constant 0 : i32
      %dma_wait3A_294 = tpu.memref_slice %arg4[%multiple_of3A_286, %dma_wait3A_293] : memref<160000x128xf32, #tpu.memory_space<hbm>> -> memref<56x128xf32, #tpu.memory_space<hbm>>
      %dma_wait3A_295 = arith.constant 0 : i32
      %dma_wait3A_296 = tpu.memref_slice %arg4[%multiple_of3A_286, %dma_wait3A_295] : memref<160000x128xf32, #tpu.memory_space<hbm>> -> memref<56x128xf32, #tpu.memory_space<hbm>>
      tpu.wait_dma2 semaphore(%arg24 : memref<!tpu.dma_semaphore, #tpu.memory_space<semaphore_mem>>) src(%dma_wait3A_296 : memref<56x128xf32, #tpu.memory_space<hbm>>) dst(%arg19 : memref<56x128xf32, #tpu.memory_space<vmem>>)
      %scan3A_297 = arith.constant 0 : i32
      %scan3A_298 = arith.constant 0 : i32
      %scan3A_299 = arith.constant 56 : i32
      %scan3A_300 = arith.addi %scan3A_298, %scan3A_299 : i32
      %scan3A_301 = arith.constant 1 : i32
      scf.for %scan3A_318 = %scan3A_298 to %scan3A_300 step %scan3A_301  : i32 {
        %get3A = arith.index_cast %scan3A_318 : i32 to index
        %get3A_319 = arith.constant 0 : index
        %get3A_320 = tpu.vector_load %arg15[%get3A, %get3A_319] {strides = array<i32>} : memref<56x128xf32, #tpu.memory_space<vmem>>, vector<1x16xf32>,
        %get3A_321 = vector.shape_cast %get3A_320 : vector<1x16xf32> to vector<16xf32>
        %get3A_322 = arith.index_cast %scan3A_318 : i32 to index
        %get3A_323 = arith.constant 0 : index
        %get3A_324 = tpu.vector_load %arg17[%get3A_322, %get3A_323] {strides = array<i32>} : memref<56x128xf32, #tpu.memory_space<vmem>>, vector<1x16xf32>,
        %get3A_325 = vector.shape_cast %get3A_324 : vector<1x16xf32> to vector<16xf32>
        %add3A_326 = arith.addf %get3A_321, %get3A_325 : vector<16xf32>
        %get3A_327 = arith.index_cast %scan3A_318 : i32 to index
        %get3A_328 = arith.constant 0 : index
        %get3A_329 = tpu.vector_load %arg19[%get3A_327, %get3A_328] {strides = array<i32>} : memref<56x128xf32, #tpu.memory_space<vmem>>, vector<1x16xf32>,
        %get3A_330 = vector.shape_cast %get3A_329 : vector<1x16xf32> to vector<16xf32>
        %add3A_331 = arith.addf %add3A_326, %get3A_330 : vector<16xf32>
        %max3A = arith.constant 0.000000e+00 : f32
        %max3A_332 = vector.broadcast %max3A : f32 to vector<16xf32>
        %max3A_333 = arith.maximumf %add3A_331, %max3A_332 : vector<16xf32>
        %swap3A = arith.index_cast %scan3A_318 : i32 to index
        %swap3A_334 = arith.constant 0 : index
        %swap3A_335 = tpu.vector_load %arg19[%swap3A, %swap3A_334] {strides = array<i32>} : memref<56x128xf32, #tpu.memory_space<vmem>>, vector<1x16xf32>,
        %swap3A_336 = vector.shape_cast %swap3A_335 : vector<1x16xf32> to vector<16xf32>
        %swap3A_337 = vector.shape_cast %max3A_333 : vector<16xf32> to vector<1x16xf32>
        tpu.vector_store %arg19[%swap3A, %swap3A_334], %swap3A_337 {strides = array<i32>} : memref<56x128xf32, #tpu.memory_space<vmem>>, vector<1x16xf32>,
        %get3A_338 = arith.index_cast %scan3A_318 : i32 to index
        %get3A_339 = arith.constant 16 : index
        %get3A_340 = tpu.vector_load %arg15[%get3A_338, %get3A_339] {strides = array<i32>} : memref<56x128xf32, #tpu.memory_space<vmem>>, vector<1x16xf32>,
        %get3A_341 = vector.shape_cast %get3A_340 : vector<1x16xf32> to vector<16xf32>
        %get3A_342 = arith.index_cast %scan3A_318 : i32 to index
        %get3A_343 = arith.constant 16 : index
        %get3A_344 = tpu.vector_load %arg17[%get3A_342, %get3A_343] {strides = array<i32>} : memref<56x128xf32, #tpu.memory_space<vmem>>, vector<1x16xf32>,
        %get3A_345 = vector.shape_cast %get3A_344 : vector<1x16xf32> to vector<16xf32>
        %add3A_346 = arith.addf %get3A_341, %get3A_345 : vector<16xf32>
        %get3A_347 = arith.index_cast %scan3A_318 : i32 to index
        %get3A_348 = arith.constant 16 : index
        %get3A_349 = tpu.vector_load %arg19[%get3A_347, %get3A_348] {strides = array<i32>} : memref<56x128xf32, #tpu.memory_space<vmem>>, vector<1x16xf32>,
        %get3A_350 = vector.shape_cast %get3A_349 : vector<1x16xf32> to vector<16xf32>
        %add3A_351 = arith.addf %add3A_346, %get3A_350 : vector<16xf32>
        %max3A_352 = arith.constant 0.000000e+00 : f32
        %max3A_353 = vector.broadcast %max3A_352 : f32 to vector<16xf32>
        %max3A_354 = arith.maximumf %add3A_351, %max3A_353 : vector<16xf32>
        %swap3A_355 = arith.index_cast %scan3A_318 : i32 to index
        %swap3A_356 = arith.constant 16 : index
        %swap3A_357 = tpu.vector_load %arg19[%swap3A_355, %swap3A_356] {strides = array<i32>} : memref<56x128xf32, #tpu.memory_space<vmem>>, vector<1x16xf32>,
        %swap3A_358 = vector.shape_cast %swap3A_357 : vector<1x16xf32> to vector<16xf32>
        %swap3A_359 = vector.shape_cast %max3A_354 : vector<16xf32> to vector<1x16xf32>
        tpu.vector_store %arg19[%swap3A_355, %swap3A_356], %swap3A_359 {strides = array<i32>} : memref<56x128xf32, #tpu.memory_space<vmem>>, vector<1x16xf32>,
        %get3A_360 = arith.index_cast %scan3A_318 : i32 to index
        %get3A_361 = arith.constant 32 : index
        %get3A_362 = tpu.vector_load %arg15[%get3A_360, %get3A_361] {strides = array<i32>} : memref<56x128xf32, #tpu.memory_space<vmem>>, vector<1x16xf32>,
        %get3A_363 = vector.shape_cast %get3A_362 : vector<1x16xf32> to vector<16xf32>
        %get3A_364 = arith.index_cast %scan3A_318 : i32 to index
        %get3A_365 = arith.constant 32 : index
        %get3A_366 = tpu.vector_load %arg17[%get3A_364, %get3A_365] {strides = array<i32>} : memref<56x128xf32, #tpu.memory_space<vmem>>, vector<1x16xf32>,
        %get3A_367 = vector.shape_cast %get3A_366 : vector<1x16xf32> to vector<16xf32>
        %add3A_368 = arith.addf %get3A_363, %get3A_367 : vector<16xf32>
        %get3A_369 = arith.index_cast %scan3A_318 : i32 to index
        %get3A_370 = arith.constant 32 : index
        %get3A_371 = tpu.vector_load %arg19[%get3A_369, %get3A_370] {strides = array<i32>} : memref<56x128xf32, #tpu.memory_space<vmem>>, vector<1x16xf32>,
        %get3A_372 = vector.shape_cast %get3A_371 : vector<1x16xf32> to vector<16xf32>
        %add3A_373 = arith.addf %add3A_368, %get3A_372 : vector<16xf32>
        %max3A_374 = arith.constant 0.000000e+00 : f32
        %max3A_375 = vector.broadcast %max3A_374 : f32 to vector<16xf32>
        %max3A_376 = arith.maximumf %add3A_373, %max3A_375 : vector<16xf32>
        %swap3A_377 = arith.index_cast %scan3A_318 : i32 to index
        %swap3A_378 = arith.constant 32 : index
        %swap3A_379 = tpu.vector_load %arg19[%swap3A_377, %swap3A_378] {strides = array<i32>} : memref<56x128xf32, #tpu.memory_space<vmem>>, vector<1x16xf32>,
        %swap3A_380 = vector.shape_cast %swap3A_379 : vector<1x16xf32> to vector<16xf32>
        %swap3A_381 = vector.shape_cast %max3A_376 : vector<16xf32> to vector<1x16xf32>
        tpu.vector_store %arg19[%swap3A_377, %swap3A_378], %swap3A_381 {strides = array<i32>} : memref<56x128xf32, #tpu.memory_space<vmem>>, vector<1x16xf32>,
        %get3A_382 = arith.index_cast %scan3A_318 : i32 to index
        %get3A_383 = arith.constant 48 : index
        %get3A_384 = tpu.vector_load %arg15[%get3A_382, %get3A_383] {strides = array<i32>} : memref<56x128xf32, #tpu.memory_space<vmem>>, vector<1x16xf32>,
        %get3A_385 = vector.shape_cast %get3A_384 : vector<1x16xf32> to vector<16xf32>
        %get3A_386 = arith.index_cast %scan3A_318 : i32 to index
        %get3A_387 = arith.constant 48 : index
        %get3A_388 = tpu.vector_load %arg17[%get3A_386, %get3A_387] {strides = array<i32>} : memref<56x128xf32, #tpu.memory_space<vmem>>, vector<1x16xf32>,
        %get3A_389 = vector.shape_cast %get3A_388 : vector<1x16xf32> to vector<16xf32>
        %add3A_390 = arith.addf %get3A_385, %get3A_389 : vector<16xf32>
        %get3A_391 = arith.index_cast %scan3A_318 : i32 to index
        %get3A_392 = arith.constant 48 : index
        %get3A_393 = tpu.vector_load %arg19[%get3A_391, %get3A_392] {strides = array<i32>} : memref<56x128xf32, #tpu.memory_space<vmem>>, vector<1x16xf32>,
        %get3A_394 = vector.shape_cast %get3A_393 : vector<1x16xf32> to vector<16xf32>
        %add3A_395 = arith.addf %add3A_390, %get3A_394 : vector<16xf32>
        %max3A_396 = arith.constant 0.000000e+00 : f32
        %max3A_397 = vector.broadcast %max3A_396 : f32 to vector<16xf32>
        %max3A_398 = arith.maximumf %add3A_395, %max3A_397 : vector<16xf32>
        %swap3A_399 = arith.index_cast %scan3A_318 : i32 to index
        %swap3A_400 = arith.constant 48 : index
        %swap3A_401 = tpu.vector_load %arg19[%swap3A_399, %swap3A_400] {strides = array<i32>} : memref<56x128xf32, #tpu.memory_space<vmem>>, vector<1x16xf32>,
        %swap3A_402 = vector.shape_cast %swap3A_401 : vector<1x16xf32> to vector<16xf32>
        %swap3A_403 = vector.shape_cast %max3A_398 : vector<16xf32> to vector<1x16xf32>
        tpu.vector_store %arg19[%swap3A_399, %swap3A_400], %swap3A_403 {strides = array<i32>} : memref<56x128xf32, #tpu.memory_space<vmem>>, vector<1x16xf32>,
        %get3A_404 = arith.index_cast %scan3A_318 : i32 to index
        %get3A_405 = arith.constant 64 : index
        %get3A_406 = tpu.vector_load %arg15[%get3A_404, %get3A_405] {strides = array<i32>} : memref<56x128xf32, #tpu.memory_space<vmem>>, vector<1x16xf32>,
        %get3A_407 = vector.shape_cast %get3A_406 : vector<1x16xf32> to vector<16xf32>
        %get3A_408 = arith.index_cast %scan3A_318 : i32 to index
        %get3A_409 = arith.constant 64 : index
        %get3A_410 = tpu.vector_load %arg17[%get3A_408, %get3A_409] {strides = array<i32>} : memref<56x128xf32, #tpu.memory_space<vmem>>, vector<1x16xf32>,
        %get3A_411 = vector.shape_cast %get3A_410 : vector<1x16xf32> to vector<16xf32>
        %add3A_412 = arith.addf %get3A_407, %get3A_411 : vector<16xf32>
        %get3A_413 = arith.index_cast %scan3A_318 : i32 to index
        %get3A_414 = arith.constant 64 : index
        %get3A_415 = tpu.vector_load %arg19[%get3A_413, %get3A_414] {strides = array<i32>} : memref<56x128xf32, #tpu.memory_space<vmem>>, vector<1x16xf32>,
        %get3A_416 = vector.shape_cast %get3A_415 : vector<1x16xf32> to vector<16xf32>
        %add3A_417 = arith.addf %add3A_412, %get3A_416 : vector<16xf32>
        %max3A_418 = arith.constant 0.000000e+00 : f32
        %max3A_419 = vector.broadcast %max3A_418 : f32 to vector<16xf32>
        %max3A_420 = arith.maximumf %add3A_417, %max3A_419 : vector<16xf32>
        %swap3A_421 = arith.index_cast %scan3A_318 : i32 to index
        %swap3A_422 = arith.constant 64 : index
        %swap3A_423 = tpu.vector_load %arg19[%swap3A_421, %swap3A_422] {strides = array<i32>} : memref<56x128xf32, #tpu.memory_space<vmem>>, vector<1x16xf32>,
        %swap3A_424 = vector.shape_cast %swap3A_423 : vector<1x16xf32> to vector<16xf32>
        %swap3A_425 = vector.shape_cast %max3A_420 : vector<16xf32> to vector<1x16xf32>
        tpu.vector_store %arg19[%swap3A_421, %swap3A_422], %swap3A_425 {strides = array<i32>} : memref<56x128xf32, #tpu.memory_space<vmem>>, vector<1x16xf32>,
        %get3A_426 = arith.index_cast %scan3A_318 : i32 to index
        %get3A_427 = arith.constant 80 : index
        %get3A_428 = tpu.vector_load %arg15[%get3A_426, %get3A_427] {strides = array<i32>} : memref<56x128xf32, #tpu.memory_space<vmem>>, vector<1x16xf32>,
        %get3A_429 = vector.shape_cast %get3A_428 : vector<1x16xf32> to vector<16xf32>
        %get3A_430 = arith.index_cast %scan3A_318 : i32 to index
        %get3A_431 = arith.constant 80 : index
        %get3A_432 = tpu.vector_load %arg17[%get3A_430, %get3A_431] {strides = array<i32>} : memref<56x128xf32, #tpu.memory_space<vmem>>, vector<1x16xf32>,
        %get3A_433 = vector.shape_cast %get3A_432 : vector<1x16xf32> to vector<16xf32>
        %add3A_434 = arith.addf %get3A_429, %get3A_433 : vector<16xf32>
        %get3A_435 = arith.index_cast %scan3A_318 : i32 to index
        %get3A_436 = arith.constant 80 : index
        %get3A_437 = tpu.vector_load %arg19[%get3A_435, %get3A_436] {strides = array<i32>} : memref<56x128xf32, #tpu.memory_space<vmem>>, vector<1x16xf32>,
        %get3A_438 = vector.shape_cast %get3A_437 : vector<1x16xf32> to vector<16xf32>
        %add3A_439 = arith.addf %add3A_434, %get3A_438 : vector<16xf32>
        %max3A_440 = arith.constant 0.000000e+00 : f32
        %max3A_441 = vector.broadcast %max3A_440 : f32 to vector<16xf32>
        %max3A_442 = arith.maximumf %add3A_439, %max3A_441 : vector<16xf32>
        %swap3A_443 = arith.index_cast %scan3A_318 : i32 to index
        %swap3A_444 = arith.constant 80 : index
        %swap3A_445 = tpu.vector_load %arg19[%swap3A_443, %swap3A_444] {strides = array<i32>} : memref<56x128xf32, #tpu.memory_space<vmem>>, vector<1x16xf32>,
        %swap3A_446 = vector.shape_cast %swap3A_445 : vector<1x16xf32> to vector<16xf32>
        %swap3A_447 = vector.shape_cast %max3A_442 : vector<16xf32> to vector<1x16xf32>
        tpu.vector_store %arg19[%swap3A_443, %swap3A_444], %swap3A_447 {strides = array<i32>} : memref<56x128xf32, #tpu.memory_space<vmem>>, vector<1x16xf32>,
        %get3A_448 = arith.index_cast %scan3A_318 : i32 to index
        %get3A_449 = arith.constant 96 : index
        %get3A_450 = tpu.vector_load %arg15[%get3A_448, %get3A_449] {strides = array<i32>} : memref<56x128xf32, #tpu.memory_space<vmem>>, vector<1x16xf32>,
        %get3A_451 = vector.shape_cast %get3A_450 : vector<1x16xf32> to vector<16xf32>
        %get3A_452 = arith.index_cast %scan3A_318 : i32 to index
        %get3A_453 = arith.constant 96 : index
        %get3A_454 = tpu.vector_load %arg17[%get3A_452, %get3A_453] {strides = array<i32>} : memref<56x128xf32, #tpu.memory_space<vmem>>, vector<1x16xf32>,
        %get3A_455 = vector.shape_cast %get3A_454 : vector<1x16xf32> to vector<16xf32>
        %add3A_456 = arith.addf %get3A_451, %get3A_455 : vector<16xf32>
        %get3A_457 = arith.index_cast %scan3A_318 : i32 to index
        %get3A_458 = arith.constant 96 : index
        %get3A_459 = tpu.vector_load %arg19[%get3A_457, %get3A_458] {strides = array<i32>} : memref<56x128xf32, #tpu.memory_space<vmem>>, vector<1x16xf32>,
        %get3A_460 = vector.shape_cast %get3A_459 : vector<1x16xf32> to vector<16xf32>
        %add3A_461 = arith.addf %add3A_456, %get3A_460 : vector<16xf32>
        %max3A_462 = arith.constant 0.000000e+00 : f32
        %max3A_463 = vector.broadcast %max3A_462 : f32 to vector<16xf32>
        %max3A_464 = arith.maximumf %add3A_461, %max3A_463 : vector<16xf32>
        %swap3A_465 = arith.index_cast %scan3A_318 : i32 to index
        %swap3A_466 = arith.constant 96 : index
        %swap3A_467 = tpu.vector_load %arg19[%swap3A_465, %swap3A_466] {strides = array<i32>} : memref<56x128xf32, #tpu.memory_space<vmem>>, vector<1x16xf32>,
        %swap3A_468 = vector.shape_cast %swap3A_467 : vector<1x16xf32> to vector<16xf32>
        %swap3A_469 = vector.shape_cast %max3A_464 : vector<16xf32> to vector<1x16xf32>
        tpu.vector_store %arg19[%swap3A_465, %swap3A_466], %swap3A_469 {strides = array<i32>} : memref<56x128xf32, #tpu.memory_space<vmem>>, vector<1x16xf32>,
        %get3A_470 = arith.index_cast %scan3A_318 : i32 to index
        %get3A_471 = arith.constant 112 : index
        %get3A_472 = tpu.vector_load %arg15[%get3A_470, %get3A_471] {strides = array<i32>} : memref<56x128xf32, #tpu.memory_space<vmem>>, vector<1x16xf32>,
        %get3A_473 = vector.shape_cast %get3A_472 : vector<1x16xf32> to vector<16xf32>
        %get3A_474 = arith.index_cast %scan3A_318 : i32 to index
        %get3A_475 = arith.constant 112 : index
        %get3A_476 = tpu.vector_load %arg17[%get3A_474, %get3A_475] {strides = array<i32>} : memref<56x128xf32, #tpu.memory_space<vmem>>, vector<1x16xf32>,
        %get3A_477 = vector.shape_cast %get3A_476 : vector<1x16xf32> to vector<16xf32>
        %add3A_478 = arith.addf %get3A_473, %get3A_477 : vector<16xf32>
        %get3A_479 = arith.index_cast %scan3A_318 : i32 to index
        %get3A_480 = arith.constant 112 : index
        %get3A_481 = tpu.vector_load %arg19[%get3A_479, %get3A_480] {strides = array<i32>} : memref<56x128xf32, #tpu.memory_space<vmem>>, vector<1x16xf32>,
        %get3A_482 = vector.shape_cast %get3A_481 : vector<1x16xf32> to vector<16xf32>
        %add3A_483 = arith.addf %add3A_478, %get3A_482 : vector<16xf32>
        %max3A_484 = arith.constant 0.000000e+00 : f32
        %max3A_485 = vector.broadcast %max3A_484 : f32 to vector<16xf32>
        %max3A_486 = arith.maximumf %add3A_483, %max3A_485 : vector<16xf32>
        %swap3A_487 = arith.index_cast %scan3A_318 : i32 to index
        %swap3A_488 = arith.constant 112 : index
        %swap3A_489 = tpu.vector_load %arg19[%swap3A_487, %swap3A_488] {strides = array<i32>} : memref<56x128xf32, #tpu.memory_space<vmem>>, vector<1x16xf32>,
        %swap3A_490 = vector.shape_cast %swap3A_489 : vector<1x16xf32> to vector<16xf32>
        %swap3A_491 = vector.shape_cast %max3A_486 : vector<16xf32> to vector<1x16xf32>
        tpu.vector_store %arg19[%swap3A_487, %swap3A_488], %swap3A_491 {strides = array<i32>} : memref<56x128xf32, #tpu.memory_space<vmem>>, vector<1x16xf32>,
      }
      %scan3A_302 = arith.constant 56 : i32
      %mul3A_303 = arith.constant 56 : i32
      %mul3A_304 = arith.muli %add3A_270, %mul3A_303 : i32
      %add3A_305 = arith.addi %mul3A_2, %mul3A_304 : i32
      %multiple_of3A_306 = tpu.assume_multiple %add3A_305, 8 : i32
      %dma_start3A_307 = arith.constant 0 : i32
      %dma_start3A_308 = tpu.memref_slice %arg6[%multiple_of3A_306, %dma_start3A_307] : memref<160000x128xf32, #tpu.memory_space<hbm>> -> memref<56x128xf32, #tpu.memory_space<hbm>>
      %dma_start3A_309 = arith.constant 0 : i32
      %dma_start3A_310 = tpu.memref_slice %arg6[%multiple_of3A_306, %dma_start3A_309] : memref<160000x128xf32, #tpu.memory_space<hbm>> -> memref<56x128xf32, #tpu.memory_space<hbm>>
      tpu.enqueue_dma source(%arg19 : memref<56x128xf32, #tpu.memory_space<vmem>>) target(%dma_start3A_310 : memref<56x128xf32, #tpu.memory_space<hbm>>) target_semaphore(%arg26 : memref<!tpu.dma_semaphore, #tpu.memory_space<semaphore_mem>>)
      "tpu.region"() ({
        %run_scoped3A = tpu.sem_alloc : memref<!tpu.dma_semaphore, #tpu.memory_space<semaphore_mem>>
        %dma_start3A_318 = arith.constant 0 : i32
        %dma_start3A_319 = arith.constant 0 : i32
        %dma_start3A_320 = tpu.memref_slice %arg20[%dma_start3A_318, %dma_start3A_319] : memref<10240x128xf32, #tpu.memory_space<vmem_shared>> -> memref<10240x128xf32, #tpu.memory_space<vmem_shared>>
        tpu.enqueue_indirect_dma source(%arg19 : memref<56x128xf32, #tpu.memory_space<vmem>>) target(%dma_start3A_320 : memref<10240x128xf32, #tpu.memory_space<vmem_shared>>) offsets(%arg11 : memref<56xi32, #tpu.memory_space<vmem>>) semaphore(%run_scoped3A : memref<!tpu.dma_semaphore, #tpu.memory_space<semaphore_mem>>) {add = true}
        %dma_wait3A_321 = arith.constant 0 : i32
        %dma_wait3A_322 = arith.constant 0 : i32
        %dma_wait3A_323 = tpu.memref_slice %arg20[%dma_wait3A_321, %dma_wait3A_322] : memref<10240x128xf32, #tpu.memory_space<vmem_shared>> -> memref<10240x128xf32, #tpu.memory_space<vmem_shared>>
        tpu.wait_indirect_dma semaphore(%run_scoped3A : memref<!tpu.dma_semaphore, #tpu.memory_space<semaphore_mem>>) src(%arg19 : memref<56x128xf32, #tpu.memory_space<vmem>>) dst(%dma_wait3A_323 : memref<10240x128xf32, #tpu.memory_space<vmem_shared>>)
        tpu.yield
      }) : () -> ()
      %add3A_311 = arith.constant 2 : i32
      %add3A_312 = arith.addi %add3A_270, %add3A_311 : i32
      %lt3A_313 = arith.constant 89 : i32
      %lt3A_314 = arith.cmpi slt, %add3A_312, %lt3A_313 : i32
      %convert_element_type3A_315 = arith.extui %lt3A_314 : i1 to i32
      %cond3A_316 = arith.constant 0 : i32
      %cond3A_317 = arith.cmpi ne, %convert_element_type3A_315, %cond3A_316 : i32
      scf.if %cond3A_317 {
        %add3A_318 = arith.constant 2 : i32
        %add3A_319 = arith.addi %add3A_270, %add3A_318 : i32
        %mul3A_320 = arith.constant 56 : i32
        %mul3A_321 = arith.muli %add3A_319, %mul3A_320 : i32
        %add3A_322 = arith.addi %mul3A_2, %mul3A_321 : i32
        %multiple_of3A_323 = tpu.assume_multiple %add3A_322, 8 : i32
        %dma_start3A_324 = tpu.memref_slice %arg5[%multiple_of3A_323] : memref<320000xi32, #tpu.memory_space<hbm>> -> memref<56xi32, #tpu.memory_space<hbm>>
        %dma_start3A_325 = tpu.memref_slice %arg5[%multiple_of3A_323] : memref<320000xi32, #tpu.memory_space<hbm>> -> memref<56xi32, #tpu.memory_space<hbm>>
        tpu.enqueue_dma source(%dma_start3A_325 : memref<56xi32, #tpu.memory_space<hbm>>) target(%arg9 : memref<56xi32, #tpu.memory_space<vmem>>) target_semaphore(%arg22 : memref<!tpu.dma_semaphore, #tpu.memory_space<semaphore_mem>>)
        %add3A_326 = arith.constant 160000 : i32
        %add3A_327 = arith.addi %add3A_326, %multiple_of3A_323 : i32
        %dma_start3A_328 = tpu.memref_slice %arg5[%add3A_327] : memref<320000xi32, #tpu.memory_space<hbm>> -> memref<56xi32, #tpu.memory_space<hbm>>
        %dma_start3A_329 = tpu.memref_slice %arg5[%add3A_327] : memref<320000xi32, #tpu.memory_space<hbm>> -> memref<56xi32, #tpu.memory_space<hbm>>
        tpu.enqueue_dma source(%dma_start3A_329 : memref<56xi32, #tpu.memory_space<hbm>>) target(%arg11 : memref<56xi32, #tpu.memory_space<vmem>>) target_semaphore(%arg22 : memref<!tpu.dma_semaphore, #tpu.memory_space<semaphore_mem>>)
      } else {
      }
    }
    %scan3A_98 = arith.constant 44 : i32
    %ge3A = arith.constant 88 : i32
    %ge3A_99 = arith.constant 1 : i32
    %ge3A_100 = arith.cmpi sge, %ge3A, %ge3A_99 : i32
    %convert_element_type3A = arith.extui %ge3A_100 : i1 to i32
    %cond3A = arith.constant 88 : i32
    %cond3A_101 = arith.constant 0 : i32
    %cond3A_102 = arith.cmpi ne, %convert_element_type3A, %cond3A_101 : i32
    scf.if %cond3A_102 {
      %sub3A = arith.constant 1 : i32
      %sub3A_217 = arith.subi %cond3A, %sub3A : i32
      %mul3A_218 = arith.constant 56 : i32
      %mul3A_219 = arith.muli %sub3A_217, %mul3A_218 : i32
      %add3A_220 = arith.addi %mul3A_2, %mul3A_219 : i32
      %multiple_of3A_221 = tpu.assume_multiple %add3A_220, 8 : i32
      %dma_wait3A_222 = arith.constant 0 : i32
      %dma_wait3A_223 = tpu.memref_slice %arg6[%multiple_of3A_221, %dma_wait3A_222] : memref<160000x128xf32, #tpu.memory_space<hbm>> -> memref<56x128xf32, #tpu.memory_space<hbm>>
      %dma_wait3A_224 = arith.constant 0 : i32
      %dma_wait3A_225 = tpu.memref_slice %arg6[%multiple_of3A_221, %dma_wait3A_224] : memref<160000x128xf32, #tpu.memory_space<hbm>> -> memref<56x128xf32, #tpu.memory_space<hbm>>
      tpu.wait_dma2 semaphore(%arg26 : memref<!tpu.dma_semaphore, #tpu.memory_space<semaphore_mem>>) src(%arg19 : memref<56x128xf32, #tpu.memory_space<vmem>>) dst(%dma_wait3A_225 : memref<56x128xf32, #tpu.memory_space<hbm>>)
    } else {
    }
    %add3A_103 = arith.constant 88 : i32
    %add3A_104 = arith.constant 1 : i32
    %add3A_105 = arith.addi %add3A_103, %add3A_104 : i32
    %lt3A = arith.constant 89 : i32
    %lt3A_106 = arith.cmpi slt, %add3A_105, %lt3A : i32
    %convert_element_type3A_107 = arith.extui %lt3A_106 : i1 to i32
    %cond3A_108 = arith.constant 88 : i32
    %cond3A_109 = arith.constant 0 : i32
    %cond3A_110 = arith.cmpi ne, %convert_element_type3A_107, %cond3A_109 : i32
    scf.if %cond3A_110 {
      %dma_wait3A_217 = arith.constant 0 : i32
      %dma_wait3A_218 = tpu.memref_slice %arg5[%dma_wait3A_217] : memref<320000xi32, #tpu.memory_space<hbm>> -> memref<56xi32, #tpu.memory_space<hbm>>
      %dma_wait3A_219 = arith.constant 0 : i32
      %dma_wait3A_220 = tpu.memref_slice %arg5[%dma_wait3A_219] : memref<320000xi32, #tpu.memory_space<hbm>> -> memref<56xi32, #tpu.memory_space<hbm>>
      tpu.wait_dma2 semaphore(%arg22 : memref<!tpu.dma_semaphore, #tpu.memory_space<semaphore_mem>>) src(%dma_wait3A_220 : memref<56xi32, #tpu.memory_space<hbm>>) dst(%arg9 : memref<56xi32, #tpu.memory_space<vmem>>)
      %dma_wait3A_221 = arith.constant 0 : i32
      %dma_wait3A_222 = tpu.memref_slice %arg5[%dma_wait3A_221] : memref<320000xi32, #tpu.memory_space<hbm>> -> memref<56xi32, #tpu.memory_space<hbm>>
      %dma_wait3A_223 = arith.constant 0 : i32
      %dma_wait3A_224 = tpu.memref_slice %arg5[%dma_wait3A_223] : memref<320000xi32, #tpu.memory_space<hbm>> -> memref<56xi32, #tpu.memory_space<hbm>>
      tpu.wait_dma2 semaphore(%arg22 : memref<!tpu.dma_semaphore, #tpu.memory_space<semaphore_mem>>) src(%dma_wait3A_224 : memref<56xi32, #tpu.memory_space<hbm>>) dst(%arg11 : memref<56xi32, #tpu.memory_space<vmem>>)
      %add3A_225 = arith.constant 1 : i32
      %add3A_226 = arith.addi %cond3A_108, %add3A_225 : i32
      %mul3A_227 = arith.constant 56 : i32
      %mul3A_228 = arith.muli %add3A_226, %mul3A_227 : i32
      %add3A_229 = arith.addi %mul3A_2, %mul3A_228 : i32
      %multiple_of3A_230 = tpu.assume_multiple %add3A_229, 8 : i32
      %dma_start3A_231 = arith.constant 0 : i32
      %dma_start3A_232 = arith.constant 0 : i32
      %dma_start3A_233 = tpu.memref_slice %arg2[%dma_start3A_231, %dma_start3A_232] : memref<10000x128xf32, #tpu.memory_space<hbm>> -> memref<10000x128xf32, #tpu.memory_space<hbm>>
      tpu.enqueue_indirect_dma source(%dma_start3A_233 : memref<10000x128xf32, #tpu.memory_space<hbm>>) target(%arg15 : memref<56x128xf32, #tpu.memory_space<vmem>>) offsets(%arg9 : memref<56xi32, #tpu.memory_space<vmem>>) semaphore(%arg24 : memref<!tpu.dma_semaphore, #tpu.memory_space<semaphore_mem>>)
      %dma_start3A_234 = arith.constant 0 : i32
      %dma_start3A_235 = arith.constant 0 : i32
      %dma_start3A_236 = tpu.memref_slice %arg3[%dma_start3A_234, %dma_start3A_235] : memref<10000x128xf32, #tpu.memory_space<hbm>> -> memref<10000x128xf32, #tpu.memory_space<hbm>>
      tpu.enqueue_indirect_dma source(%dma_start3A_236 : memref<10000x128xf32, #tpu.memory_space<hbm>>) target(%arg17 : memref<56x128xf32, #tpu.memory_space<vmem>>) offsets(%arg11 : memref<56xi32, #tpu.memory_space<vmem>>) semaphore(%arg24 : memref<!tpu.dma_semaphore, #tpu.memory_space<semaphore_mem>>)
      %dma_start3A_237 = arith.constant 0 : i32
      %dma_start3A_238 = tpu.memref_slice %arg4[%multiple_of3A_230, %dma_start3A_237] : memref<160000x128xf32, #tpu.memory_space<hbm>> -> memref<56x128xf32, #tpu.memory_space<hbm>>
      %dma_start3A_239 = arith.constant 0 : i32
      %dma_start3A_240 = tpu.memref_slice %arg4[%multiple_of3A_230, %dma_start3A_239] : memref<160000x128xf32, #tpu.memory_space<hbm>> -> memref<56x128xf32, #tpu.memory_space<hbm>>
      tpu.enqueue_dma source(%dma_start3A_240 : memref<56x128xf32, #tpu.memory_space<hbm>>) target(%arg19 : memref<56x128xf32, #tpu.memory_space<vmem>>) target_semaphore(%arg24 : memref<!tpu.dma_semaphore, #tpu.memory_space<semaphore_mem>>)
    } else {
    }
    %mul3A_111 = arith.constant 88 : i32
    %mul3A_112 = arith.constant 56 : i32
    %mul3A_113 = arith.muli %mul3A_111, %mul3A_112 : i32
    %add3A_114 = arith.addi %mul3A_2, %mul3A_113 : i32
    %multiple_of3A_115 = tpu.assume_multiple %add3A_114, 8 : i32
    %dma_wait3A_116 = arith.constant 0 : i32
    %dma_wait3A_117 = arith.constant 0 : i32
    %dma_wait3A_118 = tpu.memref_slice %arg2[%dma_wait3A_116, %dma_wait3A_117] : memref<10000x128xf32, #tpu.memory_space<hbm>> -> memref<10000x128xf32, #tpu.memory_space<hbm>>
    tpu.wait_indirect_dma semaphore(%arg23 : memref<!tpu.dma_semaphore, #tpu.memory_space<semaphore_mem>>) src(%dma_wait3A_118 : memref<10000x128xf32, #tpu.memory_space<hbm>>) dst(%arg14 : memref<56x128xf32, #tpu.memory_space<vmem>>)
    %dma_wait3A_119 = arith.constant 0 : i32
    %dma_wait3A_120 = arith.constant 0 : i32
    %dma_wait3A_121 = tpu.memref_slice %arg3[%dma_wait3A_119, %dma_wait3A_120] : memref<10000x128xf32, #tpu.memory_space<hbm>> -> memref<10000x128xf32, #tpu.memory_space<hbm>>
    tpu.wait_indirect_dma semaphore(%arg23 : memref<!tpu.dma_semaphore, #tpu.memory_space<semaphore_mem>>) src(%dma_wait3A_121 : memref<10000x128xf32, #tpu.memory_space<hbm>>) dst(%arg16 : memref<56x128xf32, #tpu.memory_space<vmem>>)
    %dma_wait3A_122 = arith.constant 0 : i32
    %dma_wait3A_123 = tpu.memref_slice %arg4[%multiple_of3A_115, %dma_wait3A_122] : memref<160000x128xf32, #tpu.memory_space<hbm>> -> memref<56x128xf32, #tpu.memory_space<hbm>>
    %dma_wait3A_124 = arith.constant 0 : i32
    %dma_wait3A_125 = tpu.memref_slice %arg4[%multiple_of3A_115, %dma_wait3A_124] : memref<160000x128xf32, #tpu.memory_space<hbm>> -> memref<56x128xf32, #tpu.memory_space<hbm>>
    tpu.wait_dma2 semaphore(%arg23 : memref<!tpu.dma_semaphore, #tpu.memory_space<semaphore_mem>>) src(%dma_wait3A_125 : memref<56x128xf32, #tpu.memory_space<hbm>>) dst(%arg18 : memref<56x128xf32, #tpu.memory_space<vmem>>)
    %scan3A_126 = arith.constant 0 : i32
    %scan3A_127 = arith.constant 0 : i32
    %scan3A_128 = arith.constant 56 : i32
    %scan3A_129 = arith.addi %scan3A_127, %scan3A_128 : i32
    %scan3A_130 = arith.constant 1 : i32
    scf.for %scan3A_217 = %scan3A_127 to %scan3A_129 step %scan3A_130  : i32 {
      %get3A = arith.index_cast %scan3A_217 : i32 to index
      %get3A_218 = arith.constant 0 : index
      %get3A_219 = tpu.vector_load %arg14[%get3A, %get3A_218] {strides = array<i32>} : memref<56x128xf32, #tpu.memory_space<vmem>>, vector<1x16xf32>,
      %get3A_220 = vector.shape_cast %get3A_219 : vector<1x16xf32> to vector<16xf32>
      %get3A_221 = arith.index_cast %scan3A_217 : i32 to index
      %get3A_222 = arith.constant 0 : index
      %get3A_223 = tpu.vector_load %arg16[%get3A_221, %get3A_222] {strides = array<i32>} : memref<56x128xf32, #tpu.memory_space<vmem>>, vector<1x16xf32>,
      %get3A_224 = vector.shape_cast %get3A_223 : vector<1x16xf32> to vector<16xf32>
      %add3A_225 = arith.addf %get3A_220, %get3A_224 : vector<16xf32>
      %get3A_226 = arith.index_cast %scan3A_217 : i32 to index
      %get3A_227 = arith.constant 0 : index
      %get3A_228 = tpu.vector_load %arg18[%get3A_226, %get3A_227] {strides = array<i32>} : memref<56x128xf32, #tpu.memory_space<vmem>>, vector<1x16xf32>,
      %get3A_229 = vector.shape_cast %get3A_228 : vector<1x16xf32> to vector<16xf32>
      %add3A_230 = arith.addf %add3A_225, %get3A_229 : vector<16xf32>
      %max3A = arith.constant 0.000000e+00 : f32
      %max3A_231 = vector.broadcast %max3A : f32 to vector<16xf32>
      %max3A_232 = arith.maximumf %add3A_230, %max3A_231 : vector<16xf32>
      %swap3A = arith.index_cast %scan3A_217 : i32 to index
      %swap3A_233 = arith.constant 0 : index
      %swap3A_234 = tpu.vector_load %arg18[%swap3A, %swap3A_233] {strides = array<i32>} : memref<56x128xf32, #tpu.memory_space<vmem>>, vector<1x16xf32>,
      %swap3A_235 = vector.shape_cast %swap3A_234 : vector<1x16xf32> to vector<16xf32>
      %swap3A_236 = vector.shape_cast %max3A_232 : vector<16xf32> to vector<1x16xf32>
      tpu.vector_store %arg18[%swap3A, %swap3A_233], %swap3A_236 {strides = array<i32>} : memref<56x128xf32, #tpu.memory_space<vmem>>, vector<1x16xf32>,
      %get3A_237 = arith.index_cast %scan3A_217 : i32 to index
      %get3A_238 = arith.constant 16 : index
      %get3A_239 = tpu.vector_load %arg14[%get3A_237, %get3A_238] {strides = array<i32>} : memref<56x128xf32, #tpu.memory_space<vmem>>, vector<1x16xf32>,
      %get3A_240 = vector.shape_cast %get3A_239 : vector<1x16xf32> to vector<16xf32>
      %get3A_241 = arith.index_cast %scan3A_217 : i32 to index
      %get3A_242 = arith.constant 16 : index
      %get3A_243 = tpu.vector_load %arg16[%get3A_241, %get3A_242] {strides = array<i32>} : memref<56x128xf32, #tpu.memory_space<vmem>>, vector<1x16xf32>,
      %get3A_244 = vector.shape_cast %get3A_243 : vector<1x16xf32> to vector<16xf32>
      %add3A_245 = arith.addf %get3A_240, %get3A_244 : vector<16xf32>
      %get3A_246 = arith.index_cast %scan3A_217 : i32 to index
      %get3A_247 = arith.constant 16 : index
      %get3A_248 = tpu.vector_load %arg18[%get3A_246, %get3A_247] {strides = array<i32>} : memref<56x128xf32, #tpu.memory_space<vmem>>, vector<1x16xf32>,
      %get3A_249 = vector.shape_cast %get3A_248 : vector<1x16xf32> to vector<16xf32>
      %add3A_250 = arith.addf %add3A_245, %get3A_249 : vector<16xf32>
      %max3A_251 = arith.constant 0.000000e+00 : f32
      %max3A_252 = vector.broadcast %max3A_251 : f32 to vector<16xf32>
      %max3A_253 = arith.maximumf %add3A_250, %max3A_252 : vector<16xf32>
      %swap3A_254 = arith.index_cast %scan3A_217 : i32 to index
      %swap3A_255 = arith.constant 16 : index
      %swap3A_256 = tpu.vector_load %arg18[%swap3A_254, %swap3A_255] {strides = array<i32>} : memref<56x128xf32, #tpu.memory_space<vmem>>, vector<1x16xf32>,
      %swap3A_257 = vector.shape_cast %swap3A_256 : vector<1x16xf32> to vector<16xf32>
      %swap3A_258 = vector.shape_cast %max3A_253 : vector<16xf32> to vector<1x16xf32>
      tpu.vector_store %arg18[%swap3A_254, %swap3A_255], %swap3A_258 {strides = array<i32>} : memref<56x128xf32, #tpu.memory_space<vmem>>, vector<1x16xf32>,
      %get3A_259 = arith.index_cast %scan3A_217 : i32 to index
      %get3A_260 = arith.constant 32 : index
      %get3A_261 = tpu.vector_load %arg14[%get3A_259, %get3A_260] {strides = array<i32>} : memref<56x128xf32, #tpu.memory_space<vmem>>, vector<1x16xf32>,
      %get3A_262 = vector.shape_cast %get3A_261 : vector<1x16xf32> to vector<16xf32>
      %get3A_263 = arith.index_cast %scan3A_217 : i32 to index
      %get3A_264 = arith.constant 32 : index
      %get3A_265 = tpu.vector_load %arg16[%get3A_263, %get3A_264] {strides = array<i32>} : memref<56x128xf32, #tpu.memory_space<vmem>>, vector<1x16xf32>,
      %get3A_266 = vector.shape_cast %get3A_265 : vector<1x16xf32> to vector<16xf32>
      %add3A_267 = arith.addf %get3A_262, %get3A_266 : vector<16xf32>
      %get3A_268 = arith.index_cast %scan3A_217 : i32 to index
      %get3A_269 = arith.constant 32 : index
      %get3A_270 = tpu.vector_load %arg18[%get3A_268, %get3A_269] {strides = array<i32>} : memref<56x128xf32, #tpu.memory_space<vmem>>, vector<1x16xf32>,
      %get3A_271 = vector.shape_cast %get3A_270 : vector<1x16xf32> to vector<16xf32>
      %add3A_272 = arith.addf %add3A_267, %get3A_271 : vector<16xf32>
      %max3A_273 = arith.constant 0.000000e+00 : f32
      %max3A_274 = vector.broadcast %max3A_273 : f32 to vector<16xf32>
      %max3A_275 = arith.maximumf %add3A_272, %max3A_274 : vector<16xf32>
      %swap3A_276 = arith.index_cast %scan3A_217 : i32 to index
      %swap3A_277 = arith.constant 32 : index
      %swap3A_278 = tpu.vector_load %arg18[%swap3A_276, %swap3A_277] {strides = array<i32>} : memref<56x128xf32, #tpu.memory_space<vmem>>, vector<1x16xf32>,
      %swap3A_279 = vector.shape_cast %swap3A_278 : vector<1x16xf32> to vector<16xf32>
      %swap3A_280 = vector.shape_cast %max3A_275 : vector<16xf32> to vector<1x16xf32>
      tpu.vector_store %arg18[%swap3A_276, %swap3A_277], %swap3A_280 {strides = array<i32>} : memref<56x128xf32, #tpu.memory_space<vmem>>, vector<1x16xf32>,
      %get3A_281 = arith.index_cast %scan3A_217 : i32 to index
      %get3A_282 = arith.constant 48 : index
      %get3A_283 = tpu.vector_load %arg14[%get3A_281, %get3A_282] {strides = array<i32>} : memref<56x128xf32, #tpu.memory_space<vmem>>, vector<1x16xf32>,
      %get3A_284 = vector.shape_cast %get3A_283 : vector<1x16xf32> to vector<16xf32>
      %get3A_285 = arith.index_cast %scan3A_217 : i32 to index
      %get3A_286 = arith.constant 48 : index
      %get3A_287 = tpu.vector_load %arg16[%get3A_285, %get3A_286] {strides = array<i32>} : memref<56x128xf32, #tpu.memory_space<vmem>>, vector<1x16xf32>,
      %get3A_288 = vector.shape_cast %get3A_287 : vector<1x16xf32> to vector<16xf32>
      %add3A_289 = arith.addf %get3A_284, %get3A_288 : vector<16xf32>
      %get3A_290 = arith.index_cast %scan3A_217 : i32 to index
      %get3A_291 = arith.constant 48 : index
      %get3A_292 = tpu.vector_load %arg18[%get3A_290, %get3A_291] {strides = array<i32>} : memref<56x128xf32, #tpu.memory_space<vmem>>, vector<1x16xf32>,
      %get3A_293 = vector.shape_cast %get3A_292 : vector<1x16xf32> to vector<16xf32>
      %add3A_294 = arith.addf %add3A_289, %get3A_293 : vector<16xf32>
      %max3A_295 = arith.constant 0.000000e+00 : f32
      %max3A_296 = vector.broadcast %max3A_295 : f32 to vector<16xf32>
      %max3A_297 = arith.maximumf %add3A_294, %max3A_296 : vector<16xf32>
      %swap3A_298 = arith.index_cast %scan3A_217 : i32 to index
      %swap3A_299 = arith.constant 48 : index
      %swap3A_300 = tpu.vector_load %arg18[%swap3A_298, %swap3A_299] {strides = array<i32>} : memref<56x128xf32, #tpu.memory_space<vmem>>, vector<1x16xf32>,
      %swap3A_301 = vector.shape_cast %swap3A_300 : vector<1x16xf32> to vector<16xf32>
      %swap3A_302 = vector.shape_cast %max3A_297 : vector<16xf32> to vector<1x16xf32>
      tpu.vector_store %arg18[%swap3A_298, %swap3A_299], %swap3A_302 {strides = array<i32>} : memref<56x128xf32, #tpu.memory_space<vmem>>, vector<1x16xf32>,
      %get3A_303 = arith.index_cast %scan3A_217 : i32 to index
      %get3A_304 = arith.constant 64 : index
      %get3A_305 = tpu.vector_load %arg14[%get3A_303, %get3A_304] {strides = array<i32>} : memref<56x128xf32, #tpu.memory_space<vmem>>, vector<1x16xf32>,
      %get3A_306 = vector.shape_cast %get3A_305 : vector<1x16xf32> to vector<16xf32>
      %get3A_307 = arith.index_cast %scan3A_217 : i32 to index
      %get3A_308 = arith.constant 64 : index
      %get3A_309 = tpu.vector_load %arg16[%get3A_307, %get3A_308] {strides = array<i32>} : memref<56x128xf32, #tpu.memory_space<vmem>>, vector<1x16xf32>,
      %get3A_310 = vector.shape_cast %get3A_309 : vector<1x16xf32> to vector<16xf32>
      %add3A_311 = arith.addf %get3A_306, %get3A_310 : vector<16xf32>
      %get3A_312 = arith.index_cast %scan3A_217 : i32 to index
      %get3A_313 = arith.constant 64 : index
      %get3A_314 = tpu.vector_load %arg18[%get3A_312, %get3A_313] {strides = array<i32>} : memref<56x128xf32, #tpu.memory_space<vmem>>, vector<1x16xf32>,
      %get3A_315 = vector.shape_cast %get3A_314 : vector<1x16xf32> to vector<16xf32>
      %add3A_316 = arith.addf %add3A_311, %get3A_315 : vector<16xf32>
      %max3A_317 = arith.constant 0.000000e+00 : f32
      %max3A_318 = vector.broadcast %max3A_317 : f32 to vector<16xf32>
      %max3A_319 = arith.maximumf %add3A_316, %max3A_318 : vector<16xf32>
      %swap3A_320 = arith.index_cast %scan3A_217 : i32 to index
      %swap3A_321 = arith.constant 64 : index
      %swap3A_322 = tpu.vector_load %arg18[%swap3A_320, %swap3A_321] {strides = array<i32>} : memref<56x128xf32, #tpu.memory_space<vmem>>, vector<1x16xf32>,
      %swap3A_323 = vector.shape_cast %swap3A_322 : vector<1x16xf32> to vector<16xf32>
      %swap3A_324 = vector.shape_cast %max3A_319 : vector<16xf32> to vector<1x16xf32>
      tpu.vector_store %arg18[%swap3A_320, %swap3A_321], %swap3A_324 {strides = array<i32>} : memref<56x128xf32, #tpu.memory_space<vmem>>, vector<1x16xf32>,
      %get3A_325 = arith.index_cast %scan3A_217 : i32 to index
      %get3A_326 = arith.constant 80 : index
      %get3A_327 = tpu.vector_load %arg14[%get3A_325, %get3A_326] {strides = array<i32>} : memref<56x128xf32, #tpu.memory_space<vmem>>, vector<1x16xf32>,
      %get3A_328 = vector.shape_cast %get3A_327 : vector<1x16xf32> to vector<16xf32>
      %get3A_329 = arith.index_cast %scan3A_217 : i32 to index
      %get3A_330 = arith.constant 80 : index
      %get3A_331 = tpu.vector_load %arg16[%get3A_329, %get3A_330] {strides = array<i32>} : memref<56x128xf32, #tpu.memory_space<vmem>>, vector<1x16xf32>,
      %get3A_332 = vector.shape_cast %get3A_331 : vector<1x16xf32> to vector<16xf32>
      %add3A_333 = arith.addf %get3A_328, %get3A_332 : vector<16xf32>
      %get3A_334 = arith.index_cast %scan3A_217 : i32 to index
      %get3A_335 = arith.constant 80 : index
      %get3A_336 = tpu.vector_load %arg18[%get3A_334, %get3A_335] {strides = array<i32>} : memref<56x128xf32, #tpu.memory_space<vmem>>, vector<1x16xf32>,
      %get3A_337 = vector.shape_cast %get3A_336 : vector<1x16xf32> to vector<16xf32>
      %add3A_338 = arith.addf %add3A_333, %get3A_337 : vector<16xf32>
      %max3A_339 = arith.constant 0.000000e+00 : f32
      %max3A_340 = vector.broadcast %max3A_339 : f32 to vector<16xf32>
      %max3A_341 = arith.maximumf %add3A_338, %max3A_340 : vector<16xf32>
      %swap3A_342 = arith.index_cast %scan3A_217 : i32 to index
      %swap3A_343 = arith.constant 80 : index
      %swap3A_344 = tpu.vector_load %arg18[%swap3A_342, %swap3A_343] {strides = array<i32>} : memref<56x128xf32, #tpu.memory_space<vmem>>, vector<1x16xf32>,
      %swap3A_345 = vector.shape_cast %swap3A_344 : vector<1x16xf32> to vector<16xf32>
      %swap3A_346 = vector.shape_cast %max3A_341 : vector<16xf32> to vector<1x16xf32>
      tpu.vector_store %arg18[%swap3A_342, %swap3A_343], %swap3A_346 {strides = array<i32>} : memref<56x128xf32, #tpu.memory_space<vmem>>, vector<1x16xf32>,
      %get3A_347 = arith.index_cast %scan3A_217 : i32 to index
      %get3A_348 = arith.constant 96 : index
      %get3A_349 = tpu.vector_load %arg14[%get3A_347, %get3A_348] {strides = array<i32>} : memref<56x128xf32, #tpu.memory_space<vmem>>, vector<1x16xf32>,
      %get3A_350 = vector.shape_cast %get3A_349 : vector<1x16xf32> to vector<16xf32>
      %get3A_351 = arith.index_cast %scan3A_217 : i32 to index
      %get3A_352 = arith.constant 96 : index
      %get3A_353 = tpu.vector_load %arg16[%get3A_351, %get3A_352] {strides = array<i32>} : memref<56x128xf32, #tpu.memory_space<vmem>>, vector<1x16xf32>,
      %get3A_354 = vector.shape_cast %get3A_353 : vector<1x16xf32> to vector<16xf32>
      %add3A_355 = arith.addf %get3A_350, %get3A_354 : vector<16xf32>
      %get3A_356 = arith.index_cast %scan3A_217 : i32 to index
      %get3A_357 = arith.constant 96 : index
      %get3A_358 = tpu.vector_load %arg18[%get3A_356, %get3A_357] {strides = array<i32>} : memref<56x128xf32, #tpu.memory_space<vmem>>, vector<1x16xf32>,
      %get3A_359 = vector.shape_cast %get3A_358 : vector<1x16xf32> to vector<16xf32>
      %add3A_360 = arith.addf %add3A_355, %get3A_359 : vector<16xf32>
      %max3A_361 = arith.constant 0.000000e+00 : f32
      %max3A_362 = vector.broadcast %max3A_361 : f32 to vector<16xf32>
      %max3A_363 = arith.maximumf %add3A_360, %max3A_362 : vector<16xf32>
      %swap3A_364 = arith.index_cast %scan3A_217 : i32 to index
      %swap3A_365 = arith.constant 96 : index
      %swap3A_366 = tpu.vector_load %arg18[%swap3A_364, %swap3A_365] {strides = array<i32>} : memref<56x128xf32, #tpu.memory_space<vmem>>, vector<1x16xf32>,
      %swap3A_367 = vector.shape_cast %swap3A_366 : vector<1x16xf32> to vector<16xf32>
      %swap3A_368 = vector.shape_cast %max3A_363 : vector<16xf32> to vector<1x16xf32>
      tpu.vector_store %arg18[%swap3A_364, %swap3A_365], %swap3A_368 {strides = array<i32>} : memref<56x128xf32, #tpu.memory_space<vmem>>, vector<1x16xf32>,
      %get3A_369 = arith.index_cast %scan3A_217 : i32 to index
      %get3A_370 = arith.constant 112 : index
      %get3A_371 = tpu.vector_load %arg14[%get3A_369, %get3A_370] {strides = array<i32>} : memref<56x128xf32, #tpu.memory_space<vmem>>, vector<1x16xf32>,
      %get3A_372 = vector.shape_cast %get3A_371 : vector<1x16xf32> to vector<16xf32>
      %get3A_373 = arith.index_cast %scan3A_217 : i32 to index
      %get3A_374 = arith.constant 112 : index
      %get3A_375 = tpu.vector_load %arg16[%get3A_373, %get3A_374] {strides = array<i32>} : memref<56x128xf32, #tpu.memory_space<vmem>>, vector<1x16xf32>,
      %get3A_376 = vector.shape_cast %get3A_375 : vector<1x16xf32> to vector<16xf32>
      %add3A_377 = arith.addf %get3A_372, %get3A_376 : vector<16xf32>
      %get3A_378 = arith.index_cast %scan3A_217 : i32 to index
      %get3A_379 = arith.constant 112 : index
      %get3A_380 = tpu.vector_load %arg18[%get3A_378, %get3A_379] {strides = array<i32>} : memref<56x128xf32, #tpu.memory_space<vmem>>, vector<1x16xf32>,
      %get3A_381 = vector.shape_cast %get3A_380 : vector<1x16xf32> to vector<16xf32>
      %add3A_382 = arith.addf %add3A_377, %get3A_381 : vector<16xf32>
      %max3A_383 = arith.constant 0.000000e+00 : f32
      %max3A_384 = vector.broadcast %max3A_383 : f32 to vector<16xf32>
      %max3A_385 = arith.maximumf %add3A_382, %max3A_384 : vector<16xf32>
      %swap3A_386 = arith.index_cast %scan3A_217 : i32 to index
      %swap3A_387 = arith.constant 112 : index
      %swap3A_388 = tpu.vector_load %arg18[%swap3A_386, %swap3A_387] {strides = array<i32>} : memref<56x128xf32, #tpu.memory_space<vmem>>, vector<1x16xf32>,
      %swap3A_389 = vector.shape_cast %swap3A_388 : vector<1x16xf32> to vector<16xf32>
      %swap3A_390 = vector.shape_cast %max3A_385 : vector<16xf32> to vector<1x16xf32>
      tpu.vector_store %arg18[%swap3A_386, %swap3A_387], %swap3A_390 {strides = array<i32>} : memref<56x128xf32, #tpu.memory_space<vmem>>, vector<1x16xf32>,
    }
    %scan3A_131 = arith.constant 56 : i32
    %mul3A_132 = arith.constant 88 : i32
    %mul3A_133 = arith.constant 56 : i32
    %mul3A_134 = arith.muli %mul3A_132, %mul3A_133 : i32
    %add3A_135 = arith.addi %mul3A_2, %mul3A_134 : i32
    %multiple_of3A_136 = tpu.assume_multiple %add3A_135, 8 : i32
    %dma_start3A_137 = arith.constant 0 : i32
    %dma_start3A_138 = tpu.memref_slice %arg6[%multiple_of3A_136, %dma_start3A_137] : memref<160000x128xf32, #tpu.memory_space<hbm>> -> memref<56x128xf32, #tpu.memory_space<hbm>>
    %dma_start3A_139 = arith.constant 0 : i32
    %dma_start3A_140 = tpu.memref_slice %arg6[%multiple_of3A_136, %dma_start3A_139] : memref<160000x128xf32, #tpu.memory_space<hbm>> -> memref<56x128xf32, #tpu.memory_space<hbm>>
    tpu.enqueue_dma source(%arg18 : memref<56x128xf32, #tpu.memory_space<vmem>>) target(%dma_start3A_140 : memref<56x128xf32, #tpu.memory_space<hbm>>) target_semaphore(%arg25 : memref<!tpu.dma_semaphore, #tpu.memory_space<semaphore_mem>>)
    "tpu.region"() ({
      %run_scoped3A = tpu.sem_alloc : memref<!tpu.dma_semaphore, #tpu.memory_space<semaphore_mem>>
      %dma_start3A_217 = arith.constant 0 : i32
      %dma_start3A_218 = arith.constant 0 : i32
      %dma_start3A_219 = tpu.memref_slice %arg20[%dma_start3A_217, %dma_start3A_218] : memref<10240x128xf32, #tpu.memory_space<vmem_shared>> -> memref<10240x128xf32, #tpu.memory_space<vmem_shared>>
      tpu.enqueue_indirect_dma source(%arg18 : memref<56x128xf32, #tpu.memory_space<vmem>>) target(%dma_start3A_219 : memref<10240x128xf32, #tpu.memory_space<vmem_shared>>) offsets(%arg10 : memref<56xi32, #tpu.memory_space<vmem>>) semaphore(%run_scoped3A : memref<!tpu.dma_semaphore, #tpu.memory_space<semaphore_mem>>) {add = true}
      %dma_wait3A_220 = arith.constant 0 : i32
      %dma_wait3A_221 = arith.constant 0 : i32
      %dma_wait3A_222 = tpu.memref_slice %arg20[%dma_wait3A_220, %dma_wait3A_221] : memref<10240x128xf32, #tpu.memory_space<vmem_shared>> -> memref<10240x128xf32, #tpu.memory_space<vmem_shared>>
      tpu.wait_indirect_dma semaphore(%run_scoped3A : memref<!tpu.dma_semaphore, #tpu.memory_space<semaphore_mem>>) src(%arg18 : memref<56x128xf32, #tpu.memory_space<vmem>>) dst(%dma_wait3A_222 : memref<10240x128xf32, #tpu.memory_space<vmem_shared>>)
      tpu.yield
    }) : () -> ()
    %add3A_141 = arith.constant 88 : i32
    %add3A_142 = arith.constant 2 : i32
    %add3A_143 = arith.addi %add3A_141, %add3A_142 : i32
    %lt3A_144 = arith.constant 89 : i32
    %lt3A_145 = arith.cmpi slt, %add3A_143, %lt3A_144 : i32
    %convert_element_type3A_146 = arith.extui %lt3A_145 : i1 to i32
    %cond3A_147 = arith.constant 88 : i32
    %cond3A_148 = arith.constant 0 : i32
    %cond3A_149 = arith.cmpi ne, %convert_element_type3A_146, %cond3A_148 : i32
    scf.if %cond3A_149 {
      %add3A_217 = arith.constant 2 : i32
      %add3A_218 = arith.addi %cond3A_147, %add3A_217 : i32
      %mul3A_219 = arith.constant 56 : i32
      %mul3A_220 = arith.muli %add3A_218, %mul3A_219 : i32
      %add3A_221 = arith.addi %mul3A_2, %mul3A_220 : i32
      %multiple_of3A_222 = tpu.assume_multiple %add3A_221, 8 : i32
      %dma_start3A_223 = tpu.memref_slice %arg5[%multiple_of3A_222] : memref<320000xi32, #tpu.memory_space<hbm>> -> memref<56xi32, #tpu.memory_space<hbm>>
      %dma_start3A_224 = tpu.memref_slice %arg5[%multiple_of3A_222] : memref<320000xi32, #tpu.memory_space<hbm>> -> memref<56xi32, #tpu.memory_space<hbm>>
      tpu.enqueue_dma source(%dma_start3A_224 : memref<56xi32, #tpu.memory_space<hbm>>) target(%arg8 : memref<56xi32, #tpu.memory_space<vmem>>) target_semaphore(%arg21 : memref<!tpu.dma_semaphore, #tpu.memory_space<semaphore_mem>>)
      %add3A_225 = arith.constant 160000 : i32
      %add3A_226 = arith.addi %add3A_225, %multiple_of3A_222 : i32
      %dma_start3A_227 = tpu.memref_slice %arg5[%add3A_226] : memref<320000xi32, #tpu.memory_space<hbm>> -> memref<56xi32, #tpu.memory_space<hbm>>
      %dma_start3A_228 = tpu.memref_slice %arg5[%add3A_226] : memref<320000xi32, #tpu.memory_space<hbm>> -> memref<56xi32, #tpu.memory_space<hbm>>
      tpu.enqueue_dma source(%dma_start3A_228 : memref<56xi32, #tpu.memory_space<hbm>>) target(%arg10 : memref<56xi32, #tpu.memory_space<vmem>>) target_semaphore(%arg21 : memref<!tpu.dma_semaphore, #tpu.memory_space<semaphore_mem>>)
    } else {
    }
    %add3A_150 = arith.constant 4928 : i32
    %add3A_151 = arith.addi %mul3A_2, %add3A_150 : i32
    %multiple_of3A_152 = tpu.assume_multiple %add3A_151, 8 : i32
    %dma_wait3A_153 = arith.constant 0 : i32
    %dma_wait3A_154 = tpu.memref_slice %arg6[%multiple_of3A_152, %dma_wait3A_153] : memref<160000x128xf32, #tpu.memory_space<hbm>> -> memref<56x128xf32, #tpu.memory_space<hbm>>
    %dma_wait3A_155 = arith.constant 0 : i32
    %dma_wait3A_156 = tpu.memref_slice %arg6[%multiple_of3A_152, %dma_wait3A_155] : memref<160000x128xf32, #tpu.memory_space<hbm>> -> memref<56x128xf32, #tpu.memory_space<hbm>>
    tpu.wait_dma2 semaphore(%arg25 : memref<!tpu.dma_semaphore, #tpu.memory_space<semaphore_mem>>) src(%arg18 : memref<56x128xf32, #tpu.memory_space<vmem>>) dst(%dma_wait3A_156 : memref<56x128xf32, #tpu.memory_space<hbm>>)
    %add3A_157 = arith.constant 4984 : i32
    %add3A_158 = arith.addi %mul3A_2, %add3A_157 : i32
    %multiple_of3A_159 = tpu.assume_multiple %add3A_158, 8 : i32
    "tpu.region"() ({
      %run_scoped3A = tpu.sem_alloc : memref<!tpu.dma_semaphore, #tpu.memory_space<semaphore_mem>>
      %dma_start3A_217 = tpu.memref_slice %arg5[%multiple_of3A_159] : memref<320000xi32, #tpu.memory_space<hbm>> -> memref<16xi32, #tpu.memory_space<hbm>>
      %dma_start3A_218 = tpu.memref_slice %arg5[%multiple_of3A_159] : memref<320000xi32, #tpu.memory_space<hbm>> -> memref<16xi32, #tpu.memory_space<hbm>>
      tpu.enqueue_dma source(%dma_start3A_218 : memref<16xi32, #tpu.memory_space<hbm>>) target(%arg12 : memref<16xi32, #tpu.memory_space<vmem>>) target_semaphore(%run_scoped3A : memref<!tpu.dma_semaphore, #tpu.memory_space<semaphore_mem>>)
      %dma_wait3A_219 = tpu.memref_slice %arg5[%multiple_of3A_159] : memref<320000xi32, #tpu.memory_space<hbm>> -> memref<16xi32, #tpu.memory_space<hbm>>
      %dma_wait3A_220 = tpu.memref_slice %arg5[%multiple_of3A_159] : memref<320000xi32, #tpu.memory_space<hbm>> -> memref<16xi32, #tpu.memory_space<hbm>>
      tpu.wait_dma2 semaphore(%run_scoped3A : memref<!tpu.dma_semaphore, #tpu.memory_space<semaphore_mem>>) src(%dma_wait3A_220 : memref<16xi32, #tpu.memory_space<hbm>>) dst(%arg12 : memref<16xi32, #tpu.memory_space<vmem>>)
      tpu.yield
    }) : () -> ()
    %add3A_160 = arith.constant 160000 : i32
    %add3A_161 = arith.addi %add3A_160, %multiple_of3A_159 : i32
    "tpu.region"() ({
      %run_scoped3A = tpu.sem_alloc : memref<!tpu.dma_semaphore, #tpu.memory_space<semaphore_mem>>
      %dma_start3A_217 = tpu.memref_slice %arg5[%add3A_161] : memref<320000xi32, #tpu.memory_space<hbm>> -> memref<16xi32, #tpu.memory_space<hbm>>
      %dma_start3A_218 = tpu.memref_slice %arg5[%add3A_161] : memref<320000xi32, #tpu.memory_space<hbm>> -> memref<16xi32, #tpu.memory_space<hbm>>
      tpu.enqueue_dma source(%dma_start3A_218 : memref<16xi32, #tpu.memory_space<hbm>>) target(%arg13 : memref<16xi32, #tpu.memory_space<vmem>>) target_semaphore(%run_scoped3A : memref<!tpu.dma_semaphore, #tpu.memory_space<semaphore_mem>>)
      %dma_wait3A_219 = tpu.memref_slice %arg5[%add3A_161] : memref<320000xi32, #tpu.memory_space<hbm>> -> memref<16xi32, #tpu.memory_space<hbm>>
      %dma_wait3A_220 = tpu.memref_slice %arg5[%add3A_161] : memref<320000xi32, #tpu.memory_space<hbm>> -> memref<16xi32, #tpu.memory_space<hbm>>
      tpu.wait_dma2 semaphore(%run_scoped3A : memref<!tpu.dma_semaphore, #tpu.memory_space<semaphore_mem>>) src(%dma_wait3A_220 : memref<16xi32, #tpu.memory_space<hbm>>) dst(%arg13 : memref<16xi32, #tpu.memory_space<vmem>>)
      tpu.yield
    }) : () -> ()
    %dma_start3A_162 = arith.constant 0 : i32
    %dma_start3A_163 = arith.constant 0 : i32
    %dma_start3A_164 = tpu.memref_slice %arg14[%dma_start3A_162, %dma_start3A_163] : memref<56x128xf32, #tpu.memory_space<vmem>> -> memref<16x128xf32, #tpu.memory_space<vmem>>
    %dma_start3A_165 = arith.constant 0 : i32
    %dma_start3A_166 = arith.constant 0 : i32
    %dma_start3A_167 = tpu.memref_slice %arg2[%dma_start3A_165, %dma_start3A_166] : memref<10000x128xf32, #tpu.memory_space<hbm>> -> memref<10000x128xf32, #tpu.memory_space<hbm>>
    tpu.enqueue_indirect_dma source(%dma_start3A_167 : memref<10000x128xf32, #tpu.memory_space<hbm>>) target(%dma_start3A_164 : memref<16x128xf32, #tpu.memory_space<vmem>>) offsets(%arg12 : memref<16xi32, #tpu.memory_space<vmem>>) semaphore(%arg23 : memref<!tpu.dma_semaphore, #tpu.memory_space<semaphore_mem>>)
    %dma_start3A_168 = arith.constant 0 : i32
    %dma_start3A_169 = arith.constant 0 : i32
    %dma_start3A_170 = tpu.memref_slice %arg16[%dma_start3A_168, %dma_start3A_169] : memref<56x128xf32, #tpu.memory_space<vmem>> -> memref<16x128xf32, #tpu.memory_space<vmem>>
    %dma_start3A_171 = arith.constant 0 : i32
    %dma_start3A_172 = arith.constant 0 : i32
    %dma_start3A_173 = tpu.memref_slice %arg3[%dma_start3A_171, %dma_start3A_172] : memref<10000x128xf32, #tpu.memory_space<hbm>> -> memref<10000x128xf32, #tpu.memory_space<hbm>>
    tpu.enqueue_indirect_dma source(%dma_start3A_173 : memref<10000x128xf32, #tpu.memory_space<hbm>>) target(%dma_start3A_170 : memref<16x128xf32, #tpu.memory_space<vmem>>) offsets(%arg13 : memref<16xi32, #tpu.memory_space<vmem>>) semaphore(%arg23 : memref<!tpu.dma_semaphore, #tpu.memory_space<semaphore_mem>>)
    %dma_start3A_174 = arith.constant 0 : i32
    %dma_start3A_175 = arith.constant 0 : i32
    %dma_start3A_176 = tpu.memref_slice %arg18[%dma_start3A_174, %dma_start3A_175] : memref<56x128xf32, #tpu.memory_space<vmem>> -> memref<16x128xf32, #tpu.memory_space<vmem>>
    %dma_start3A_177 = arith.constant 0 : i32
    %dma_start3A_178 = tpu.memref_slice %arg4[%multiple_of3A_159, %dma_start3A_177] : memref<160000x128xf32, #tpu.memory_space<hbm>> -> memref<16x128xf32, #tpu.memory_space<hbm>>
    %dma_start3A_179 = arith.constant 0 : i32
    %dma_start3A_180 = arith.constant 0 : i32
    %dma_start3A_181 = tpu.memref_slice %arg18[%dma_start3A_179, %dma_start3A_180] : memref<56x128xf32, #tpu.memory_space<vmem>> -> memref<16x128xf32, #tpu.memory_space<vmem>>
    %dma_start3A_182 = arith.constant 0 : i32
    %dma_start3A_183 = tpu.memref_slice %arg4[%multiple_of3A_159, %dma_start3A_182] : memref<160000x128xf32, #tpu.memory_space<hbm>> -> memref<16x128xf32, #tpu.memory_space<hbm>>
    tpu.enqueue_dma source(%dma_start3A_183 : memref<16x128xf32, #tpu.memory_space<hbm>>) target(%dma_start3A_181 : memref<16x128xf32, #tpu.memory_space<vmem>>) target_semaphore(%arg23 : memref<!tpu.dma_semaphore, #tpu.memory_space<semaphore_mem>>)
    %dma_wait3A_184 = arith.constant 0 : i32
    %dma_wait3A_185 = arith.constant 0 : i32
    %dma_wait3A_186 = tpu.memref_slice %arg14[%dma_wait3A_184, %dma_wait3A_185] : memref<56x128xf32, #tpu.memory_space<vmem>> -> memref<16x128xf32, #tpu.memory_space<vmem>>
    %dma_wait3A_187 = arith.constant 0 : i32
    %dma_wait3A_188 = arith.constant 0 : i32
    %dma_wait3A_189 = tpu.memref_slice %arg2[%dma_wait3A_187, %dma_wait3A_188] : memref<10000x128xf32, #tpu.memory_space<hbm>> -> memref<10000x128xf32, #tpu.memory_space<hbm>>
    tpu.wait_indirect_dma semaphore(%arg23 : memref<!tpu.dma_semaphore, #tpu.memory_space<semaphore_mem>>) src(%dma_wait3A_189 : memref<10000x128xf32, #tpu.memory_space<hbm>>) dst(%dma_wait3A_186 : memref<16x128xf32, #tpu.memory_space<vmem>>)
    %dma_wait3A_190 = arith.constant 0 : i32
    %dma_wait3A_191 = arith.constant 0 : i32
    %dma_wait3A_192 = tpu.memref_slice %arg16[%dma_wait3A_190, %dma_wait3A_191] : memref<56x128xf32, #tpu.memory_space<vmem>> -> memref<16x128xf32, #tpu.memory_space<vmem>>
    %dma_wait3A_193 = arith.constant 0 : i32
    %dma_wait3A_194 = arith.constant 0 : i32
    %dma_wait3A_195 = tpu.memref_slice %arg3[%dma_wait3A_193, %dma_wait3A_194] : memref<10000x128xf32, #tpu.memory_space<hbm>> -> memref<10000x128xf32, #tpu.memory_space<hbm>>
    tpu.wait_indirect_dma semaphore(%arg23 : memref<!tpu.dma_semaphore, #tpu.memory_space<semaphore_mem>>) src(%dma_wait3A_195 : memref<10000x128xf32, #tpu.memory_space<hbm>>) dst(%dma_wait3A_192 : memref<16x128xf32, #tpu.memory_space<vmem>>)
    %dma_wait3A_196 = arith.constant 0 : i32
    %dma_wait3A_197 = arith.constant 0 : i32
    %dma_wait3A_198 = tpu.memref_slice %arg18[%dma_wait3A_196, %dma_wait3A_197] : memref<56x128xf32, #tpu.memory_space<vmem>> -> memref<16x128xf32, #tpu.memory_space<vmem>>
    %dma_wait3A_199 = arith.constant 0 : i32
    %dma_wait3A_200 = tpu.memref_slice %arg4[%multiple_of3A_159, %dma_wait3A_199] : memref<160000x128xf32, #tpu.memory_space<hbm>> -> memref<16x128xf32, #tpu.memory_space<hbm>>
    %dma_wait3A_201 = arith.constant 0 : i32
    %dma_wait3A_202 = arith.constant 0 : i32
    %dma_wait3A_203 = tpu.memref_slice %arg18[%dma_wait3A_201, %dma_wait3A_202] : memref<56x128xf32, #tpu.memory_space<vmem>> -> memref<16x128xf32, #tpu.memory_space<vmem>>
    %dma_wait3A_204 = arith.constant 0 : i32
    %dma_wait3A_205 = tpu.memref_slice %arg4[%multiple_of3A_159, %dma_wait3A_204] : memref<160000x128xf32, #tpu.memory_space<hbm>> -> memref<16x128xf32, #tpu.memory_space<hbm>>
    tpu.wait_dma2 semaphore(%arg23 : memref<!tpu.dma_semaphore, #tpu.memory_space<semaphore_mem>>) src(%dma_wait3A_205 : memref<16x128xf32, #tpu.memory_space<hbm>>) dst(%dma_wait3A_203 : memref<16x128xf32, #tpu.memory_space<vmem>>)
    %scan3A_206 = arith.constant 0 : i32
    %scan3A_207 = arith.constant 0 : i32
    %scan3A_208 = arith.constant 16 : i32
    %scan3A_209 = arith.addi %scan3A_207, %scan3A_208 : i32
    %scan3A_210 = arith.constant 1 : i32
    scf.for %scan3A_217 = %scan3A_207 to %scan3A_209 step %scan3A_210  : i32 {
      %get3A = arith.index_cast %scan3A_217 : i32 to index
      %get3A_218 = arith.constant 0 : index
      %get3A_219 = tpu.vector_load %arg14[%get3A, %get3A_218] {strides = array<i32>} : memref<56x128xf32, #tpu.memory_space<vmem>>, vector<1x16xf32>,
      %get3A_220 = vector.shape_cast %get3A_219 : vector<1x16xf32> to vector<16xf32>
      %get3A_221 = arith.index_cast %scan3A_217 : i32 to index
      %get3A_222 = arith.constant 0 : index
      %get3A_223 = tpu.vector_load %arg16[%get3A_221, %get3A_222] {strides = array<i32>} : memref<56x128xf32, #tpu.memory_space<vmem>>, vector<1x16xf32>,
      %get3A_224 = vector.shape_cast %get3A_223 : vector<1x16xf32> to vector<16xf32>
      %add3A_225 = arith.addf %get3A_220, %get3A_224 : vector<16xf32>
      %get3A_226 = arith.index_cast %scan3A_217 : i32 to index
      %get3A_227 = arith.constant 0 : index
      %get3A_228 = tpu.vector_load %arg18[%get3A_226, %get3A_227] {strides = array<i32>} : memref<56x128xf32, #tpu.memory_space<vmem>>, vector<1x16xf32>,
      %get3A_229 = vector.shape_cast %get3A_228 : vector<1x16xf32> to vector<16xf32>
      %add3A_230 = arith.addf %add3A_225, %get3A_229 : vector<16xf32>
      %max3A = arith.constant 0.000000e+00 : f32
      %max3A_231 = vector.broadcast %max3A : f32 to vector<16xf32>
      %max3A_232 = arith.maximumf %add3A_230, %max3A_231 : vector<16xf32>
      %swap3A = arith.index_cast %scan3A_217 : i32 to index
      %swap3A_233 = arith.constant 0 : index
      %swap3A_234 = tpu.vector_load %arg18[%swap3A, %swap3A_233] {strides = array<i32>} : memref<56x128xf32, #tpu.memory_space<vmem>>, vector<1x16xf32>,
      %swap3A_235 = vector.shape_cast %swap3A_234 : vector<1x16xf32> to vector<16xf32>
      %swap3A_236 = vector.shape_cast %max3A_232 : vector<16xf32> to vector<1x16xf32>
      tpu.vector_store %arg18[%swap3A, %swap3A_233], %swap3A_236 {strides = array<i32>} : memref<56x128xf32, #tpu.memory_space<vmem>>, vector<1x16xf32>,
      %get3A_237 = arith.index_cast %scan3A_217 : i32 to index
      %get3A_238 = arith.constant 16 : index
      %get3A_239 = tpu.vector_load %arg14[%get3A_237, %get3A_238] {strides = array<i32>} : memref<56x128xf32, #tpu.memory_space<vmem>>, vector<1x16xf32>,
      %get3A_240 = vector.shape_cast %get3A_239 : vector<1x16xf32> to vector<16xf32>
      %get3A_241 = arith.index_cast %scan3A_217 : i32 to index
      %get3A_242 = arith.constant 16 : index
      %get3A_243 = tpu.vector_load %arg16[%get3A_241, %get3A_242] {strides = array<i32>} : memref<56x128xf32, #tpu.memory_space<vmem>>, vector<1x16xf32>,
      %get3A_244 = vector.shape_cast %get3A_243 : vector<1x16xf32> to vector<16xf32>
      %add3A_245 = arith.addf %get3A_240, %get3A_244 : vector<16xf32>
      %get3A_246 = arith.index_cast %scan3A_217 : i32 to index
      %get3A_247 = arith.constant 16 : index
      %get3A_248 = tpu.vector_load %arg18[%get3A_246, %get3A_247] {strides = array<i32>} : memref<56x128xf32, #tpu.memory_space<vmem>>, vector<1x16xf32>,
      %get3A_249 = vector.shape_cast %get3A_248 : vector<1x16xf32> to vector<16xf32>
      %add3A_250 = arith.addf %add3A_245, %get3A_249 : vector<16xf32>
      %max3A_251 = arith.constant 0.000000e+00 : f32
      %max3A_252 = vector.broadcast %max3A_251 : f32 to vector<16xf32>
      %max3A_253 = arith.maximumf %add3A_250, %max3A_252 : vector<16xf32>
      %swap3A_254 = arith.index_cast %scan3A_217 : i32 to index
      %swap3A_255 = arith.constant 16 : index
      %swap3A_256 = tpu.vector_load %arg18[%swap3A_254, %swap3A_255] {strides = array<i32>} : memref<56x128xf32, #tpu.memory_space<vmem>>, vector<1x16xf32>,
      %swap3A_257 = vector.shape_cast %swap3A_256 : vector<1x16xf32> to vector<16xf32>
      %swap3A_258 = vector.shape_cast %max3A_253 : vector<16xf32> to vector<1x16xf32>
      tpu.vector_store %arg18[%swap3A_254, %swap3A_255], %swap3A_258 {strides = array<i32>} : memref<56x128xf32, #tpu.memory_space<vmem>>, vector<1x16xf32>,
      %get3A_259 = arith.index_cast %scan3A_217 : i32 to index
      %get3A_260 = arith.constant 32 : index
      %get3A_261 = tpu.vector_load %arg14[%get3A_259, %get3A_260] {strides = array<i32>} : memref<56x128xf32, #tpu.memory_space<vmem>>, vector<1x16xf32>,
      %get3A_262 = vector.shape_cast %get3A_261 : vector<1x16xf32> to vector<16xf32>
      %get3A_263 = arith.index_cast %scan3A_217 : i32 to index
      %get3A_264 = arith.constant 32 : index
      %get3A_265 = tpu.vector_load %arg16[%get3A_263, %get3A_264] {strides = array<i32>} : memref<56x128xf32, #tpu.memory_space<vmem>>, vector<1x16xf32>,
      %get3A_266 = vector.shape_cast %get3A_265 : vector<1x16xf32> to vector<16xf32>
      %add3A_267 = arith.addf %get3A_262, %get3A_266 : vector<16xf32>
      %get3A_268 = arith.index_cast %scan3A_217 : i32 to index
      %get3A_269 = arith.constant 32 : index
      %get3A_270 = tpu.vector_load %arg18[%get3A_268, %get3A_269] {strides = array<i32>} : memref<56x128xf32, #tpu.memory_space<vmem>>, vector<1x16xf32>,
      %get3A_271 = vector.shape_cast %get3A_270 : vector<1x16xf32> to vector<16xf32>
      %add3A_272 = arith.addf %add3A_267, %get3A_271 : vector<16xf32>
      %max3A_273 = arith.constant 0.000000e+00 : f32
      %max3A_274 = vector.broadcast %max3A_273 : f32 to vector<16xf32>
      %max3A_275 = arith.maximumf %add3A_272, %max3A_274 : vector<16xf32>
      %swap3A_276 = arith.index_cast %scan3A_217 : i32 to index
      %swap3A_277 = arith.constant 32 : index
      %swap3A_278 = tpu.vector_load %arg18[%swap3A_276, %swap3A_277] {strides = array<i32>} : memref<56x128xf32, #tpu.memory_space<vmem>>, vector<1x16xf32>,
      %swap3A_279 = vector.shape_cast %swap3A_278 : vector<1x16xf32> to vector<16xf32>
      %swap3A_280 = vector.shape_cast %max3A_275 : vector<16xf32> to vector<1x16xf32>
      tpu.vector_store %arg18[%swap3A_276, %swap3A_277], %swap3A_280 {strides = array<i32>} : memref<56x128xf32, #tpu.memory_space<vmem>>, vector<1x16xf32>,
      %get3A_281 = arith.index_cast %scan3A_217 : i32 to index
      %get3A_282 = arith.constant 48 : index
      %get3A_283 = tpu.vector_load %arg14[%get3A_281, %get3A_282] {strides = array<i32>} : memref<56x128xf32, #tpu.memory_space<vmem>>, vector<1x16xf32>,
      %get3A_284 = vector.shape_cast %get3A_283 : vector<1x16xf32> to vector<16xf32>
      %get3A_285 = arith.index_cast %scan3A_217 : i32 to index
      %get3A_286 = arith.constant 48 : index
      %get3A_287 = tpu.vector_load %arg16[%get3A_285, %get3A_286] {strides = array<i32>} : memref<56x128xf32, #tpu.memory_space<vmem>>, vector<1x16xf32>,
      %get3A_288 = vector.shape_cast %get3A_287 : vector<1x16xf32> to vector<16xf32>
      %add3A_289 = arith.addf %get3A_284, %get3A_288 : vector<16xf32>
      %get3A_290 = arith.index_cast %scan3A_217 : i32 to index
      %get3A_291 = arith.constant 48 : index
      %get3A_292 = tpu.vector_load %arg18[%get3A_290, %get3A_291] {strides = array<i32>} : memref<56x128xf32, #tpu.memory_space<vmem>>, vector<1x16xf32>,
      %get3A_293 = vector.shape_cast %get3A_292 : vector<1x16xf32> to vector<16xf32>
      %add3A_294 = arith.addf %add3A_289, %get3A_293 : vector<16xf32>
      %max3A_295 = arith.constant 0.000000e+00 : f32
      %max3A_296 = vector.broadcast %max3A_295 : f32 to vector<16xf32>
      %max3A_297 = arith.maximumf %add3A_294, %max3A_296 : vector<16xf32>
      %swap3A_298 = arith.index_cast %scan3A_217 : i32 to index
      %swap3A_299 = arith.constant 48 : index
      %swap3A_300 = tpu.vector_load %arg18[%swap3A_298, %swap3A_299] {strides = array<i32>} : memref<56x128xf32, #tpu.memory_space<vmem>>, vector<1x16xf32>,
      %swap3A_301 = vector.shape_cast %swap3A_300 : vector<1x16xf32> to vector<16xf32>
      %swap3A_302 = vector.shape_cast %max3A_297 : vector<16xf32> to vector<1x16xf32>
      tpu.vector_store %arg18[%swap3A_298, %swap3A_299], %swap3A_302 {strides = array<i32>} : memref<56x128xf32, #tpu.memory_space<vmem>>, vector<1x16xf32>,
      %get3A_303 = arith.index_cast %scan3A_217 : i32 to index
      %get3A_304 = arith.constant 64 : index
      %get3A_305 = tpu.vector_load %arg14[%get3A_303, %get3A_304] {strides = array<i32>} : memref<56x128xf32, #tpu.memory_space<vmem>>, vector<1x16xf32>,
      %get3A_306 = vector.shape_cast %get3A_305 : vector<1x16xf32> to vector<16xf32>
      %get3A_307 = arith.index_cast %scan3A_217 : i32 to index
      %get3A_308 = arith.constant 64 : index
      %get3A_309 = tpu.vector_load %arg16[%get3A_307, %get3A_308] {strides = array<i32>} : memref<56x128xf32, #tpu.memory_space<vmem>>, vector<1x16xf32>,
      %get3A_310 = vector.shape_cast %get3A_309 : vector<1x16xf32> to vector<16xf32>
      %add3A_311 = arith.addf %get3A_306, %get3A_310 : vector<16xf32>
      %get3A_312 = arith.index_cast %scan3A_217 : i32 to index
      %get3A_313 = arith.constant 64 : index
      %get3A_314 = tpu.vector_load %arg18[%get3A_312, %get3A_313] {strides = array<i32>} : memref<56x128xf32, #tpu.memory_space<vmem>>, vector<1x16xf32>,
      %get3A_315 = vector.shape_cast %get3A_314 : vector<1x16xf32> to vector<16xf32>
      %add3A_316 = arith.addf %add3A_311, %get3A_315 : vector<16xf32>
      %max3A_317 = arith.constant 0.000000e+00 : f32
      %max3A_318 = vector.broadcast %max3A_317 : f32 to vector<16xf32>
      %max3A_319 = arith.maximumf %add3A_316, %max3A_318 : vector<16xf32>
      %swap3A_320 = arith.index_cast %scan3A_217 : i32 to index
      %swap3A_321 = arith.constant 64 : index
      %swap3A_322 = tpu.vector_load %arg18[%swap3A_320, %swap3A_321] {strides = array<i32>} : memref<56x128xf32, #tpu.memory_space<vmem>>, vector<1x16xf32>,
      %swap3A_323 = vector.shape_cast %swap3A_322 : vector<1x16xf32> to vector<16xf32>
      %swap3A_324 = vector.shape_cast %max3A_319 : vector<16xf32> to vector<1x16xf32>
      tpu.vector_store %arg18[%swap3A_320, %swap3A_321], %swap3A_324 {strides = array<i32>} : memref<56x128xf32, #tpu.memory_space<vmem>>, vector<1x16xf32>,
      %get3A_325 = arith.index_cast %scan3A_217 : i32 to index
      %get3A_326 = arith.constant 80 : index
      %get3A_327 = tpu.vector_load %arg14[%get3A_325, %get3A_326] {strides = array<i32>} : memref<56x128xf32, #tpu.memory_space<vmem>>, vector<1x16xf32>,
      %get3A_328 = vector.shape_cast %get3A_327 : vector<1x16xf32> to vector<16xf32>
      %get3A_329 = arith.index_cast %scan3A_217 : i32 to index
      %get3A_330 = arith.constant 80 : index
      %get3A_331 = tpu.vector_load %arg16[%get3A_329, %get3A_330] {strides = array<i32>} : memref<56x128xf32, #tpu.memory_space<vmem>>, vector<1x16xf32>,
      %get3A_332 = vector.shape_cast %get3A_331 : vector<1x16xf32> to vector<16xf32>
      %add3A_333 = arith.addf %get3A_328, %get3A_332 : vector<16xf32>
      %get3A_334 = arith.index_cast %scan3A_217 : i32 to index
      %get3A_335 = arith.constant 80 : index
      %get3A_336 = tpu.vector_load %arg18[%get3A_334, %get3A_335] {strides = array<i32>} : memref<56x128xf32, #tpu.memory_space<vmem>>, vector<1x16xf32>,
      %get3A_337 = vector.shape_cast %get3A_336 : vector<1x16xf32> to vector<16xf32>
      %add3A_338 = arith.addf %add3A_333, %get3A_337 : vector<16xf32>
      %max3A_339 = arith.constant 0.000000e+00 : f32
      %max3A_340 = vector.broadcast %max3A_339 : f32 to vector<16xf32>
      %max3A_341 = arith.maximumf %add3A_338, %max3A_340 : vector<16xf32>
      %swap3A_342 = arith.index_cast %scan3A_217 : i32 to index
      %swap3A_343 = arith.constant 80 : index
      %swap3A_344 = tpu.vector_load %arg18[%swap3A_342, %swap3A_343] {strides = array<i32>} : memref<56x128xf32, #tpu.memory_space<vmem>>, vector<1x16xf32>,
      %swap3A_345 = vector.shape_cast %swap3A_344 : vector<1x16xf32> to vector<16xf32>
      %swap3A_346 = vector.shape_cast %max3A_341 : vector<16xf32> to vector<1x16xf32>
      tpu.vector_store %arg18[%swap3A_342, %swap3A_343], %swap3A_346 {strides = array<i32>} : memref<56x128xf32, #tpu.memory_space<vmem>>, vector<1x16xf32>,
      %get3A_347 = arith.index_cast %scan3A_217 : i32 to index
      %get3A_348 = arith.constant 96 : index
      %get3A_349 = tpu.vector_load %arg14[%get3A_347, %get3A_348] {strides = array<i32>} : memref<56x128xf32, #tpu.memory_space<vmem>>, vector<1x16xf32>,
      %get3A_350 = vector.shape_cast %get3A_349 : vector<1x16xf32> to vector<16xf32>
      %get3A_351 = arith.index_cast %scan3A_217 : i32 to index
      %get3A_352 = arith.constant 96 : index
      %get3A_353 = tpu.vector_load %arg16[%get3A_351, %get3A_352] {strides = array<i32>} : memref<56x128xf32, #tpu.memory_space<vmem>>, vector<1x16xf32>,
      %get3A_354 = vector.shape_cast %get3A_353 : vector<1x16xf32> to vector<16xf32>
      %add3A_355 = arith.addf %get3A_350, %get3A_354 : vector<16xf32>
      %get3A_356 = arith.index_cast %scan3A_217 : i32 to index
      %get3A_357 = arith.constant 96 : index
      %get3A_358 = tpu.vector_load %arg18[%get3A_356, %get3A_357] {strides = array<i32>} : memref<56x128xf32, #tpu.memory_space<vmem>>, vector<1x16xf32>,
      %get3A_359 = vector.shape_cast %get3A_358 : vector<1x16xf32> to vector<16xf32>
      %add3A_360 = arith.addf %add3A_355, %get3A_359 : vector<16xf32>
      %max3A_361 = arith.constant 0.000000e+00 : f32
      %max3A_362 = vector.broadcast %max3A_361 : f32 to vector<16xf32>
      %max3A_363 = arith.maximumf %add3A_360, %max3A_362 : vector<16xf32>
      %swap3A_364 = arith.index_cast %scan3A_217 : i32 to index
      %swap3A_365 = arith.constant 96 : index
      %swap3A_366 = tpu.vector_load %arg18[%swap3A_364, %swap3A_365] {strides = array<i32>} : memref<56x128xf32, #tpu.memory_space<vmem>>, vector<1x16xf32>,
      %swap3A_367 = vector.shape_cast %swap3A_366 : vector<1x16xf32> to vector<16xf32>
      %swap3A_368 = vector.shape_cast %max3A_363 : vector<16xf32> to vector<1x16xf32>
      tpu.vector_store %arg18[%swap3A_364, %swap3A_365], %swap3A_368 {strides = array<i32>} : memref<56x128xf32, #tpu.memory_space<vmem>>, vector<1x16xf32>,
      %get3A_369 = arith.index_cast %scan3A_217 : i32 to index
      %get3A_370 = arith.constant 112 : index
      %get3A_371 = tpu.vector_load %arg14[%get3A_369, %get3A_370] {strides = array<i32>} : memref<56x128xf32, #tpu.memory_space<vmem>>, vector<1x16xf32>,
      %get3A_372 = vector.shape_cast %get3A_371 : vector<1x16xf32> to vector<16xf32>
      %get3A_373 = arith.index_cast %scan3A_217 : i32 to index
      %get3A_374 = arith.constant 112 : index
      %get3A_375 = tpu.vector_load %arg16[%get3A_373, %get3A_374] {strides = array<i32>} : memref<56x128xf32, #tpu.memory_space<vmem>>, vector<1x16xf32>,
      %get3A_376 = vector.shape_cast %get3A_375 : vector<1x16xf32> to vector<16xf32>
      %add3A_377 = arith.addf %get3A_372, %get3A_376 : vector<16xf32>
      %get3A_378 = arith.index_cast %scan3A_217 : i32 to index
      %get3A_379 = arith.constant 112 : index
      %get3A_380 = tpu.vector_load %arg18[%get3A_378, %get3A_379] {strides = array<i32>} : memref<56x128xf32, #tpu.memory_space<vmem>>, vector<1x16xf32>,
      %get3A_381 = vector.shape_cast %get3A_380 : vector<1x16xf32> to vector<16xf32>
      %add3A_382 = arith.addf %add3A_377, %get3A_381 : vector<16xf32>
      %max3A_383 = arith.constant 0.000000e+00 : f32
      %max3A_384 = vector.broadcast %max3A_383 : f32 to vector<16xf32>
      %max3A_385 = arith.maximumf %add3A_382, %max3A_384 : vector<16xf32>
      %swap3A_386 = arith.index_cast %scan3A_217 : i32 to index
      %swap3A_387 = arith.constant 112 : index
      %swap3A_388 = tpu.vector_load %arg18[%swap3A_386, %swap3A_387] {strides = array<i32>} : memref<56x128xf32, #tpu.memory_space<vmem>>, vector<1x16xf32>,
      %swap3A_389 = vector.shape_cast %swap3A_388 : vector<1x16xf32> to vector<16xf32>
      %swap3A_390 = vector.shape_cast %max3A_385 : vector<16xf32> to vector<1x16xf32>
      tpu.vector_store %arg18[%swap3A_386, %swap3A_387], %swap3A_390 {strides = array<i32>} : memref<56x128xf32, #tpu.memory_space<vmem>>, vector<1x16xf32>,
    }
    %scan3A_211 = arith.constant 16 : i32
    "tpu.region"() ({
      %run_scoped3A = tpu.sem_alloc : memref<!tpu.dma_semaphore, #tpu.memory_space<semaphore_mem>>
      %dma_start3A_217 = arith.constant 0 : i32
      %dma_start3A_218 = arith.constant 0 : i32
      %dma_start3A_219 = tpu.memref_slice %arg18[%dma_start3A_217, %dma_start3A_218] : memref<56x128xf32, #tpu.memory_space<vmem>> -> memref<16x128xf32, #tpu.memory_space<vmem>>
      %dma_start3A_220 = arith.constant 0 : i32
      %dma_start3A_221 = tpu.memref_slice %arg6[%multiple_of3A_159, %dma_start3A_220] : memref<160000x128xf32, #tpu.memory_space<hbm>> -> memref<16x128xf32, #tpu.memory_space<hbm>>
      %dma_start3A_222 = arith.constant 0 : i32
      %dma_start3A_223 = tpu.memref_slice %arg6[%multiple_of3A_159, %dma_start3A_222] : memref<160000x128xf32, #tpu.memory_space<hbm>> -> memref<16x128xf32, #tpu.memory_space<hbm>>
      %dma_start3A_224 = arith.constant 0 : i32
      %dma_start3A_225 = arith.constant 0 : i32
      %dma_start3A_226 = tpu.memref_slice %arg18[%dma_start3A_224, %dma_start3A_225] : memref<56x128xf32, #tpu.memory_space<vmem>> -> memref<16x128xf32, #tpu.memory_space<vmem>>
      tpu.enqueue_dma source(%dma_start3A_226 : memref<16x128xf32, #tpu.memory_space<vmem>>) target(%dma_start3A_223 : memref<16x128xf32, #tpu.memory_space<hbm>>) target_semaphore(%run_scoped3A : memref<!tpu.dma_semaphore, #tpu.memory_space<semaphore_mem>>)
      %dma_wait3A_227 = arith.constant 0 : i32
      %dma_wait3A_228 = arith.constant 0 : i32
      %dma_wait3A_229 = tpu.memref_slice %arg18[%dma_wait3A_227, %dma_wait3A_228] : memref<56x128xf32, #tpu.memory_space<vmem>> -> memref<16x128xf32, #tpu.memory_space<vmem>>
      %dma_wait3A_230 = arith.constant 0 : i32
      %dma_wait3A_231 = tpu.memref_slice %arg6[%multiple_of3A_159, %dma_wait3A_230] : memref<160000x128xf32, #tpu.memory_space<hbm>> -> memref<16x128xf32, #tpu.memory_space<hbm>>
      %dma_wait3A_232 = arith.constant 0 : i32
      %dma_wait3A_233 = tpu.memref_slice %arg6[%multiple_of3A_159, %dma_wait3A_232] : memref<160000x128xf32, #tpu.memory_space<hbm>> -> memref<16x128xf32, #tpu.memory_space<hbm>>
      %dma_wait3A_234 = arith.constant 0 : i32
      %dma_wait3A_235 = arith.constant 0 : i32
      %dma_wait3A_236 = tpu.memref_slice %arg18[%dma_wait3A_234, %dma_wait3A_235] : memref<56x128xf32, #tpu.memory_space<vmem>> -> memref<16x128xf32, #tpu.memory_space<vmem>>
      tpu.wait_dma2 semaphore(%run_scoped3A : memref<!tpu.dma_semaphore, #tpu.memory_space<semaphore_mem>>) src(%dma_wait3A_236 : memref<16x128xf32, #tpu.memory_space<vmem>>) dst(%dma_wait3A_233 : memref<16x128xf32, #tpu.memory_space<hbm>>)
      tpu.yield
    }) : () -> ()
    "tpu.region"() ({
      %run_scoped3A = tpu.sem_alloc : memref<!tpu.dma_semaphore, #tpu.memory_space<semaphore_mem>>
      %dma_start3A_217 = arith.constant 0 : i32
      %dma_start3A_218 = arith.constant 0 : i32
      %dma_start3A_219 = tpu.memref_slice %arg18[%dma_start3A_217, %dma_start3A_218] : memref<56x128xf32, #tpu.memory_space<vmem>> -> memref<16x128xf32, #tpu.memory_space<vmem>>
      %dma_start3A_220 = arith.constant 0 : i32
      %dma_start3A_221 = arith.constant 0 : i32
      %dma_start3A_222 = tpu.memref_slice %arg20[%dma_start3A_220, %dma_start3A_221] : memref<10240x128xf32, #tpu.memory_space<vmem_shared>> -> memref<10240x128xf32, #tpu.memory_space<vmem_shared>>
      tpu.enqueue_indirect_dma source(%dma_start3A_219 : memref<16x128xf32, #tpu.memory_space<vmem>>) target(%dma_start3A_222 : memref<10240x128xf32, #tpu.memory_space<vmem_shared>>) offsets(%arg13 : memref<16xi32, #tpu.memory_space<vmem>>) semaphore(%run_scoped3A : memref<!tpu.dma_semaphore, #tpu.memory_space<semaphore_mem>>) {add = true}
      %dma_wait3A_223 = arith.constant 0 : i32
      %dma_wait3A_224 = arith.constant 0 : i32
      %dma_wait3A_225 = tpu.memref_slice %arg18[%dma_wait3A_223, %dma_wait3A_224] : memref<56x128xf32, #tpu.memory_space<vmem>> -> memref<16x128xf32, #tpu.memory_space<vmem>>
      %dma_wait3A_226 = arith.constant 0 : i32
      %dma_wait3A_227 = arith.constant 0 : i32
      %dma_wait3A_228 = tpu.memref_slice %arg20[%dma_wait3A_226, %dma_wait3A_227] : memref<10240x128xf32, #tpu.memory_space<vmem_shared>> -> memref<10240x128xf32, #tpu.memory_space<vmem_shared>>
      tpu.wait_indirect_dma semaphore(%run_scoped3A : memref<!tpu.dma_semaphore, #tpu.memory_space<semaphore_mem>>) src(%dma_wait3A_225 : memref<16x128xf32, #tpu.memory_space<vmem>>) dst(%dma_wait3A_228 : memref<10240x128xf32, #tpu.memory_space<vmem_shared>>)
      tpu.yield
    }) : () -> ()
    %barrier3A_212 = arith.constant 0 : index
    tpu.barrier barrier_id(%barrier3A_212)
    %mul3A_213 = arith.constant 640 : i32
    %mul3A_214 = arith.muli %arg1, %mul3A_213 : i32
    %mul3A_215 = arith.constant 640 : i32
    %mul3A_216 = arith.muli %arg1, %mul3A_215 : i32
    "tpu.region"() ({
      %run_scoped3A = tpu.sem_alloc : memref<!tpu.dma_semaphore, #tpu.memory_space<semaphore_mem>>
      %dma_start3A_217 = arith.constant 0 : i32
      %dma_start3A_218 = tpu.memref_slice %arg7[%arg0, %mul3A_216, %dma_start3A_217] : memref<2x10240x128xf32, #tpu.memory_space<hbm>> -> memref<1x640x128xf32, #tpu.memory_space<hbm>>
      %dma_start3A_219 = tpu.memref_squeeze %dma_start3A_218 : memref<1x640x128xf32, #tpu.memory_space<hbm>> -> memref<640x128xf32, #tpu.memory_space<hbm>>
      %dma_start3A_220 = arith.constant 0 : i32
      %dma_start3A_221 = tpu.memref_slice %arg20[%mul3A_214, %dma_start3A_220] : memref<10240x128xf32, #tpu.memory_space<vmem_shared>> -> memref<640x128xf32, #tpu.memory_space<vmem_shared>>
      tpu.enqueue_dma source(%dma_start3A_221 : memref<640x128xf32, #tpu.memory_space<vmem_shared>>) target(%dma_start3A_219 : memref<640x128xf32, #tpu.memory_space<hbm>>) target_semaphore(%run_scoped3A : memref<!tpu.dma_semaphore, #tpu.memory_space<semaphore_mem>>)
      %dma_wait3A_222 = arith.constant 0 : i32
      %dma_wait3A_223 = tpu.memref_slice %arg7[%arg0, %mul3A_216, %dma_wait3A_222] : memref<2x10240x128xf32, #tpu.memory_space<hbm>> -> memref<1x640x128xf32, #tpu.memory_space<hbm>>
      %dma_wait3A_224 = tpu.memref_squeeze %dma_wait3A_223 : memref<1x640x128xf32, #tpu.memory_space<hbm>> -> memref<640x128xf32, #tpu.memory_space<hbm>>
      %dma_wait3A_225 = arith.constant 0 : i32
      %dma_wait3A_226 = tpu.memref_slice %arg20[%mul3A_214, %dma_wait3A_225] : memref<10240x128xf32, #tpu.memory_space<vmem_shared>> -> memref<640x128xf32, #tpu.memory_space<vmem_shared>>
      tpu.wait_dma2 semaphore(%run_scoped3A : memref<!tpu.dma_semaphore, #tpu.memory_space<semaphore_mem>>) src(%dma_wait3A_226 : memref<640x128xf32, #tpu.memory_space<vmem_shared>>) dst(%dma_wait3A_224 : memref<640x128xf32, #tpu.memory_space<hbm>>)
      tpu.yield
    }) : () -> ()
    return
  }
}

module attributes {stable_mosaic.version = 14 : i64} {
  func.func @_ab_body(%arg0: i32, %arg1: memref<2000x128xf32, #tpu.memory_space<vmem>>, %arg2: memref<128x128xf32, #tpu.memory_space<vmem>>, %arg3: memref<128x128xf32, #tpu.memory_space<vmem>>, %arg4: memref<2000x128xf32, #tpu.memory_space<vmem>>, %arg5: memref<2000x128xf32, #tpu.memory_space<vmem>>) attributes {dimension_semantics = [#tpu.dimension_semantics<arbitrary>], iteration_bounds = array<i64: 5>, scalar_prefetch = 0 : i64, scratch_operands = 0 : i64, tpu.core_type = #tpu.core_type<tc>, window_params = [{transform_indices = @transform_0, window_bounds = array<i64: 2000, 128>}, {pipeline_mode = #tpu.pipeline_mode<synchronous>, transform_indices = @transform_1, window_bounds = array<i64: 128, 128>}, {pipeline_mode = #tpu.pipeline_mode<synchronous>, transform_indices = @transform_2, window_bounds = array<i64: 128, 128>}, {transform_indices = @transform_3, window_bounds = array<i64: 2000, 128>}, {transform_indices = @transform_4, window_bounds = array<i64: 2000, 128>}]} {
    %get3A = arith.constant 0 : index
    %get3A_0 = arith.constant 0 : index
    %get3A_1 = vector.load %arg1[%get3A, %get3A_0] : memref<2000x128xf32, #tpu.memory_space<vmem>>, vector<2000x128xf32>
    %get3A_2 = arith.constant 0 : index
    %get3A_3 = arith.constant 0 : index
    %get3A_4 = vector.load %arg2[%get3A_2, %get3A_3] : memref<128x128xf32, #tpu.memory_space<vmem>>, vector<128x128xf32>
    %dot_general3A = arith.constant dense<0.000000e+00> : vector<2000x128xf32>
    %dot_general3A_5 = tpu.matmul %get3A_1, %get3A_4, %dot_general3A {dimension_numbers = #tpu.dot_dimension_numbers<[1], [0], [0], [1], [0, 0, 1, 1], [], []>, precision = #tpu.contract_precision<fp32>, transpose_lhs_hint = false} : vector<2000x128xf32>, vector<128x128xf32>, vector<2000x128xf32> -> vector<2000x128xf32>
    %swap3A = arith.constant 0 : index
    %swap3A_6 = arith.constant 0 : index
    %swap3A_7 = vector.load %arg4[%swap3A, %swap3A_6] : memref<2000x128xf32, #tpu.memory_space<vmem>>, vector<2000x128xf32>
    tpu.vector_store %arg4[%swap3A, %swap3A_6], %dot_general3A_5 {strides = array<i32>} : memref<2000x128xf32, #tpu.memory_space<vmem>>, vector<2000x128xf32>,
    %get3A_8 = arith.constant 0 : index
    %get3A_9 = arith.constant 0 : index
    %get3A_10 = vector.load %arg3[%get3A_8, %get3A_9] : memref<128x128xf32, #tpu.memory_space<vmem>>, vector<128x128xf32>
    %dot_general3A_11 = arith.constant dense<0.000000e+00> : vector<2000x128xf32>
    %dot_general3A_12 = tpu.matmul %get3A_1, %get3A_10, %dot_general3A_11 {dimension_numbers = #tpu.dot_dimension_numbers<[1], [0], [0], [1], [0, 0, 1, 1], [], []>, precision = #tpu.contract_precision<fp32>, transpose_lhs_hint = false} : vector<2000x128xf32>, vector<128x128xf32>, vector<2000x128xf32> -> vector<2000x128xf32>
    %swap3A_13 = arith.constant 0 : index
    %swap3A_14 = arith.constant 0 : index
    %swap3A_15 = vector.load %arg5[%swap3A_13, %swap3A_14] : memref<2000x128xf32, #tpu.memory_space<vmem>>, vector<2000x128xf32>
    tpu.vector_store %arg5[%swap3A_13, %swap3A_14], %dot_general3A_12 {strides = array<i32>} : memref<2000x128xf32, #tpu.memory_space<vmem>>, vector<2000x128xf32>,
    return
  }
  func.func @transform_0(%arg0: i32) -> (i32, i32) {
    %c0_i32 = arith.constant 0 : i32
    %c0_i32_0 = arith.constant 0 : i32
    return %arg0, %c0_i32 : i32, i32
  }
  func.func @transform_1(%arg0: i32) -> (i32, i32) {
    %c0_i32 = arith.constant 0 : i32
    %c0_i32_0 = arith.constant 0 : i32
    %c0_i32_1 = arith.constant 0 : i32
    return %c0_i32, %c0_i32_0 : i32, i32
  }
  func.func @transform_2(%arg0: i32) -> (i32, i32) {
    %c0_i32 = arith.constant 0 : i32
    %c0_i32_0 = arith.constant 0 : i32
    %c0_i32_1 = arith.constant 0 : i32
    return %c0_i32, %c0_i32_0 : i32, i32
  }
  func.func @transform_3(%arg0: i32) -> (i32, i32) {
    %c0_i32 = arith.constant 0 : i32
    %c0_i32_0 = arith.constant 0 : i32
    return %arg0, %c0_i32 : i32, i32
  }
  func.func @transform_4(%arg0: i32) -> (i32, i32) {
    %c0_i32 = arith.constant 0 : i32
    %c0_i32_0 = arith.constant 0 : i32
    return %arg0, %c0_i32 : i32, i32
  }
}

module attributes {stable_mosaic.version = 14 : i64} {
  func.func @_c_body(%arg0: i32, %arg1: memref<16x6400xf32, #tpu.memory_space<vmem>>, %arg2: memref<16x128xf32, #tpu.memory_space<vmem>>, %arg3: memref<1x128xf32, #tpu.memory_space<vmem>>, %arg4: memref<6400x128xf32, #tpu.memory_space<vmem>>) attributes {dimension_semantics = [#tpu.dimension_semantics<arbitrary>], iteration_bounds = array<i64: 25>, scalar_prefetch = 0 : i64, scratch_operands = 0 : i64, tpu.core_type = #tpu.core_type<tc>, window_params = [{transform_indices = @transform_0, window_bounds = array<i64: 16, 6400>}, {pipeline_mode = #tpu.pipeline_mode<synchronous>, transform_indices = @transform_1, window_bounds = array<i64: 16, 128>}, {pipeline_mode = #tpu.pipeline_mode<synchronous>, transform_indices = @transform_2, window_bounds = array<i64: 1, 128>}, {transform_indices = @transform_3, window_bounds = array<i64: 6400, 128>}]} {
    %get3A = arith.constant 0 : index
    %get3A_0 = arith.constant 0 : index
    %get3A_1 = vector.load %arg1[%get3A, %get3A_0] : memref<16x6400xf32, #tpu.memory_space<vmem>>, vector<16x6400xf32>
    %get3A_2 = arith.constant 0 : index
    %get3A_3 = arith.constant 0 : index
    %get3A_4 = vector.load %arg2[%get3A_2, %get3A_3] : memref<16x128xf32, #tpu.memory_space<vmem>>, vector<16x128xf32>
    %dot_general3A = arith.constant dense<0.000000e+00> : vector<6400x128xf32>
    %dot_general3A_5 = tpu.matmul %get3A_1, %get3A_4, %dot_general3A {dimension_numbers = #tpu.dot_dimension_numbers<[0], [0], [1], [1], [0, 1, 1, 1], [], []>, precision = #tpu.contract_precision<fp32>, transpose_lhs_hint = false} : vector<16x6400xf32>, vector<16x128xf32>, vector<6400x128xf32> -> vector<6400x128xf32>
    %get3A_6 = arith.constant 0 : index
    %get3A_7 = arith.constant 0 : index
    %get3A_8 = vector.load %arg3[%get3A_6, %get3A_7] : memref<1x128xf32, #tpu.memory_space<vmem>>, vector<1x128xf32>
    %add3A = vector.broadcast %get3A_8 : vector<1x128xf32> to vector<6400x128xf32>
    %add3A_9 = arith.addf %dot_general3A_5, %add3A : vector<6400x128xf32>
    %swap3A = arith.constant 0 : index
    %swap3A_10 = arith.constant 0 : index
    %swap3A_11 = vector.load %arg4[%swap3A, %swap3A_10] : memref<6400x128xf32, #tpu.memory_space<vmem>>, vector<6400x128xf32>
    tpu.vector_store %arg4[%swap3A, %swap3A_10], %add3A_9 {strides = array<i32>} : memref<6400x128xf32, #tpu.memory_space<vmem>>, vector<6400x128xf32>,
    return
  }
  func.func @transform_0(%arg0: i32) -> (i32, i32) {
    %c0_i32 = arith.constant 0 : i32
    %c0_i32_0 = arith.constant 0 : i32
    return %c0_i32, %arg0 : i32, i32
  }
  func.func @transform_1(%arg0: i32) -> (i32, i32) {
    %c0_i32 = arith.constant 0 : i32
    %c0_i32_0 = arith.constant 0 : i32
    %c0_i32_1 = arith.constant 0 : i32
    return %c0_i32, %c0_i32_0 : i32, i32
  }
  func.func @transform_2(%arg0: i32) -> (i32, i32) {
    %c0_i32 = arith.constant 0 : i32
    %c0_i32_0 = arith.constant 0 : i32
    %c0_i32_1 = arith.constant 0 : i32
    return %c0_i32, %c0_i32_0 : i32, i32
  }
  func.func @transform_3(%arg0: i32) -> (i32, i32) {
    %c0_i32 = arith.constant 0 : i32
    %c0_i32_0 = arith.constant 0 : i32
    return %arg0, %c0_i32 : i32, i32
  }
}

module attributes {stable_mosaic.version = 14 : i64} {
  func.func @_v_body(%arg0: i32, %arg1: memref<1x2000x128xf32, #tpu.memory_space<vmem>>, %arg2: memref<1x2000x128xf32, #tpu.memory_space<vmem>>, %arg3: memref<2000x128xf32, #tpu.memory_space<vmem>>, %arg4: memref<128x128xf32, #tpu.memory_space<vmem>>, %arg5: memref<128x128xf32, #tpu.memory_space<vmem>>, %arg6: memref<1x128xf32, #tpu.memory_space<vmem>>, %arg7: memref<128x128xf32, #tpu.memory_space<vmem>>, %arg8: memref<1x128xf32, #tpu.memory_space<vmem>>, %arg9: memref<2000x128xf32, #tpu.memory_space<vmem>>, %arg10: memref<1x128xf32, #tpu.memory_space<vmem>>, %arg11: memref<1x128xf32, #tpu.memory_space<vmem>>) attributes {dimension_semantics = [#tpu.dimension_semantics<arbitrary>], iteration_bounds = array<i64: 5>, scalar_prefetch = 0 : i64, scratch_operands = 1 : i64, tpu.core_type = #tpu.core_type<tc>, window_params = [{transform_indices = @transform_0, window_bounds = array<i64: 1, 2000, 128>}, {transform_indices = @transform_1, window_bounds = array<i64: 1, 2000, 128>}, {transform_indices = @transform_2, window_bounds = array<i64: 2000, 128>}, {pipeline_mode = #tpu.pipeline_mode<synchronous>, transform_indices = @transform_3, window_bounds = array<i64: 128, 128>}, {pipeline_mode = #tpu.pipeline_mode<synchronous>, transform_indices = @transform_4, window_bounds = array<i64: 128, 128>}, {pipeline_mode = #tpu.pipeline_mode<synchronous>, transform_indices = @transform_5, window_bounds = array<i64: 1, 128>}, {pipeline_mode = #tpu.pipeline_mode<synchronous>, transform_indices = @transform_6, window_bounds = array<i64: 128, 128>}, {pipeline_mode = #tpu.pipeline_mode<synchronous>, transform_indices = @transform_7, window_bounds = array<i64: 1, 128>}, {transform_indices = @transform_8, window_bounds = array<i64: 2000, 128>}, {pipeline_mode = #tpu.pipeline_mode<synchronous>, transform_indices = @transform_9, window_bounds = array<i64: 1, 128>}]} {
    %get3A = arith.constant 0 : index
    %get3A_0 = arith.constant 0 : index
    %get3A_1 = arith.constant 0 : index
    %get3A_2 = vector.load %arg1[%get3A, %get3A_0, %get3A_1] : memref<1x2000x128xf32, #tpu.memory_space<vmem>>, vector<1x2000x128xf32>
    %get3A_3 = vector.shape_cast %get3A_2 : vector<1x2000x128xf32> to vector<2000x128xf32>
    %get3A_4 = arith.constant 0 : index
    %get3A_5 = arith.constant 0 : index
    %get3A_6 = arith.constant 0 : index
    %get3A_7 = vector.load %arg2[%get3A_4, %get3A_5, %get3A_6] : memref<1x2000x128xf32, #tpu.memory_space<vmem>>, vector<1x2000x128xf32>
    %get3A_8 = vector.shape_cast %get3A_7 : vector<1x2000x128xf32> to vector<2000x128xf32>
    %add3A = arith.addf %get3A_3, %get3A_8 : vector<2000x128xf32>
    %get3A_9 = arith.constant 0 : index
    %get3A_10 = arith.constant 0 : index
    %get3A_11 = vector.load %arg4[%get3A_9, %get3A_10] : memref<128x128xf32, #tpu.memory_space<vmem>>, vector<128x128xf32>
    %dot_general3A = arith.constant dense<0.000000e+00> : vector<2000x128xf32>
    %dot_general3A_12 = tpu.matmul %add3A, %get3A_11, %dot_general3A {dimension_numbers = #tpu.dot_dimension_numbers<[1], [0], [0], [1], [0, 0, 1, 1], [], []>, precision = #tpu.contract_precision<fp32>, transpose_lhs_hint = false} : vector<2000x128xf32>, vector<128x128xf32>, vector<2000x128xf32> -> vector<2000x128xf32>
    %get3A_13 = arith.constant 0 : index
    %get3A_14 = arith.constant 0 : index
    %get3A_15 = vector.load %arg3[%get3A_13, %get3A_14] : memref<2000x128xf32, #tpu.memory_space<vmem>>, vector<2000x128xf32>
    %get3A_16 = arith.constant 0 : index
    %get3A_17 = arith.constant 0 : index
    %get3A_18 = vector.load %arg5[%get3A_16, %get3A_17] : memref<128x128xf32, #tpu.memory_space<vmem>>, vector<128x128xf32>
    %dot_general3A_19 = arith.constant dense<0.000000e+00> : vector<2000x128xf32>
    %dot_general3A_20 = tpu.matmul %get3A_15, %get3A_18, %dot_general3A_19 {dimension_numbers = #tpu.dot_dimension_numbers<[1], [0], [0], [1], [0, 0, 1, 1], [], []>, precision = #tpu.contract_precision<fp32>, transpose_lhs_hint = false} : vector<2000x128xf32>, vector<128x128xf32>, vector<2000x128xf32> -> vector<2000x128xf32>
    %add3A_21 = arith.addf %dot_general3A_12, %dot_general3A_20 : vector<2000x128xf32>
    %get3A_22 = arith.constant 0 : index
    %get3A_23 = arith.constant 0 : index
    %get3A_24 = vector.load %arg6[%get3A_22, %get3A_23] : memref<1x128xf32, #tpu.memory_space<vmem>>, vector<1x128xf32>
    %add3A_25 = vector.broadcast %get3A_24 : vector<1x128xf32> to vector<2000x128xf32>
    %add3A_26 = arith.addf %add3A_21, %add3A_25 : vector<2000x128xf32>
    %max3A = arith.constant 0.000000e+00 : f32
    %max3A_27 = vector.broadcast %max3A : f32 to vector<2000x128xf32>
    %max3A_28 = arith.maximumf %add3A_26, %max3A_27 : vector<2000x128xf32>
    %swap3A = arith.constant 0 : index
    %swap3A_29 = arith.constant 0 : index
    %swap3A_30 = vector.load %arg9[%swap3A, %swap3A_29] : memref<2000x128xf32, #tpu.memory_space<vmem>>, vector<2000x128xf32>
    tpu.vector_store %arg9[%swap3A, %swap3A_29], %max3A_28 {strides = array<i32>} : memref<2000x128xf32, #tpu.memory_space<vmem>>, vector<2000x128xf32>,
    %reduce_sum3A = arith.constant dense<0.000000e+00> : vector<128xf32>
    %reduce_sum3A_31 = vector.multi_reduction <add>, %max3A_28, %reduce_sum3A [0] : vector<2000x128xf32> to vector<128xf32>
    %broadcast_in_dim3A = vector.shape_cast %reduce_sum3A_31 : vector<128xf32> to vector<1x128xf32>
    %eq3A = arith.constant 0 : i32
    %eq3A_32 = arith.cmpi eq, %arg0, %eq3A : i32
    %convert_element_type3A = arith.extui %eq3A_32 : i1 to i32
    %cond3A = arith.constant 0 : i32
    %cond3A_33 = arith.cmpi ne, %convert_element_type3A, %cond3A : i32
    scf.if %cond3A_33 {
      %swap3A_43 = arith.constant 0 : index
      %swap3A_44 = arith.constant 0 : index
      %swap3A_45 = vector.load %arg11[%swap3A_43, %swap3A_44] : memref<1x128xf32, #tpu.memory_space<vmem>>, vector<1x128xf32>
      tpu.vector_store %arg11[%swap3A_43, %swap3A_44], %broadcast_in_dim3A {strides = array<i32>} : memref<1x128xf32, #tpu.memory_space<vmem>>, vector<1x128xf32>,
    } else {
    }
    %gt3A = arith.constant 0 : i32
    %gt3A_34 = arith.cmpi sgt, %arg0, %gt3A : i32
    %convert_element_type3A_35 = arith.extui %gt3A_34 : i1 to i32
    %cond3A_36 = arith.constant 0 : i32
    %cond3A_37 = arith.cmpi ne, %convert_element_type3A_35, %cond3A_36 : i32
    scf.if %cond3A_37 {
      %get3A_43 = arith.constant 0 : index
      %get3A_44 = arith.constant 0 : index
      %get3A_45 = vector.load %arg11[%get3A_43, %get3A_44] : memref<1x128xf32, #tpu.memory_space<vmem>>, vector<1x128xf32>
      %add3A_46 = arith.addf %get3A_45, %broadcast_in_dim3A : vector<1x128xf32>
      %swap3A_47 = arith.constant 0 : index
      %swap3A_48 = arith.constant 0 : index
      %swap3A_49 = vector.load %arg11[%swap3A_47, %swap3A_48] : memref<1x128xf32, #tpu.memory_space<vmem>>, vector<1x128xf32>
      tpu.vector_store %arg11[%swap3A_47, %swap3A_48], %add3A_46 {strides = array<i32>} : memref<1x128xf32, #tpu.memory_space<vmem>>, vector<1x128xf32>,
    } else {
    }
    %eq3A_38 = arith.constant 4 : i32
    %eq3A_39 = arith.cmpi eq, %arg0, %eq3A_38 : i32
    %convert_element_type3A_40 = arith.extui %eq3A_39 : i1 to i32
    %cond3A_41 = arith.constant 0 : i32
    %cond3A_42 = arith.cmpi ne, %convert_element_type3A_40, %cond3A_41 : i32
    scf.if %cond3A_42 {
      %get3A_43 = arith.constant 0 : index
      %get3A_44 = arith.constant 0 : index
      %get3A_45 = vector.load %arg11[%get3A_43, %get3A_44] : memref<1x128xf32, #tpu.memory_space<vmem>>, vector<1x128xf32>
      %get3A_46 = arith.constant 0 : index
      %get3A_47 = arith.constant 0 : index
      %get3A_48 = vector.load %arg7[%get3A_46, %get3A_47] : memref<128x128xf32, #tpu.memory_space<vmem>>, vector<128x128xf32>
      %dot_general3A_49 = arith.constant dense<0.000000e+00> : vector<1x128xf32>
      %dot_general3A_50 = tpu.matmul %get3A_45, %get3A_48, %dot_general3A_49 {dimension_numbers = #tpu.dot_dimension_numbers<[1], [0], [0], [1], [0, 0, 1, 1], [], []>, precision = #tpu.contract_precision<fp32>, transpose_lhs_hint = false} : vector<1x128xf32>, vector<128x128xf32>, vector<1x128xf32> -> vector<1x128xf32>
      %get3A_51 = arith.constant 0 : index
      %get3A_52 = arith.constant 0 : index
      %get3A_53 = vector.load %arg8[%get3A_51, %get3A_52] : memref<1x128xf32, #tpu.memory_space<vmem>>, vector<1x128xf32>
      %add3A_54 = arith.addf %dot_general3A_50, %get3A_53 : vector<1x128xf32>
      %max3A_55 = arith.constant 0.000000e+00 : f32
      %max3A_56 = vector.broadcast %max3A_55 : f32 to vector<1x128xf32>
      %max3A_57 = arith.maximumf %add3A_54, %max3A_56 : vector<1x128xf32>
      %swap3A_58 = arith.constant 0 : index
      %swap3A_59 = arith.constant 0 : index
      %swap3A_60 = vector.load %arg10[%swap3A_58, %swap3A_59] : memref<1x128xf32, #tpu.memory_space<vmem>>, vector<1x128xf32>
      tpu.vector_store %arg10[%swap3A_58, %swap3A_59], %max3A_57 {strides = array<i32>} : memref<1x128xf32, #tpu.memory_space<vmem>>, vector<1x128xf32>,
    } else {
    }
    return
  }
  func.func @transform_0(%arg0: i32) -> (i32, i32, i32) {
    %c0_i32 = arith.constant 0 : i32
    %c0_i32_0 = arith.constant 0 : i32
    %c0_i32_1 = arith.constant 0 : i32
    return %c0_i32, %arg0, %c0_i32_0 : i32, i32, i32
  }
  func.func @transform_1(%arg0: i32) -> (i32, i32, i32) {
    %c1_i32 = arith.constant 1 : i32
    %c0_i32 = arith.constant 0 : i32
    %c0_i32_0 = arith.constant 0 : i32
    return %c1_i32, %arg0, %c0_i32 : i32, i32, i32
  }
  func.func @transform_2(%arg0: i32) -> (i32, i32) {
    %c0_i32 = arith.constant 0 : i32
    %c0_i32_0 = arith.constant 0 : i32
    return %arg0, %c0_i32 : i32, i32
  }
  func.func @transform_3(%arg0: i32) -> (i32, i32) {
    %c0_i32 = arith.constant 0 : i32
    %c0_i32_0 = arith.constant 0 : i32
    %c0_i32_1 = arith.constant 0 : i32
    return %c0_i32, %c0_i32_0 : i32, i32
  }
  func.func @transform_4(%arg0: i32) -> (i32, i32) {
    %c0_i32 = arith.constant 0 : i32
    %c0_i32_0 = arith.constant 0 : i32
    %c0_i32_1 = arith.constant 0 : i32
    return %c0_i32, %c0_i32_0 : i32, i32
  }
  func.func @transform_5(%arg0: i32) -> (i32, i32) {
    %c0_i32 = arith.constant 0 : i32
    %c0_i32_0 = arith.constant 0 : i32
    %c0_i32_1 = arith.constant 0 : i32
    return %c0_i32, %c0_i32_0 : i32, i32
  }
  func.func @transform_6(%arg0: i32) -> (i32, i32) {
    %c0_i32 = arith.constant 0 : i32
    %c0_i32_0 = arith.constant 0 : i32
    %c0_i32_1 = arith.constant 0 : i32
    return %c0_i32, %c0_i32_0 : i32, i32
  }
  func.func @transform_7(%arg0: i32) -> (i32, i32) {
    %c0_i32 = arith.constant 0 : i32
    %c0_i32_0 = arith.constant 0 : i32
    %c0_i32_1 = arith.constant 0 : i32
    return %c0_i32, %c0_i32_0 : i32, i32
  }
  func.func @transform_8(%arg0: i32) -> (i32, i32) {
    %c0_i32 = arith.constant 0 : i32
    %c0_i32_0 = arith.constant 0 : i32
    return %arg0, %c0_i32 : i32, i32
  }
  func.func @transform_9(%arg0: i32) -> (i32, i32) {
    %c0_i32 = arith.constant 0 : i32
    %c0_i32_0 = arith.constant 0 : i32
    %c0_i32_1 = arith.constant 0 : i32
    return %c0_i32, %c0_i32_0 : i32, i32
  }
}

</mosaic_0001>

<sc_bundles>
// kernel: kernel.6.cloned.1.call-start
scs
__scs_entry_jumppad:
0x0: {  	(pc) =	sbr.rel $0x88, $3  }
0x1: {  	(tag) =	ssettag $0x0;
	lr =	simm.s32 $0x1  }
0x2: {  	[smem:$0x3F98] =	sst lr;
	_ =	strace $0xD0000000  }
0x3: {  	_ = 	snop  }
0x4: {  	_ = 	snop  }
0x5: {  	_ = 	snop  }
0x6: {  	_ = 	snop  }
0x7: {  	_ = 	snop  }
__scs_overlays_trampoline_lowered:
0x8: {  	[smem:$0x3FA7] =	sst s0  }
0x9: {  	[smem:$0x3FA8] =	sst s1  }
0xa: {  	[smem:$0x3FA9] =	sst s2  }
0xb: {  	[smem:$0x3FAA] =	sst s3  }
0xc: {  	[smem:$0x3FAB] =	sst s4  }
0xd: {  	[smem:$0x3FAC] =	sst s5  }
0xe: {  	[smem:$0x3FAD] =	sst s6  }
0xf: {  	[smem:$0x3FAE] =	sst s7  }
0x10: {  	[smem:$0x3FAF] =	sst s8  }
0x11: {  	[smem:$0x3FB0] =	sst s9;
	s0 =	simm.s32 @!p0 $0x0  }
0x12: {  	s1 =	sld [smem:$0x3F96];
	s0 =	simm.s32 @p0 $0x1  }
0x13: {  	[smem:$0x3FB1] =	sst s0;
	s0 =	simm.s32 @!p1 $0x0  }
0x14: {  	s2 =	sld [smem:$0x3F95];
	s0 =	simm.s32 @p1 $0x1  }
0x15: {  	[smem:$0x3FB2] =	sst s0;
	s0 =	simm.s32 @!p2 $0x0  }
0x16: {  	s3 =	sld [smem:$0x3FDB];
	s0 =	simm.s32 @p2 $0x1  }
0x17: {  	s4 =	simm.s32 $0x1BF5;
	[smem:$0x3FB4] =	sst s0  }
0x18: {  	s0 =	sld [smem:$0x3F97];
	_ =	swait.ge [sflag:s4], $0x0  }
0x19: {  	s7 =	sld [smem:$0x3F98]  }
0x1a: {  	s8 =	sadd.s32 $0xFFFFE003, lr  }
0x1b: {  	s9 =	sadd.s32 $0xFFFFFEF7, lr;
	s5 =	simm.s32 $0xFFFFFFFF;
	p2 =	slt.u32 s8, $0xFFFFF086  }
0x1c: {  	p1 =	slt.u32 s9, $0xF7A;
	s5 =	simm.s32 @!p2 $0x0  }
0x1d: {  	s5 =	simm.s32 @p1 $0x1;
	p0 =	seq.s32 s7, s2  }
0x1e: {  	s7 =	smul.u32 @!p0 $0xF7A, s2;
	p2 =	seq.s32 @!p0 s5, $0x0  }
0x1f: {  	s9 =	smul.u32 $0xF7A, s1;
	s8 =	simm.s32 @!p0 $0x1BF5;
	p2 =	por !p2, p0  }
0x20: {  	[sflag:s8] =	ssyncset.s32 @!p0 $0xFFFFF086;
	s6 =	sadd.s32 @!p0 s3, s7;
	s7 =	simm.s32 @!p0 $0x108  }
0x21: {  	s3 =	sadd.s32 s3, s9;
	s6 =	sadd.s32 @!p0 $0x88, s6;
	s7 =	simm.s32 @p2 $0x1082  }
0x22: {  	[simem:s7], [sflag:s8] =	dma.local @!p0 [hbm:s6], $0xF7A  }
0x23: {  	s9 =	sor.u32 $0xD0000000, s2;
	s6 =	simm.s32 $0x108;
	_ =	swait.ge @!p0 [sflag:s8], $0x0  }
0x24: {  	s3 =	sadd.s32 $0x88, s3;
	s6 =	simm.s32 @!p1 $0x1082;
	[sflag:s4] =	ssyncset.s32 $0xFFFFF086  }
0x25: {  	[simem:s6], [sflag:s4] =	dma.local [hbm:s3], $0xF7A  }
0x26: {  	[smem:$0x3F98] =	sst s1;
	(tag) =	ssettag s2;
	_ =	strace s9  }
0x27: {  	s1 =	sld [smem:$0x3FA8]  }
0x28: {  	s2 =	sld [smem:$0x3FA9]  }
0x29: {  	s4 =	sld [smem:$0x3FAB]  }
0x2a: {  	p0 =	seq.s32 s5, $0x0;
	s5 =	sld [smem:$0x3FAC]  }
0x2b: {  	s6 =	sld [smem:$0x3FAD]  }
0x2c: {  	s7 =	sld [smem:$0x3FAE]  }
0x2d: {  	s3 =	simm.s32 $0x108;
	s8 =	sld [smem:$0x3FAF]  }
0x2e: {  	s3 =	simm.s32 @!p0 $0x1082;
	s9 =	sld [smem:$0x3FB0]  }
0x2f: {  	lr =	sadd.s32 s0, s3;
	s0 =	sld [smem:$0x3FA7]  }
0x30: {  	s3 =	sld [smem:$0x3FAA]  }
0x31: {  	[smem:$0x3FB3] =	sst s10  }
0x32: {  	s10 =	sld [smem:$0x3FB1];
	_ =	sdelay $0x3  }
0x33: {  	p0 =	seq.s32 s10, $0x1;
	s10 =	sld [smem:$0x3FB3];
	_ =	sdelay $0x3  }
0x34: {  	[smem:$0x3FB3] =	sst s10  }
0x35: {  	s10 =	sld [smem:$0x3FB2];
	_ =	sdelay $0x3  }
0x36: {  	p1 =	seq.s32 s10, $0x1;
	s10 =	sld [smem:$0x3FB3];
	_ =	sdelay $0x3  }
0x37: {  	[smem:$0x3FB3] =	sst s10  }
0x38: {  	s10 =	sld [smem:$0x3FB4]  }
0x39: {  	_ = 	snop;
	(pc) =	sbr.ind lr, $3  }
0x3a: {  	_ = 	snop  }
0x3b: {  	_ = 	snop  }
0x3c: {  	p2 =	seq.s32 s10, $0x1;
	s10 =	sld [smem:$0x3FB3]  }
0x3d: {  	_ =	shalt  }
0x3e: {  	_ =	shalt  }
0x3f: {  	_ =	shalt  }
0x40: {  	_ =	shalt  }
0x41: {  	_ =	shalt  }
0x42: {  	_ =	shalt  }
0x43: {  	_ =	shalt  }
0x44: {  	_ =	shalt  }
0x45: {  	_ =	shalt  }
0x46: {  	_ =	shalt  }
0x47: {  	_ =	shalt  }
0x48: {  	_ =	shalt  }
0x49: {  	_ =	shalt  }
0x4a: {  	_ =	shalt  }
0x4b: {  	_ =	shalt  }
0x4c: {  	_ =	shalt  }
0x4d: {  	_ =	shalt  }
0x4e: {  	_ =	shalt  }
0x4f: {  	_ =	shalt  }
0x50: {  	_ =	shalt  }
0x51: {  	_ =	shalt  }
0x52: {  	_ =	shalt  }
0x53: {  	_ =	shalt  }
0x54: {  	_ =	shalt  }
0x55: {  	_ =	shalt  }
0x56: {  	_ =	shalt  }
0x57: {  	_ =	shalt  }
0x58: {  	_ =	shalt  }
0x59: {  	_ =	shalt  }
0x5a: {  	_ =	shalt  }
0x5b: {  	_ =	shalt  }
0x5c: {  	_ =	shalt  }
0x5d: {  	_ =	shalt  }
0x5e: {  	_ =	shalt  }
0x5f: {  	_ =	shalt  }
0x60: {  	_ =	shalt  }
0x61: {  	_ =	shalt  }
0x62: {  	_ =	shalt  }
0x63: {  	_ =	shalt  }
0x64: {  	_ =	shalt  }
0x65: {  	_ =	shalt  }
0x66: {  	_ =	shalt  }
0x67: {  	_ =	shalt  }
0x68: {  	_ =	shalt  }
0x69: {  	_ =	shalt  }
0x6a: {  	_ =	shalt  }
0x6b: {  	_ =	shalt  }
0x6c: {  	_ =	shalt  }
0x6d: {  	_ =	shalt  }
0x6e: {  	_ =	shalt  }
0x6f: {  	_ =	shalt  }
0x70: {  	_ =	shalt  }
0x71: {  	_ =	shalt  }
0x72: {  	_ =	shalt  }
0x73: {  	_ =	shalt  }
0x74: {  	_ =	shalt  }
0x75: {  	_ =	shalt  }
0x76: {  	_ =	shalt  }
0x77: {  	_ =	shalt  }
0x78: {  	_ =	shalt  }
0x79: {  	_ =	shalt  }
0x7a: {  	_ =	shalt  }
0x7b: {  	_ =	shalt  }
0x7c: {  	_ =	shalt  }
0x7d: {  	_ =	shalt  }
0x7e: {  	_ =	shalt  }
0x7f: {  	_ =	shalt  }
0x80: {  	_ =	shalt  }
0x81: {  	_ =	shalt  }
0x82: {  	_ =	shalt  }
0x83: {  	_ =	shalt  }
0x84: {  	_ =	shalt  }
0x85: {  	_ =	shalt  }
0x86: {  	_ =	shalt  }
0x87: {  	_ =	shalt  }
.Lfunc_end0:
.L_simem_size_0:
called_computation_lowered:
.L_overlay_start_0:
0x88: {  	s2 =	sld [smem:$0x3FD9]  }
0x89: {  	s3 =	sld [smem:$0x3FFE];
	_ =	sdelay $0x1  }
0x8a: {  	s1 =	srdreg.scid  }
0x8b: {  	s0 =	sand.u32 $0x1, s1  }
0x8c: {  	s14 =	sshll.u32 s0, $0xA;
	s2 =	sadd.s32 s3, s2  }
0x8d: {  	s2 =	sadd.s32 s2, s14  }
0x8e: {  	[smem:$0x3FBF] =	sst s2  }
0x8f: {  	_ = 	snop  }
0x90: {  	s2 =	sld [smem:$0x3FD0];
	_ =	sdelay $0x2  }
0x91: {  	s15 =	simm.s32 $0xA;
	s4 =	simm.s32 $0x10  }
0x92: {  	[smem:s4], [sflag:s15] =	dma.local [hbm:s2], $0x1  }
0x93: {  	_ =	swait.eq [sflag:s15], $0x1  }
0x94: {  	[sflag:s15] =	ssyncset.done $0x0  }
0x95: {  	s16 =	sld [smem:$0x10];
	[sflag:s15] =	ssyncadd.s32 $0xFFFFFFFF  }
0x96: {  	s17 =	sld [smem:$0x11];
	(tm) =	ssettm $0x1  }
0x97: {  	s18 =	sld [smem:$0x3FFB];
	_ =	sdelay $0x3  }
0x98: {  	_ =	strace s18  }
0x99: {  	s4 =	sld [smem:$0x3FFC];
	_ =	sdelay $0x3  }
0x9a: {  	_ =	strace s4  }
0x9b: {  	s4 =	sld [smem:$0x3FFD];
	_ =	sdelay $0x3  }
0x9c: {  	_ =	strace s4  }
0x9d: {  	_ =	strace $0x8FFFFFFF  }
0x9e: {  	s19 =	sld [smem:$0x3FDB];
	_ =	sdelay $0x1  }
0x9f: {  	s5 =	simm.s32 $_scs_section_size  }
0xa0: {  	s6 =	simm.s32 $_size__tile_overlayer_lowered;
	s7 =	simm.s32 $_tile_overlayer_lowered  }
0xa1: {  	s22 =	simm.s32 $0x1BFF;
	s21 =	sshll.u32 s7, $0x1;
	s4 =	sadd.s32 s5, s19  }
0xa2: {  	s8 =	simm.s32 $0x0;
	s20 =	sshll.u32 s6, $0x1;
	s6 =	sadd.s32 s21, s4  }
0xa3: {  	[timem:s8], [sflag:s22] =	dma.local [hbm:s6], s20  }
0xa4: {  	_ =	swait.ge [sflag:s22], s20  }
0xa5: {  	s5 =	ssub.s32 $0x0, s20;
	[sflag:s22] =	ssyncset.done $0x0  }
0xa6: {  	[sflag:s22] =	ssyncadd.s32 s5;
	_ =	sdelay $0x1  }
0xa7: {  	s23 =	simm.s32 $0x1B8B  }
0xa8: {  	_ =	swait.ge [sflag:s23], $0x1  }
0xa9: {  	[sflag:s23] =	ssyncset.done $0x0  }
0xaa: {  	s25 =	simm.s32 $0x1B8E;
	s24 =	sld [smem:$0x3FFE];
	[sflag:s23] =	ssyncadd.s32 $0xFFFFFFFF  }
0xab: {  	s26 =	simm.s32 $execute0_lowered;
	[smem:$0x3FD2] =	sst s25  }
0xac: {  	s6 =	sshll.u32 s26, $0x1;
	_ =	strace $0x80000046;
	[dreg:$0x1] =	wrdreg $0xFFFFFFFF  }
0xad: {  	s28 =	simm.s32 $_size_execute0_lowered;
	s4 =	sadd.s32 s4, s6;
	[dreg:$0x0] =	wrdreg $0x0  }
0xae: {  	s6 =	sshll.u32 s28, $0x1;
	[dreg:$0x2] =	wrdreg s4  }
0xaf: {  	[dreg:$0x3] =	wrdreg s6  }
0xb0: {  	[dreg:$0x4] =	wrdreg $0xC0  }
0xb1: {  	_ =	task [dreg:s8], $0x5FFFF  }
0xb2: {  	[dreg:$0x1] =	wrdreg $0xFFFFFFFF  }
0xb3: {  	[dreg:$0x0] =	wrdreg $0x60  }
0xb4: {  	[dreg:$0x2] =	wrdreg s17  }
0xb5: {  	[dreg:$0x3] =	wrdreg s24  }
0xb6: {  	[dreg:$0x4] =	wrdreg s16  }
0xb7: {  	[dreg:$0x5] =	wrdreg $0xAB000  }
0xb8: {  	[dreg:$0x6] =	wrdreg $0x9  }
0xb9: {  	_ =	task.clear_ibuf [dreg:s8], $0x7FFFF;
	_ =	strace $0x90000046  }
0xba: {  	s29 =	simm.s32 $0x9;
	_ =	strace $0x80000048  }
0xbb: {  	_ =	swait.ge [sflag:s29], $0x1  }
0xbc: {  	[sflag:s29] =	ssyncadd.s32 $0xFFFFFFFF  }
0xbd: {  	_ =	strace $0x90000048  }
0xbe: {  	_ =	sfence  }
0xbf: {  	s30 =	sld [smem:$0x0];
	_ =	sdelay $0x2  }
0xc0: {  	s31 =	sshll.u32 s1, $0xD;
	s1 =	sshrl.u32 s1, $0x2  }
0xc1: {  	s3 =	sand.u32 $0x4000, s31;
	s1 =	sadd.s32 s1, s30  }
0xc2: {  	s0 =	sor.u32 s3, s0;
	s1 =	sshll.u32 s1, $0x11  }
0xc3: {  	s0 =	sor.u32 s1, s0  }
0xc4: {  	s0 =	sadd.s32 $0x8F2B, s0  }
0xc5: {  	[sflag:s0] =	ssyncadd.remote.s32 $0x1  }
0xc6: {  	_ =	sfence.sel $0xFFFF  }
0xc7: {  	[dreg:$0x0] =	wrdreg $0xFFFFFFFF;
	(pc) =	sbr.abs _section_cstart, $3  }
0xc8: {  	[dreg:$0x1] =	wrdreg $0xFFFFFFFF  }
0xc9: {  	_ =	task.clear_ibuf [dreg:s8], $0x2FFFF;
	_ =	strace $0x9FFFFFFF  }
0xca: {  	(tm) =	ssettm $0x7FFFFFFF  }
0xcb: {  	_ =	shalt  }
tec
execute0_lowered:
.L_overlay_start_1:
0x0: {  	(tag) =	ssettag $0x1  }
0x1: {  	s1 =	rddreg [dreg:$0x0]  }
0x2: {  	s0 =	rddreg [dreg:$0x1]  }
0x3: {  	s2 =	rddreg [dreg:$0x2]  }
0x4: {  	s3 =	rddreg [dreg:$0x3];
	s4 =	srdreg.scid  }
0x5: {  	s5 =	simm.s32 $0x0;
	s11 =	stileid.u32;
	s30 =	simm.s32 $0x8F00  }
0x6: {  	s31 =	simm.s32 $0x3;
	s4 =	sand.u32 $0x1, s4;
	s9 =	smul.u32 $0x14000, s11  }
0x7: {  	[smem:$0x7FF] =	sst s5;
	s6 =	sadd.s32 $0xCA00, s0;
	s10 =	smul.u32 $0x50000, s11  }
0x8: {  	s7 =	sadd.s32 $0x33C00, s0;
	s11 =	sshll.u32 s11, $0x1;
	s8 =	smul.u32 $0x140000, s4  }
0x9: {  	_ =	strace $0x80000047;
	s17 =	ssub.s32 $0x2, s4;
	s4 =	sor.u32 s4, s11  }
0xa: {  	s11 =	simm.s32 $0x0;
	s12 =	sshrl.u32 s17, $0x1;
	s10 =	sshrl.u32 s10, $0x2  }
0xb: {  	s22 =	smul.u32 $0x13880, s4;
	s9 =	sadd.s32 s9, s8;
	s24 =	sadd.s32 s10, s3  }
0xc: {  	s8 =	sadd.s32 $0x2C00, s0;
	s10 =	sadd.s32 $0x1C00, s24;
	[dreg:$0x5] =	wrdreg s24  }
0xd: {  	s18 =	ssub.s32 s17, s12;
	s19 =	sadd.s32 $0x3800, s24;
	[dreg:$0x6] =	wrdreg s10  }
0xe: {  	s9 =	sshrl.u32 s9, $0x3;
	s20 =	sadd.s32 $0x5400, s24;
	[dreg:$0x7] =	wrdreg s19  }
0xf: {  	s26 =	sadd.s32 s7, s22;
	s18 =	smax.u32 s18, $0x1;
	[dreg:$0x8] =	wrdreg s20  }
0x10: {  	s0 =	sadd.s32 s9, s0;
	s9 =	smul.u32 $0x1388, s4;
	[dreg:$0xc] =	wrdreg s26  }
0x11: {  	s22 =	sadd.s32 $0xC400, s24;
	s4 =	smul.u32 $0x9C400, s4;
	[dreg:$0x13] =	wrdreg s18  }
0x12: {  	s19 =	sadd.s32 $0x7000, s24;
	s20 =	sadd.s32 $0x8C00, s24;
	[dreg:$0x17] =	wrdreg s22  }
0x13: {  	s26 =	sadd.s32 $0x11800, s24;
	s18 =	simm.s32 $0x7;
	[dreg:$0x14] =	wrdreg s19  }
0x14: {  	s22 =	simm.s32 $0x1;
	s0 =	sadd.s32 $0x2A4C00, s0;
	[dreg:$0x15] =	wrdreg s20  }
0x15: {  	[dreg:$0x1a] =	wrdreg s26;
	s19 =	simm.s32 $0x100;
	s20 =	simm.s32 $0x80  }
0x16: {  	s26 =	simm.s32 $0x2;
	s21 =	sshrl.u32 s9, $0x3;
	s14 =	sadd.s32 $0x38, s9  }
0x17: {  	s15 =	sadd.s32 $0x27138, s9;
	s4 =	sshrl.u32 s4, $0x3;
	s28 =	sadd.s32 $0x1378, s9  }
0x18: {  	[dreg:$0x12] =	wrdreg s0;
	s16 =	sadd.s32 s8, s21;
	s21 =	sadd.s32 $0xA800, s24  }
0x19: {  	s29 =	sadd.s32 $0x28478, s9;
	s13 =	sshrl.u32 s14, $0x3;
	[dreg:$0x16] =	wrdreg s21  }
0x1a: {  	s25 =	sshrl.u32 s15, $0x3;
	s23 =	sadd.s32 s8, s13;
	[dreg:$0x9] =	wrdreg s16  }
0x1b: {  	s4 =	sadd.s32 s2, s4;
	s10 =	sadd.s32 s8, s25;
	[dreg:$0xa] =	wrdreg s23  }
0x1c: {  	s12 =	sshrl.u32 s29, $0x3;
	s4 =	sadd.s32 $0x13400, s4;
	[dreg:$0xb] =	wrdreg s10  }
0x1d: {  	s0 =	simm.s32 $0x5;
	s15 =	sadd.s32 s8, s12;
	[dreg:$0xd] =	wrdreg s4  }
0x1e: {  	s17 =	sshll.u32 s28, $0x4;
	s25 =	sadd.s32 $0xFC00, s24;
	[dreg:$0xf] =	wrdreg s15  }
0x1f: {  	s13 =	sshrl.u32 s28, $0x3;
	s28 =	sadd.s32 $0x13400, s24;
	[dreg:$0x19] =	wrdreg s25  }
0x20: {  	s29 =	sadd.s32 $0x4E20, s16;
	s16 =	sadd.s32 $0xA8, s9;
	[dreg:$0x1b] =	wrdreg s28  }
0x21: {  	s21 =	simm.s32 $0x180;
	s4 =	sadd.s32 s8, s13;
	[dreg:$0x1c] =	wrdreg s29  }
0x22: {  	s10 =	sadd.s32 s7, s17;
	s23 =	sadd.s32 $0xE000, s24;
	[dreg:$0xe] =	wrdreg s4  }
0x23: {  	s13 =	sadd.s32 $0x70, s9;
	s25 =	simm.s32 $0x3B00;
	[dreg:$0x10] =	wrdreg s10  }
0x24: {  	s4 =	sadd.s32 s2, s17;
	[dreg:$0x18] =	wrdreg s23;
	s17 =	simm.s32 $0x7300  }
0x25: {  	v0 =	vimm.f32 $0.0e+00;
	s23 =	simm.s32 $0x38;
	[dreg:$0x11] =	wrdreg s4;
	s4 =	simm.s32 $0x4  }
.LBB2_1:
0x26: {  	[dreg:$0x1d] =	wrdreg s11;
	s10 =	simm.s32 $0x0;
	s11 =	simm.s32 $0x200  }
.LBB2_2:
0x27: {  	p0 =	sne.s32 s11, $0x6E00;
	[tilespmem:s10+$0x7370] =	vst v0  }
0x28: {  	[tilespmem:s10+$0x7300] =	vst v0  }
0x29: {  	[tilespmem:s10+$0x7310] =	vst v0  }
.Ltmp0:
0x2a: {  	[tilespmem:s10+$0x7320] =	vst v0;
	(pc) =	sbr.rel @p0 .LBB2_2-.Ltmp0, $4  }
0x2b: {  	[tilespmem:s10+$0x7330] =	vst v0  }
0x2c: {  	[tilespmem:s10+$0x7340] =	vst v0  }
0x2d: {  	[tilespmem:s10+$0x7350] =	vst v0  }
0x2e: {  	[tilespmem:s10+$0x7360] =	vst v0;
	s10 =	sshra.s32 s11, $0x2;
	s11 =	sadd.s32 $0x200, s11  }
0x2f: {  	[tilespmem:s10+$0x7370] =	vst v0  }
0x30: {  	[tilespmem:s10+$0x7300] =	vst v0  }
0x31: {  	[tilespmem:s10+$0x7310] =	vst v0  }
0x32: {  	[tilespmem:s10+$0x7320] =	vst v0  }
0x33: {  	[tilespmem:s10+$0x7330] =	vst v0  }
0x34: {  	[tilespmem:s10+$0x7340] =	vst v0  }
0x35: {  	[tilespmem:s10+$0x7350] =	vst v0  }
0x36: {  	[tilespmem:s10+$0x7360] =	vst v0  }
0x37: {  	[spmem:s24] =	stream.linear.scatter [tilespmem:s17], [sflag:$0x7], $0x1C00, $0x38;
	[tilespmem:$0x1EB00] =	vst v63  }
0x38: {  	_ =	swait.ge [sflag:s18], $0x1C00  }
0x39: {  	[sflag:s18] =	ssyncset.done $0x0  }
0x3a: {  	s11 =	rddreg [dreg:$0x6];
	[sflag:s18] =	ssyncadd.s32 $0xFFFFE400  }
0x3b: {  	[spmem:s11] =	stream.linear.scatter [tilespmem:s17], [sflag:$0x7], $0x1C00, $0x38;
	[tilespmem:$0x1EB00] =	vst v63  }
0x3c: {  	_ =	swait.ge [sflag:s18], $0x1C00  }
0x3d: {  	[sflag:s18] =	ssyncset.done $0x0  }
0x3e: {  	s12 =	rddreg [dreg:$0x7];
	[sflag:s18] =	ssyncadd.s32 $0xFFFFE400  }
0x3f: {  	[spmem:s12] =	stream.linear.scatter [tilespmem:s17], [sflag:$0x7], $0x1C00, $0x38;
	[tilespmem:$0x1EB00] =	vst v63  }
0x40: {  	_ =	swait.ge [sflag:s18], $0x1C00  }
0x41: {  	[sflag:s18] =	ssyncset.done $0x0  }
0x42: {  	s15 =	rddreg [dreg:$0x8];
	[sflag:s18] =	ssyncadd.s32 $0xFFFFE400  }
0x43: {  	[spmem:s15] =	stream.linear.scatter [tilespmem:s17], [sflag:$0x7], $0x1C00, $0x38;
	[tilespmem:$0x1EB00] =	vst v63  }
0x44: {  	_ =	swait.ge [sflag:s18], $0x1C00  }
0x45: {  	[sflag:s18] =	ssyncset.done $0x0  }
0x46: {  	s24 =	rddreg [dreg:$0x14];
	[sflag:s18] =	ssyncadd.s32 $0xFFFFE400  }
0x47: {  	[spmem:s24] =	stream.linear.scatter [tilespmem:s17], [sflag:$0x7], $0x1C00, $0x38;
	[tilespmem:$0x1EB00] =	vst v63  }
0x48: {  	_ =	swait.ge [sflag:s18], $0x1C00  }
0x49: {  	[sflag:s18] =	ssyncset.done $0x0  }
0x4a: {  	s28 =	rddreg [dreg:$0x15];
	[sflag:s18] =	ssyncadd.s32 $0xFFFFE400  }
0x4b: {  	[spmem:s28] =	stream.linear.scatter [tilespmem:s17], [sflag:$0x7], $0x1C00, $0x38;
	[tilespmem:$0x1EB00] =	vst v63  }
0x4c: {  	_ =	swait.ge [sflag:s18], $0x1C00  }
0x4d: {  	[sflag:s18] =	ssyncset.done $0x0  }
0x4e: {  	s29 =	rddreg [dreg:$0x16];
	[sflag:s18] =	ssyncadd.s32 $0xFFFFE400  }
0x4f: {  	[spmem:s29] =	stream.linear.scatter [tilespmem:s17], [sflag:$0x7], $0x1C00, $0x38;
	[tilespmem:$0x1EB00] =	vst v63  }
0x50: {  	_ =	swait.ge [sflag:s18], $0x1C00  }
0x51: {  	[sflag:s18] =	ssyncset.done $0x0  }
0x52: {  	s11 =	rddreg [dreg:$0x17];
	[sflag:s18] =	ssyncadd.s32 $0xFFFFE400  }
0x53: {  	[spmem:s11] =	stream.linear.scatter [tilespmem:s17], [sflag:$0x7], $0x1C00, $0x38;
	[tilespmem:$0x1EB00] =	vst v63  }
0x54: {  	_ =	swait.ge [sflag:s18], $0x1C00  }
0x55: {  	[sflag:s18] =	ssyncset.done $0x0  }
0x56: {  	s12 =	rddreg [dreg:$0x18];
	[sflag:s18] =	ssyncadd.s32 $0xFFFFE400  }
0x57: {  	[spmem:s12] =	stream.linear.scatter [tilespmem:s17], [sflag:$0x7], $0x1C00, $0x38;
	[tilespmem:$0x1EB00] =	vst v63  }
0x58: {  	_ =	swait.ge [sflag:s18], $0x1C00  }
0x59: {  	[sflag:s18] =	ssyncset.done $0x0  }
0x5a: {  	s15 =	rddreg [dreg:$0x19];
	[sflag:s18] =	ssyncadd.s32 $0xFFFFE400  }
0x5b: {  	[spmem:s15] =	stream.linear.scatter [tilespmem:s17], [sflag:$0x7], $0x1C00, $0x38;
	[tilespmem:$0x1EB00] =	vst v63  }
0x5c: {  	_ =	swait.ge [sflag:s18], $0x1C00  }
0x5d: {  	[sflag:s18] =	ssyncset.done $0x0  }
0x5e: {  	s24 =	rddreg [dreg:$0x1a];
	[sflag:s18] =	ssyncadd.s32 $0xFFFFE400  }
0x5f: {  	[spmem:s24] =	stream.linear.scatter [tilespmem:s17], [sflag:$0x7], $0x1C00, $0x38;
	[tilespmem:$0x1EB00] =	vst v63  }
0x60: {  	_ =	swait.ge [sflag:s18], $0x1C00  }
0x61: {  	[sflag:s18] =	ssyncset.done $0x0  }
0x62: {  	s28 =	rddreg [dreg:$0x1b];
	[sflag:s18] =	ssyncadd.s32 $0xFFFFE400  }
0x63: {  	[spmem:s28] =	stream.linear.scatter [tilespmem:s17], [sflag:$0x7], $0xC00, $0x38;
	[tilespmem:$0x1EB00] =	vst v63  }
0x64: {  	_ =	swait.ge [sflag:s18], $0xC00  }
0x65: {  	[sflag:s18] =	ssyncset.done $0x0  }
0x66: {  	[sflag:s18] =	ssyncadd.s32 $0xFFFFF400  }
0x67: {  	[bflag:$0x0] =	sbarrier.arrive $0xFFFF  }
0x68: {  	s12 =	simm.s32 $0x0;
	s29 =	rddreg [dreg:$0x9]  }
0x69: {  	[tilespmem:s12], [sflag:$0x1] =	stream.linear.gather [hbm4b:s29+s12], $0x38, $0x38;
	[tilespmem:$0x1EB00] =	vst v63  }
0x6a: {  	s11 =	rddreg [dreg:$0x1c]  }
0x6b: {  	[tilespmem:s19], [sflag:$0x1] =	stream.linear.gather [hbm4b:s11+s12], $0x38, $0x38;
	[tilespmem:$0x1EB00] =	vst v63  }
0x6c: {  	s15 =	rddreg [dreg:$0xa]  }
0x6d: {  	[tilespmem:s20], [sflag:$0x2] =	stream.linear.gather [hbm4b:s15+s12], $0x38, $0x38;
	[tilespmem:$0x1EB00] =	vst v63  }
0x6e: {  	s24 =	rddreg [dreg:$0xb]  }
0x6f: {  	[tilespmem:s21], [sflag:$0x2] =	stream.linear.gather [hbm4b:s24+s12], $0x38, $0x38;
	[tilespmem:$0x1EB00] =	vst v63  }
0x70: {  	_ =	swait.ge [sflag:s22], $0x38  }
0x71: {  	[sflag:s22] =	ssyncset.done $0x0  }
0x72: {  	[sflag:s22] =	ssyncadd.s32 $0xFFFFFFC8  }
0x73: {  	_ =	swait.ge [sflag:s22], $0x38  }
0x74: {  	[sflag:s22] =	ssyncset.done $0x0  }
0x75: {  	s28 =	simm.s32 $0x300;
	[sflag:s22] =	ssyncadd.s32 $0xFFFFFFC8  }
0x76: {  	[tilespmem:s28], [sflag:$0x3] =	stream.indirect.gather [hbm4b:s1+s23], $0x80, s12, s23, $0xb8;
	[tilespmem:$0x1EB00] =	vst v63  }
0x77: {  	_ = 	snop  }
0x78: {  	[tilespmem:s25], [sflag:$0x3] =	stream.indirect.gather [hbm4b:s6+s23], $0x80, s19, s23, $0xb8;
	[tilespmem:$0x1EB00] =	vst v63  }
0x79: {  	s15 =	simm.s32 $0x0;
	s29 =	rddreg [dreg:$0xc]  }
0x7a: {  	[tilespmem:s17], [sflag:$0x3] =	stream.linear.gather [hbm4b:s29+s12], $0x1C00, $0x38;
	[tilespmem:$0x1EB00] =	vst v63  }
.LBB2_4:
0x7b: {  	p0 =	seq.s32 s15, $0x0  }
0x7c: {  	s10 =	simm.s32 @!p0 $0x6  }
0x7d: {  	_ =	swait.ge @!p0 [sflag:s10], $0x1C00  }
0x7e: {  	[sflag:s10] =	ssyncset.done @!p0 $0x0  }
0x7f: {  	[sflag:s10] =	ssyncadd.s32 @!p0 $0xFFFFE400  }
0x80: {  	_ =	swait.ge [sflag:s26], $0x38  }
0x81: {  	[sflag:s26] =	ssyncset.done $0x0  }
0x82: {  	s10 =	smul.u32 @!p0 $0x70, s15;
	[sflag:s26] =	ssyncadd.s32 $0xFFFFFFC8  }
0x83: {  	_ =	swait.ge [sflag:s26], $0x38  }
0x84: {  	s10 =	sadd.s32 @!p0 s14, s10;
	[sflag:s26] =	ssyncset.done $0x0  }
0x85: {  	s11 =	simm.s32 $0x1F00;
	s10 =	smov.u32 @p0 s14;
	[sflag:s26] =	ssyncadd.s32 $0xFFFFFFC8  }
0x86: {  	[tilespmem:s11], [sflag:$0x4] =	stream.indirect.gather [hbm4b:s1+s23], $0x80, s20, s23, $0xb8;
	[tilespmem:$0x1EB00] =	vst v63  }
0x87: {  	s24 =	simm.s32 $0x5700;
	s10 =	sshll.u32 s10, $0x4  }
0x88: {  	[tilespmem:s24], [sflag:$0x4] =	stream.indirect.gather [hbm4b:s6+s23], $0x80, s21, s23, $0xb8;
	[tilespmem:$0x1EB00] =	vst v63  }
0x89: {  	s29 =	sadd.s32 s7, s10  }
0x8a: {  	[tilespmem:s30], [sflag:$0x4] =	stream.linear.gather [hbm4b:s29+s12], $0x1C00, $0x38;
	[tilespmem:$0x1EB00] =	vst v63  }
0x8b: {  	_ =	swait.ge [sflag:s31], $0x1C00  }
0x8c: {  	[sflag:s31] =	ssyncset.done $0x0  }
0x8d: {  	[sflag:s31] =	ssyncadd.s32 $0xFFFFE400  }
0x8e: {  	_ =	swait.ge [sflag:s31], $0x1C00  }
0x8f: {  	[sflag:s31] =	ssyncset.done $0x0  }
0x90: {  	[sflag:s31] =	ssyncadd.s32 $0xFFFFE400  }
0x91: {  	_ =	swait.ge [sflag:s31], $0x1C00  }
0x92: {  	[sflag:s31] =	ssyncset.done $0x0  }
0x93: {  	s28 =	simm.s32 $0x0;
	[sflag:s31] =	ssyncadd.s32 $0xFFFFE400  }
0x94: {  	v13 =	vld [tilespmem:s28+$0x300]  }
0x95: {  	v18 =	vld [tilespmem:s28+$0x3B00]  }
0x96: {  	v20 =	vld [tilespmem:s28+$0x310]  }
0x97: {  	v21 =	vld [tilespmem:s28+$0x3B10]  }
0x98: {  	v6 =	vld [tilespmem:s28+$0x320]  }
0x99: {  	v10 =	vld [tilespmem:s28+$0x3B20]  }
0x9a: {  	v8 =	vld [tilespmem:s28+$0x330]  }
0x9b: {  	v12 =	vld [tilespmem:s28+$0x3B30]  }
0x9c: {  	v9 =	vld [tilespmem:s28+$0x340]  }
0x9d: {  	v11 =	vld [tilespmem:s28+$0x3B40]  }
0x9e: {  	v5 =	vld [tilespmem:s28+$0x350]  }
0x9f: {  	v7 =	vld [tilespmem:s28+$0x3B50]  }
0xa0: {  	v3 =	vld [tilespmem:s28+$0x360]  }
0xa1: {  	v4 =	vld [tilespmem:s28+$0x3B60]  }
0xa2: {  	v1 =	vld [tilespmem:s28+$0x370]  }
0xa3: {  	v2 =	vld [tilespmem:s28+$0x3B70]  }
0xa4: {  	v17 =	vld [tilespmem:s28+$0x7300]  }
0xa5: {  	v16 =	vld [tilespmem:s28+$0x7310]  }
0xa6: {  	v15 =	vld [tilespmem:s28+$0x7320]  }
0xa7: {  	v14 =	vld [tilespmem:s28+$0x7330];
	v19 =	vadd.f32 v18, v13  }
0xa8: {  	s11 =	simm.s32 $0x200;
	v18 =	vadd.f32 v21, v20;
	v13 =	vld [tilespmem:s28+$0x7340]  }
.LBB2_5:
0xa9: {  	p0 =	sne.s32 s11, $0x6E00;
	v17 =	vadd.f32 v17, v19;
	v6 =	vadd.f32 v10, v6;
	v10 =	vld [tilespmem:s28+$0x7350]  }
0xaa: {  	v8 =	vadd.f32 v12, v8;
	v16 =	vadd.f32 v16, v18;
	v12 =	vld [tilespmem:s28+$0x7360]  }
0xab: {  	s29 =	sshra.s32 s11, $0x2;
	v9 =	vadd.f32 v11, v9;
	v17 =	vmax.f32 v17, $0.0e+00;
	v6 =	vadd.f32 v15, v6;
	v11 =	vld [tilespmem:s28+$0x7370]  }
0xac: {  	v5 =	vadd.f32 v7, v5;
	v18 =	vld [tilespmem:s29+$0x300];
	[tilespmem:s28+$0x7300] =	vst v17;
	v15 =	vmax.f32 v16, $0.0e+00;
	v8 =	vadd.f32 v14, v8  }
0xad: {  	v3 =	vadd.f32 v4, v3;
	v14 =	vld [tilespmem:s29+$0x3B00];
	[tilespmem:s28+$0x7310] =	vst v15;
	v6 =	vmax.f32 v6, $0.0e+00;
	v7 =	vadd.f32 v13, v9  }
0xae: {  	v1 =	vadd.f32 v2, v1;
	v13 =	vld [tilespmem:s29+$0x310];
	[tilespmem:s28+$0x7320] =	vst v6;
	v4 =	vmax.f32 v8, $0.0e+00;
	v5 =	vadd.f32 v10, v5  }
0xaf: {  	v20 =	vld [tilespmem:s29+$0x3B10];
	[tilespmem:s28+$0x7330] =	vst v4;
	v2 =	vmax.f32 v7, $0.0e+00;
	v3 =	vadd.f32 v12, v3  }
0xb0: {  	v6 =	vld [tilespmem:s29+$0x320];
	[tilespmem:s28+$0x7340] =	vst v2;
	v2 =	vmax.f32 v5, $0.0e+00;
	v1 =	vadd.f32 v11, v1  }
0xb1: {  	v10 =	vld [tilespmem:s29+$0x3B20];
	[tilespmem:s28+$0x7350] =	vst v2;
	v2 =	vmax.f32 v3, $0.0e+00  }
0xb2: {  	v8 =	vld [tilespmem:s29+$0x330];
	[tilespmem:s28+$0x7360] =	vst v2;
	v1 =	vmax.f32 v1, $0.0e+00  }
0xb3: {  	v12 =	vld [tilespmem:s29+$0x3B30];
	[tilespmem:s28+$0x7370] =	vst v1;
	s28 =	smov.u32 s29  }
0xb4: {  	v9 =	vld [tilespmem:s28+$0x340]  }
0xb5: {  	v11 =	vld [tilespmem:s28+$0x3B40]  }
0xb6: {  	v5 =	vld [tilespmem:s28+$0x350]  }
0xb7: {  	v7 =	vld [tilespmem:s28+$0x3B50]  }
0xb8: {  	v3 =	vld [tilespmem:s28+$0x360]  }
0xb9: {  	v4 =	vld [tilespmem:s28+$0x3B60]  }
0xba: {  	v1 =	vld [tilespmem:s28+$0x370]  }
0xbb: {  	v2 =	vld [tilespmem:s28+$0x3B70]  }
.Ltmp1:
0xbc: {  	v17 =	vld [tilespmem:s28+$0x7300];
	(pc) =	sbr.rel @p0 .LBB2_5-.Ltmp1, $4  }
0xbd: {  	v16 =	vld [tilespmem:s28+$0x7310]  }
0xbe: {  	v15 =	vld [tilespmem:s28+$0x7320]  }
0xbf: {  	v19 =	vadd.f32 v14, v18;
	v14 =	vld [tilespmem:s28+$0x7330]  }
0xc0: {  	s11 =	sadd.s32 $0x200, s11;
	v18 =	vadd.f32 v20, v13;
	v13 =	vld [tilespmem:s28+$0x7340]  }
0xc1: {  	v17 =	vadd.f32 v17, v19  }
0xc2: {  	v6 =	vadd.f32 v10, v6;
	v10 =	vld [tilespmem:s28+$0x7350];
	v8 =	vadd.f32 v12, v8  }
0xc3: {  	v9 =	vadd.f32 v11, v9;
	v11 =	vld [tilespmem:s28+$0x7370];
	v16 =	vadd.f32 v16, v18  }
0xc4: {  	v12 =	vld [tilespmem:s28+$0x7360];
	v17 =	vmax.f32 v17, $0.0e+00;
	v6 =	vadd.f32 v15, v6  }
0xc5: {  	v5 =	vadd.f32 v7, v5;
	[tilespmem:s28+$0x7300] =	vst v17;
	v15 =	vmax.f32 v16, $0.0e+00;
	v8 =	vadd.f32 v14, v8  }
0xc6: {  	v1 =	vadd.f32 v2, v1;
	[tilespmem:s28+$0x7310] =	vst v15;
	v6 =	vmax.f32 v6, $0.0e+00;
	v7 =	vadd.f32 v13, v9  }
0xc7: {  	v3 =	vadd.f32 v4, v3;
	[tilespmem:s28+$0x7320] =	vst v6;
	v4 =	vmax.f32 v8, $0.0e+00;
	v5 =	vadd.f32 v10, v5  }
0xc8: {  	s11 =	smul.u32 $0x70, s15;
	v1 =	vadd.f32 v11, v1;
	[tilespmem:s28+$0x7330] =	vst v4;
	v2 =	vmax.f32 v7, $0.0e+00  }
0xc9: {  	v3 =	vadd.f32 v12, v3;
	[tilespmem:s28+$0x7340] =	vst v2;
	v2 =	vmax.f32 v5, $0.0e+00  }
0xca: {  	s29 =	sadd.s32 s9, s11;
	v1 =	vmax.f32 v1, $0.0e+00;
	[tilespmem:s28+$0x7350] =	vst v2  }
0xcb: {  	s29 =	sshll.u32 s29, $0x4;
	v2 =	vmax.f32 v3, $0.0e+00;
	[tilespmem:s28+$0x7370] =	vst v1  }
0xcc: {  	[tilespmem:s28+$0x7360] =	vst v2;
	s28 =	sadd.s32 s2, s29;
	s29 =	simm.s32 $0x0  }
0xcd: {  	[hbm4b:s28+s29] =	stream.linear.scatter [tilespmem:s17], [sflag:$0x5], $0x1C00, $0x38;
	[tilespmem:$0x1EB00] =	vst v63  }
0xce: {  	_ = 	snop  }
0xcf: {  	[spmem:s3] =	stream.indirect.scatter.add.f32 [tilespmem:s17], [sflag:$0x7], $0x80, s19, s23, $0xb8;
	[tilespmem:$0x1EB00] =	vst v63  }
0xd0: {  	s28 =	sadd.s32 s11, s13;
	_ =	swait.ge [sflag:s18], $0x1C00  }
0xd1: {  	s24 =	sshrl.u32 s28, $0x3;
	[sflag:s18] =	ssyncset.done $0x0  }
0xd2: {  	s24 =	sadd.s32 s8, s24;
	[sflag:s18] =	ssyncadd.s32 $0xFFFFE400  }
0xd3: {  	[tilespmem:s29], [sflag:$0x1] =	stream.linear.gather [hbm4b:s24+s29], $0x38, $0x38;
	[tilespmem:$0x1EB00] =	vst v63  }
0xd4: {  	s24 =	sadd.s32 $0x4E20, s24  }
0xd5: {  	[tilespmem:s19], [sflag:$0x1] =	stream.linear.gather [hbm4b:s24+s29], $0x38, $0x38;
	[tilespmem:$0x1EB00] =	vst v63  }
0xd6: {  	_ =	swait.ge [sflag:s0], $0x1C00  }
0xd7: {  	[sflag:s0] =	ssyncset.done $0x0  }
0xd8: {  	[sflag:s0] =	ssyncadd.s32 $0xFFFFE400  }
0xd9: {  	_ =	swait.ge [sflag:s22], $0x38  }
0xda: {  	[sflag:s22] =	ssyncset.done $0x0  }
0xdb: {  	[sflag:s22] =	ssyncadd.s32 $0xFFFFFFC8  }
0xdc: {  	_ =	swait.ge [sflag:s22], $0x38  }
0xdd: {  	[sflag:s22] =	ssyncset.done $0x0  }
0xde: {  	s24 =	simm.s32 $0x300;
	[sflag:s22] =	ssyncadd.s32 $0xFFFFFFC8  }
0xdf: {  	[tilespmem:s24], [sflag:$0x3] =	stream.indirect.gather [hbm4b:s1+s23], $0x80, s29, s23, $0xb8;
	[tilespmem:$0x1EB00] =	vst v63  }
0xe0: {  	s24 =	sshll.u32 s28, $0x4  }
0xe1: {  	[tilespmem:s25], [sflag:$0x3] =	stream.indirect.gather [hbm4b:s6+s23], $0x80, s19, s23, $0xb8;
	[tilespmem:$0x1EB00] =	vst v63  }
0xe2: {  	s24 =	sadd.s32 s7, s24  }
0xe3: {  	[tilespmem:s17], [sflag:$0x3] =	stream.linear.gather [hbm4b:s24+s29], $0x1C00, $0x38;
	[tilespmem:$0x1EB00] =	vst v63  }
0xe4: {  	_ =	swait.ge [sflag:s4], $0x1C00  }
0xe5: {  	[sflag:s4] =	ssyncset.done $0x0  }
0xe6: {  	[sflag:s4] =	ssyncadd.s32 $0xFFFFE400  }
0xe7: {  	_ =	swait.ge [sflag:s4], $0x1C00  }
0xe8: {  	[sflag:s4] =	ssyncset.done $0x0  }
0xe9: {  	[sflag:s4] =	ssyncadd.s32 $0xFFFFE400  }
0xea: {  	_ =	swait.ge [sflag:s4], $0x1C00  }
0xeb: {  	[sflag:s4] =	ssyncset.done $0x0  }
0xec: {  	s28 =	simm.s32 $0x0;
	[sflag:s4] =	ssyncadd.s32 $0xFFFFE400  }
0xed: {  	v13 =	vld [tilespmem:s28+$0x1F00]  }
0xee: {  	v18 =	vld [tilespmem:s28+$0x5700]  }
0xef: {  	v20 =	vld [tilespmem:s28+$0x1F10]  }
0xf0: {  	v21 =	vld [tilespmem:s28+$0x5710]  }
0xf1: {  	v6 =	vld [tilespmem:s28+$0x1F20]  }
0xf2: {  	v10 =	vld [tilespmem:s28+$0x5720]  }
0xf3: {  	v8 =	vld [tilespmem:s28+$0x1F30]  }
0xf4: {  	v12 =	vld [tilespmem:s28+$0x5730]  }
0xf5: {  	v9 =	vld [tilespmem:s28+$0x1F40]  }
0xf6: {  	v11 =	vld [tilespmem:s28+$0x5740]  }
0xf7: {  	v5 =	vld [tilespmem:s28+$0x1F50]  }
0xf8: {  	v7 =	vld [tilespmem:s28+$0x5750]  }
0xf9: {  	v3 =	vld [tilespmem:s28+$0x1F60]  }
0xfa: {  	v4 =	vld [tilespmem:s28+$0x5760]  }
0xfb: {  	v1 =	vld [tilespmem:s28+$0x1F70]  }
0xfc: {  	v2 =	vld [tilespmem:s28+$0x5770]  }
0xfd: {  	v17 =	vld [tilespmem:s28+$0x8F00]  }
0xfe: {  	v16 =	vld [tilespmem:s28+$0x8F10]  }
0xff: {  	v15 =	vld [tilespmem:s28+$0x8F20]  }
0x100: {  	v14 =	vld [tilespmem:s28+$0x8F30];
	v19 =	vadd.f32 v18, v13  }
0x101: {  	s29 =	simm.s32 $0x200;
	v18 =	vadd.f32 v21, v20;
	v13 =	vld [tilespmem:s28+$0x8F40]  }
.LBB2_7:
0x102: {  	p0 =	sne.s32 s29, $0x6E00;
	v17 =	vadd.f32 v17, v19;
	v6 =	vadd.f32 v10, v6;
	v10 =	vld [tilespmem:s28+$0x8F50]  }
0x103: {  	v8 =	vadd.f32 v12, v8;
	v16 =	vadd.f32 v16, v18;
	v12 =	vld [tilespmem:s28+$0x8F60]  }
0x104: {  	s24 =	sshra.s32 s29, $0x2;
	v9 =	vadd.f32 v11, v9;
	v17 =	vmax.f32 v17, $0.0e+00;
	v6 =	vadd.f32 v15, v6;
	v11 =	vld [tilespmem:s28+$0x8F70]  }
0x105: {  	v5 =	vadd.f32 v7, v5;
	v18 =	vld [tilespmem:s24+$0x1F00];
	[tilespmem:s28+$0x8F00] =	vst v17;
	v15 =	vmax.f32 v16, $0.0e+00;
	v8 =	vadd.f32 v14, v8  }
0x106: {  	v3 =	vadd.f32 v4, v3;
	v14 =	vld [tilespmem:s24+$0x5700];
	[tilespmem:s28+$0x8F10] =	vst v15;
	v6 =	vmax.f32 v6, $0.0e+00;
	v7 =	vadd.f32 v13, v9  }
0x107: {  	v1 =	vadd.f32 v2, v1;
	v13 =	vld [tilespmem:s24+$0x1F10];
	[tilespmem:s28+$0x8F20] =	vst v6;
	v4 =	vmax.f32 v8, $0.0e+00;
	v5 =	vadd.f32 v10, v5  }
0x108: {  	v20 =	vld [tilespmem:s24+$0x5710];
	[tilespmem:s28+$0x8F30] =	vst v4;
	v2 =	vmax.f32 v7, $0.0e+00;
	v3 =	vadd.f32 v12, v3  }
0x109: {  	v6 =	vld [tilespmem:s24+$0x1F20];
	[tilespmem:s28+$0x8F40] =	vst v2;
	v2 =	vmax.f32 v5, $0.0e+00;
	v1 =	vadd.f32 v11, v1  }
0x10a: {  	v10 =	vld [tilespmem:s24+$0x5720];
	[tilespmem:s28+$0x8F50] =	vst v2;
	v2 =	vmax.f32 v3, $0.0e+00  }
0x10b: {  	v8 =	vld [tilespmem:s24+$0x1F30];
	[tilespmem:s28+$0x8F60] =	vst v2;
	v1 =	vmax.f32 v1, $0.0e+00  }
0x10c: {  	v12 =	vld [tilespmem:s24+$0x5730];
	[tilespmem:s28+$0x8F70] =	vst v1;
	s28 =	smov.u32 s24  }
0x10d: {  	v9 =	vld [tilespmem:s28+$0x1F40]  }
0x10e: {  	v11 =	vld [tilespmem:s28+$0x5740]  }
0x10f: {  	v5 =	vld [tilespmem:s28+$0x1F50]  }
0x110: {  	v7 =	vld [tilespmem:s28+$0x5750]  }
0x111: {  	v3 =	vld [tilespmem:s28+$0x1F60]  }
0x112: {  	v4 =	vld [tilespmem:s28+$0x5760]  }
0x113: {  	v1 =	vld [tilespmem:s28+$0x1F70]  }
0x114: {  	v2 =	vld [tilespmem:s28+$0x5770]  }
.Ltmp2:
0x115: {  	v17 =	vld [tilespmem:s28+$0x8F00];
	(pc) =	sbr.rel @p0 .LBB2_7-.Ltmp2, $4  }
0x116: {  	v16 =	vld [tilespmem:s28+$0x8F10]  }
0x117: {  	v15 =	vld [tilespmem:s28+$0x8F20]  }
0x118: {  	v19 =	vadd.f32 v14, v18;
	v14 =	vld [tilespmem:s28+$0x8F30]  }
0x119: {  	s29 =	sadd.s32 $0x200, s29;
	v18 =	vadd.f32 v20, v13;
	v13 =	vld [tilespmem:s28+$0x8F40]  }
0x11a: {  	v17 =	vadd.f32 v17, v19;
	v6 =	vadd.f32 v10, v6;
	v58 =	vld [tilespmem:s28+$0x8F50]  }
0x11b: {  	v8 =	vadd.f32 v12, v8;
	v60 =	vld [tilespmem:s28+$0x8F70];
	v16 =	vadd.f32 v16, v18  }
0x11c: {  	v59 =	vld [tilespmem:s28+$0x8F60];
	v9 =	vadd.f32 v11, v9;
	v17 =	vmax.f32 v17, $0.0e+00;
	v6 =	vadd.f32 v15, v6  }
0x11d: {  	v5 =	vadd.f32 v7, v5;
	[tilespmem:s28+$0x8F00] =	vst v17;
	v61 =	vmax.f32 v16, $0.0e+00;
	v8 =	vadd.f32 v14, v8  }
0x11e: {  	v1 =	vadd.f32 v2, v1;
	[tilespmem:s28+$0x8F10] =	vst v61;
	v6 =	vmax.f32 v6, $0.0e+00;
	v62 =	vadd.f32 v13, v9  }
0x11f: {  	v3 =	vadd.f32 v4, v3;
	[tilespmem:s28+$0x8F20] =	vst v6;
	v63 =	vmax.f32 v8, $0.0e+00;
	v5 =	vadd.f32 v58, v5  }
0x120: {  	v1 =	vadd.f32 v60, v1;
	[tilespmem:s28+$0x8F30] =	vst v63;
	v2 =	vmax.f32 v62, $0.0e+00  }
0x121: {  	v3 =	vadd.f32 v59, v3;
	[tilespmem:s28+$0x8F40] =	vst v2;
	v2 =	vmax.f32 v5, $0.0e+00  }
0x122: {  	v1 =	vmax.f32 v1, $0.0e+00;
	[tilespmem:s28+$0x8F50] =	vst v2  }
0x123: {  	v2 =	vmax.f32 v3, $0.0e+00;
	[tilespmem:s28+$0x8F70] =	vst v1  }
0x124: {  	s10 =	sadd.s32 s2, s10;
	p0 =	seq.s32 s15, $0x2B;
	[tilespmem:s28+$0x8F60] =	vst v2  }
0x125: {  	[hbm4b:s10+s5] =	stream.linear.scatter [tilespmem:s30], [sflag:$0x6], $0x1C00, $0x38;
	[tilespmem:$0x1EB00] =	vst v63  }
.Ltmp3:
0x126: {  	_ = 	snop;
	(pc) =	sbr.rel @p0 .LBB2_10-.Ltmp3, $4  }
0x127: {  	[spmem:s3] =	stream.indirect.scatter.add.f32 [tilespmem:s30], [sflag:$0x7], $0x80, s21, s23, $0xb8;
	[tilespmem:$0x1EB00] =	vst v63  }
0x128: {  	_ =	swait.ge [sflag:s18], $0x1C00  }
0x129: {  	[sflag:s18] =	ssyncset.done $0x0  }
0x12a: {  	[sflag:s18] =	ssyncadd.s32 $0xFFFFE400  }
0x12b: {  	s10 =	sadd.s32 s11, s16  }
.Ltmp4:
0x12c: {  	s10 =	sshrl.u32 s10, $0x3;
	(pc) =	sbr.rel .LBB2_4-.Ltmp4, $4  }
0x12d: {  	s10 =	sadd.s32 s8, s10  }
0x12e: {  	[tilespmem:s20], [sflag:$0x2] =	stream.linear.gather [hbm4b:s10+s5], $0x38, $0x38;
	[tilespmem:$0x1EB00] =	vst v63  }
0x12f: {  	s15 =	sadd.s32 $0x1, s15;
	s10 =	sadd.s32 $0x4E20, s10  }
0x130: {  	[tilespmem:s21], [sflag:$0x2] =	stream.linear.gather [hbm4b:s10+s5], $0x38, $0x38;
	[tilespmem:$0x1EB00] =	vst v63  }
.LBB2_10:
0x131: {  	s10 =	simm.s32 $0x6  }
0x132: {  	_ =	swait.ge [sflag:s10], $0x1C00  }
0x133: {  	[sflag:s10] =	ssyncset.done $0x0  }
0x134: {  	[sflag:s10] =	ssyncadd.s32 $0xFFFFE400  }
0x135: {  	_ =	swait.ge [sflag:s31], $0x1C00  }
0x136: {  	[sflag:s31] =	ssyncset.done $0x0  }
0x137: {  	[sflag:s31] =	ssyncadd.s32 $0xFFFFE400  }
0x138: {  	_ =	swait.ge [sflag:s31], $0x1C00  }
0x139: {  	[sflag:s31] =	ssyncset.done $0x0  }
0x13a: {  	[sflag:s31] =	ssyncadd.s32 $0xFFFFE400  }
0x13b: {  	_ =	swait.ge [sflag:s31], $0x1C00  }
0x13c: {  	[sflag:s31] =	ssyncset.done $0x0  }
0x13d: {  	s10 =	simm.s32 $0x0;
	[sflag:s31] =	ssyncadd.s32 $0xFFFFE400  }
0x13e: {  	v13 =	vld [tilespmem:s10+$0x300]  }
0x13f: {  	v18 =	vld [tilespmem:s10+$0x3B00]  }
0x140: {  	v20 =	vld [tilespmem:s10+$0x310]  }
0x141: {  	v21 =	vld [tilespmem:s10+$0x3B10]  }
0x142: {  	v6 =	vld [tilespmem:s10+$0x320]  }
0x143: {  	v10 =	vld [tilespmem:s10+$0x3B20]  }
0x144: {  	v8 =	vld [tilespmem:s10+$0x330]  }
0x145: {  	v12 =	vld [tilespmem:s10+$0x3B30]  }
0x146: {  	v9 =	vld [tilespmem:s10+$0x340]  }
0x147: {  	v11 =	vld [tilespmem:s10+$0x3B40]  }
0x148: {  	v5 =	vld [tilespmem:s10+$0x350]  }
0x149: {  	v7 =	vld [tilespmem:s10+$0x3B50]  }
0x14a: {  	v3 =	vld [tilespmem:s10+$0x360]  }
0x14b: {  	v4 =	vld [tilespmem:s10+$0x3B60]  }
0x14c: {  	v1 =	vld [tilespmem:s10+$0x370]  }
0x14d: {  	v2 =	vld [tilespmem:s10+$0x3B70]  }
0x14e: {  	v17 =	vld [tilespmem:s10+$0x7300]  }
0x14f: {  	v16 =	vld [tilespmem:s10+$0x7310]  }
0x150: {  	v15 =	vld [tilespmem:s10+$0x7320]  }
0x151: {  	v14 =	vld [tilespmem:s10+$0x7330];
	v19 =	vadd.f32 v18, v13  }
0x152: {  	s11 =	simm.s32 $0x200;
	s28 =	simm.s32 $0x10;
	s24 =	rddreg [dreg:$0x5];
	v18 =	vadd.f32 v21, v20;
	v13 =	vld [tilespmem:s10+$0x7340]  }
.LBB2_11:
0x153: {  	p0 =	sne.s32 s11, $0x6E00;
	v17 =	vadd.f32 v17, v19;
	v6 =	vadd.f32 v10, v6;
	v10 =	vld [tilespmem:s10+$0x7350]  }
0x154: {  	v8 =	vadd.f32 v12, v8;
	v16 =	vadd.f32 v16, v18;
	v12 =	vld [tilespmem:s10+$0x7360]  }
0x155: {  	s12 =	sshra.s32 s11, $0x2;
	v9 =	vadd.f32 v11, v9;
	v17 =	vmax.f32 v17, $0.0e+00;
	v6 =	vadd.f32 v15, v6;
	v11 =	vld [tilespmem:s10+$0x7370]  }
0x156: {  	v5 =	vadd.f32 v7, v5;
	v18 =	vld [tilespmem:s12+$0x300];
	[tilespmem:s10+$0x7300] =	vst v17;
	v15 =	vmax.f32 v16, $0.0e+00;
	v8 =	vadd.f32 v14, v8  }
0x157: {  	v3 =	vadd.f32 v4, v3;
	v14 =	vld [tilespmem:s12+$0x3B00];
	[tilespmem:s10+$0x7310] =	vst v15;
	v6 =	vmax.f32 v6, $0.0e+00;
	v7 =	vadd.f32 v13, v9  }
0x158: {  	v1 =	vadd.f32 v2, v1;
	v13 =	vld [tilespmem:s12+$0x310];
	[tilespmem:s10+$0x7320] =	vst v6;
	v4 =	vmax.f32 v8, $0.0e+00;
	v5 =	vadd.f32 v10, v5  }
0x159: {  	v20 =	vld [tilespmem:s12+$0x3B10];
	[tilespmem:s10+$0x7330] =	vst v4;
	v2 =	vmax.f32 v7, $0.0e+00;
	v3 =	vadd.f32 v12, v3  }
0x15a: {  	v6 =	vld [tilespmem:s12+$0x320];
	[tilespmem:s10+$0x7340] =	vst v2;
	v2 =	vmax.f32 v5, $0.0e+00;
	v1 =	vadd.f32 v11, v1  }
0x15b: {  	v10 =	vld [tilespmem:s12+$0x3B20];
	[tilespmem:s10+$0x7350] =	vst v2;
	v2 =	vmax.f32 v3, $0.0e+00  }
0x15c: {  	v8 =	vld [tilespmem:s12+$0x330];
	[tilespmem:s10+$0x7360] =	vst v2;
	v1 =	vmax.f32 v1, $0.0e+00  }
0x15d: {  	v12 =	vld [tilespmem:s12+$0x3B30];
	[tilespmem:s10+$0x7370] =	vst v1;
	s10 =	smov.u32 s12  }
0x15e: {  	v9 =	vld [tilespmem:s10+$0x340]  }
0x15f: {  	v11 =	vld [tilespmem:s10+$0x3B40]  }
0x160: {  	v5 =	vld [tilespmem:s10+$0x350]  }
0x161: {  	v7 =	vld [tilespmem:s10+$0x3B50]  }
0x162: {  	v3 =	vld [tilespmem:s10+$0x360]  }
0x163: {  	v4 =	vld [tilespmem:s10+$0x3B60]  }
0x164: {  	v1 =	vld [tilespmem:s10+$0x370]  }
0x165: {  	v2 =	vld [tilespmem:s10+$0x3B70]  }
.Ltmp5:
0x166: {  	v17 =	vld [tilespmem:s10+$0x7300];
	(pc) =	sbr.rel @p0 .LBB2_11-.Ltmp5, $4  }
0x167: {  	v16 =	vld [tilespmem:s10+$0x7310]  }
0x168: {  	v15 =	vld [tilespmem:s10+$0x7320]  }
0x169: {  	v19 =	vadd.f32 v14, v18;
	v14 =	vld [tilespmem:s10+$0x7330]  }
0x16a: {  	s11 =	sadd.s32 $0x200, s11;
	v18 =	vadd.f32 v20, v13;
	v13 =	vld [tilespmem:s10+$0x7340]  }
0x16b: {  	v17 =	vadd.f32 v17, v19  }
0x16c: {  	v6 =	vadd.f32 v10, v6;
	v10 =	vld [tilespmem:s10+$0x7350];
	v8 =	vadd.f32 v12, v8  }
0x16d: {  	v9 =	vadd.f32 v11, v9;
	v11 =	vld [tilespmem:s10+$0x7370];
	v16 =	vadd.f32 v16, v18  }
0x16e: {  	v12 =	vld [tilespmem:s10+$0x7360];
	v17 =	vmax.f32 v17, $0.0e+00;
	v6 =	vadd.f32 v15, v6  }
0x16f: {  	v5 =	vadd.f32 v7, v5;
	[tilespmem:s10+$0x7300] =	vst v17;
	v15 =	vmax.f32 v16, $0.0e+00;
	v8 =	vadd.f32 v14, v8  }
0x170: {  	v1 =	vadd.f32 v2, v1;
	[tilespmem:s10+$0x7310] =	vst v15;
	v6 =	vmax.f32 v6, $0.0e+00;
	v7 =	vadd.f32 v13, v9  }
0x171: {  	v3 =	vadd.f32 v4, v3;
	[tilespmem:s10+$0x7320] =	vst v6;
	v4 =	vmax.f32 v8, $0.0e+00;
	v5 =	vadd.f32 v10, v5  }
0x172: {  	v1 =	vadd.f32 v11, v1;
	[tilespmem:s10+$0x7330] =	vst v4;
	v2 =	vmax.f32 v7, $0.0e+00  }
0x173: {  	v3 =	vadd.f32 v12, v3;
	[tilespmem:s10+$0x7340] =	vst v2;
	v2 =	vmax.f32 v5, $0.0e+00  }
0x174: {  	v1 =	vmax.f32 v1, $0.0e+00;
	[tilespmem:s10+$0x7350] =	vst v2  }
0x175: {  	v2 =	vmax.f32 v3, $0.0e+00;
	[tilespmem:s10+$0x7370] =	vst v1  }
0x176: {  	s11 =	rddreg [dreg:$0xd];
	[tilespmem:s10+$0x7360] =	vst v2;
	s10 =	simm.s32 $0x0  }
0x177: {  	[hbm4b:s11+s10] =	stream.linear.scatter [tilespmem:s17], [sflag:$0x5], $0x1C00, $0x38;
	[tilespmem:$0x1EB00] =	vst v63  }
0x178: {  	_ = 	snop  }
0x179: {  	[spmem:s3] =	stream.indirect.scatter.add.f32 [tilespmem:s17], [sflag:$0x7], $0x80, s19, s23, $0xb8;
	[tilespmem:$0x1EB00] =	vst v63  }
0x17a: {  	_ =	swait.ge [sflag:s18], $0x1C00  }
0x17b: {  	[sflag:s18] =	ssyncset.done $0x0  }
0x17c: {  	[sflag:s18] =	ssyncadd.s32 $0xFFFFE400  }
0x17d: {  	_ =	swait.ge [sflag:s0], $0x1C00  }
0x17e: {  	[sflag:s0] =	ssyncset.done $0x0  }
0x17f: {  	s12 =	simm.s32 $0x200;
	s15 =	rddreg [dreg:$0xe];
	[sflag:s0] =	ssyncadd.s32 $0xFFFFE400  }
0x180: {  	[tilespmem:s12], [sflag:$0x7] =	stream.linear.gather [hbm4b:s15+s10], $0x10, $0x38;
	[tilespmem:$0x1EB00] =	vst v63  }
0x181: {  	_ =	swait.ge [sflag:s18], $0x10  }
0x182: {  	[sflag:s18] =	ssyncset.done $0x0  }
0x183: {  	s15 =	simm.s32 $0x280;
	s29 =	rddreg [dreg:$0xf];
	[sflag:s18] =	ssyncadd.s32 $0xFFFFFFF0  }
0x184: {  	[tilespmem:s15], [sflag:$0x7] =	stream.linear.gather [hbm4b:s29+s10], $0x10, $0x38;
	[tilespmem:$0x1EB00] =	vst v63  }
0x185: {  	_ =	swait.ge [sflag:s18], $0x10  }
0x186: {  	[sflag:s18] =	ssyncset.done $0x0  }
0x187: {  	s29 =	simm.s32 $0x300;
	[sflag:s18] =	ssyncadd.s32 $0xFFFFFFF0  }
0x188: {  	[tilespmem:s29], [sflag:$0x3] =	stream.indirect.gather [hbm4b:s1+s28], $0x80, s12, s28, $0xb8;
	[tilespmem:$0x1EB00] =	vst v63  }
0x189: {  	_ = 	snop  }
0x18a: {  	[tilespmem:s25], [sflag:$0x3] =	stream.indirect.gather [hbm4b:s6+s28], $0x80, s15, s28, $0xb8;
	[tilespmem:$0x1EB00] =	vst v63  }
0x18b: {  	s29 =	rddreg [dreg:$0x10]  }
0x18c: {  	[tilespmem:s17], [sflag:$0x3] =	stream.linear.gather [hbm4b:s29+s10], $0x800, $0x38;
	[tilespmem:$0x1EB00] =	vst v63  }
0x18d: {  	_ =	swait.ge [sflag:s31], $0x800  }
0x18e: {  	[sflag:s31] =	ssyncset.done $0x0  }
0x18f: {  	[sflag:s31] =	ssyncadd.s32 $0xFFFFF800  }
0x190: {  	_ =	swait.ge [sflag:s31], $0x800  }
0x191: {  	[sflag:s31] =	ssyncset.done $0x0  }
0x192: {  	[sflag:s31] =	ssyncadd.s32 $0xFFFFF800  }
0x193: {  	_ =	swait.ge [sflag:s31], $0x800  }
0x194: {  	[sflag:s31] =	ssyncset.done $0x0  }
0x195: {  	s10 =	simm.s32 $0x0;
	[sflag:s31] =	ssyncadd.s32 $0xFFFFF800  }
0x196: {  	v13 =	vld [tilespmem:s10+$0x300]  }
0x197: {  	v18 =	vld [tilespmem:s10+$0x3B00]  }
0x198: {  	v20 =	vld [tilespmem:s10+$0x310]  }
0x199: {  	v21 =	vld [tilespmem:s10+$0x3B10]  }
0x19a: {  	v6 =	vld [tilespmem:s10+$0x320]  }
0x19b: {  	v10 =	vld [tilespmem:s10+$0x3B20]  }
0x19c: {  	v8 =	vld [tilespmem:s10+$0x330]  }
0x19d: {  	v12 =	vld [tilespmem:s10+$0x3B30]  }
0x19e: {  	v9 =	vld [tilespmem:s10+$0x340]  }
0x19f: {  	v11 =	vld [tilespmem:s10+$0x3B40]  }
0x1a0: {  	v5 =	vld [tilespmem:s10+$0x350]  }
0x1a1: {  	v7 =	vld [tilespmem:s10+$0x3B50]  }
0x1a2: {  	v3 =	vld [tilespmem:s10+$0x360]  }
0x1a3: {  	v4 =	vld [tilespmem:s10+$0x3B60]  }
0x1a4: {  	v1 =	vld [tilespmem:s10+$0x370]  }
0x1a5: {  	v2 =	vld [tilespmem:s10+$0x3B70]  }
0x1a6: {  	v17 =	vld [tilespmem:s10+$0x7300]  }
0x1a7: {  	v16 =	vld [tilespmem:s10+$0x7310]  }
0x1a8: {  	v15 =	vld [tilespmem:s10+$0x7320]  }
0x1a9: {  	v14 =	vld [tilespmem:s10+$0x7330];
	v19 =	vadd.f32 v18, v13  }
0x1aa: {  	s11 =	simm.s32 $0x200;
	v18 =	vadd.f32 v21, v20;
	v13 =	vld [tilespmem:s10+$0x7340]  }
.LBB2_13:
0x1ab: {  	p0 =	sne.s32 s11, $0x1E00;
	v17 =	vadd.f32 v17, v19;
	v6 =	vadd.f32 v10, v6;
	v10 =	vld [tilespmem:s10+$0x7350]  }
0x1ac: {  	v8 =	vadd.f32 v12, v8;
	v16 =	vadd.f32 v16, v18;
	v12 =	vld [tilespmem:s10+$0x7360]  }
0x1ad: {  	s12 =	sshra.s32 s11, $0x2;
	v9 =	vadd.f32 v11, v9;
	v17 =	vmax.f32 v17, $0.0e+00;
	v6 =	vadd.f32 v15, v6;
	v11 =	vld [tilespmem:s10+$0x7370]  }
0x1ae: {  	v5 =	vadd.f32 v7, v5;
	v18 =	vld [tilespmem:s12+$0x300];
	[tilespmem:s10+$0x7300] =	vst v17;
	v15 =	vmax.f32 v16, $0.0e+00;
	v8 =	vadd.f32 v14, v8  }
0x1af: {  	v3 =	vadd.f32 v4, v3;
	v14 =	vld [tilespmem:s12+$0x3B00];
	[tilespmem:s10+$0x7310] =	vst v15;
	v6 =	vmax.f32 v6, $0.0e+00;
	v7 =	vadd.f32 v13, v9  }
0x1b0: {  	v1 =	vadd.f32 v2, v1;
	v13 =	vld [tilespmem:s12+$0x310];
	[tilespmem:s10+$0x7320] =	vst v6;
	v4 =	vmax.f32 v8, $0.0e+00;
	v5 =	vadd.f32 v10, v5  }
0x1b1: {  	v20 =	vld [tilespmem:s12+$0x3B10];
	[tilespmem:s10+$0x7330] =	vst v4;
	v2 =	vmax.f32 v7, $0.0e+00;
	v3 =	vadd.f32 v12, v3  }
0x1b2: {  	v6 =	vld [tilespmem:s12+$0x320];
	[tilespmem:s10+$0x7340] =	vst v2;
	v2 =	vmax.f32 v5, $0.0e+00;
	v1 =	vadd.f32 v11, v1  }
0x1b3: {  	v10 =	vld [tilespmem:s12+$0x3B20];
	[tilespmem:s10+$0x7350] =	vst v2;
	v2 =	vmax.f32 v3, $0.0e+00  }
0x1b4: {  	v8 =	vld [tilespmem:s12+$0x330];
	[tilespmem:s10+$0x7360] =	vst v2;
	v1 =	vmax.f32 v1, $0.0e+00  }
0x1b5: {  	v12 =	vld [tilespmem:s12+$0x3B30];
	[tilespmem:s10+$0x7370] =	vst v1;
	s10 =	smov.u32 s12  }
0x1b6: {  	v9 =	vld [tilespmem:s10+$0x340]  }
0x1b7: {  	v11 =	vld [tilespmem:s10+$0x3B40]  }
0x1b8: {  	v5 =	vld [tilespmem:s10+$0x350]  }
0x1b9: {  	v7 =	vld [tilespmem:s10+$0x3B50]  }
0x1ba: {  	v3 =	vld [tilespmem:s10+$0x360]  }
0x1bb: {  	v4 =	vld [tilespmem:s10+$0x3B60]  }
0x1bc: {  	v1 =	vld [tilespmem:s10+$0x370]  }
0x1bd: {  	v2 =	vld [tilespmem:s10+$0x3B70]  }
.Ltmp6:
0x1be: {  	v17 =	vld [tilespmem:s10+$0x7300];
	(pc) =	sbr.rel @p0 .LBB2_13-.Ltmp6, $4  }
0x1bf: {  	v16 =	vld [tilespmem:s10+$0x7310]  }
0x1c0: {  	v15 =	vld [tilespmem:s10+$0x7320]  }
0x1c1: {  	v19 =	vadd.f32 v14, v18;
	v14 =	vld [tilespmem:s10+$0x7330]  }
0x1c2: {  	s11 =	sadd.s32 $0x200, s11;
	v18 =	vadd.f32 v20, v13;
	v13 =	vld [tilespmem:s10+$0x7340]  }
0x1c3: {  	v17 =	vadd.f32 v17, v19;
	v6 =	vadd.f32 v10, v6;
	v58 =	vld [tilespmem:s10+$0x7350]  }
0x1c4: {  	v8 =	vadd.f32 v12, v8;
	v60 =	vld [tilespmem:s10+$0x7370];
	v16 =	vadd.f32 v16, v18  }
0x1c5: {  	v59 =	vld [tilespmem:s10+$0x7360];
	v9 =	vadd.f32 v11, v9;
	v17 =	vmax.f32 v17, $0.0e+00;
	v6 =	vadd.f32 v15, v6  }
0x1c6: {  	v5 =	vadd.f32 v7, v5;
	[tilespmem:s10+$0x7300] =	vst v17;
	v61 =	vmax.f32 v16, $0.0e+00;
	v8 =	vadd.f32 v14, v8  }
0x1c7: {  	v1 =	vadd.f32 v2, v1;
	[tilespmem:s10+$0x7310] =	vst v61;
	v6 =	vmax.f32 v6, $0.0e+00;
	v62 =	vadd.f32 v13, v9  }
0x1c8: {  	v3 =	vadd.f32 v4, v3;
	[tilespmem:s10+$0x7320] =	vst v6;
	v63 =	vmax.f32 v8, $0.0e+00;
	v5 =	vadd.f32 v58, v5  }
0x1c9: {  	v1 =	vadd.f32 v60, v1;
	[tilespmem:s10+$0x7330] =	vst v63;
	v2 =	vmax.f32 v62, $0.0e+00  }
0x1ca: {  	v3 =	vadd.f32 v59, v3;
	[tilespmem:s10+$0x7340] =	vst v2;
	v2 =	vmax.f32 v5, $0.0e+00  }
0x1cb: {  	v1 =	vmax.f32 v1, $0.0e+00;
	[tilespmem:s10+$0x7350] =	vst v2  }
0x1cc: {  	v2 =	vmax.f32 v3, $0.0e+00;
	[tilespmem:s10+$0x7370] =	vst v1  }
0x1cd: {  	s12 =	rddreg [dreg:$0x11];
	[tilespmem:s10+$0x7360] =	vst v2  }
0x1ce: {  	[hbm4b:s12+s5] =	stream.linear.scatter [tilespmem:s17], [sflag:$0x7], $0x800, $0x38;
	[tilespmem:$0x1EB00] =	vst v63  }
0x1cf: {  	_ =	swait.ge [sflag:s18], $0x800  }
0x1d0: {  	[sflag:s18] =	ssyncset.done $0x0  }
0x1d1: {  	[sflag:s18] =	ssyncadd.s32 $0xFFFFF800  }
0x1d2: {  	[spmem:s3] =	stream.indirect.scatter.add.f32 [tilespmem:s17], [sflag:$0x7], $0x80, s15, s28, $0xb8;
	[tilespmem:$0x1EB00] =	vst v63  }
0x1d3: {  	_ =	swait.ge [sflag:s18], $0x800  }
0x1d4: {  	[sflag:s18] =	ssyncset.done $0x0  }
0x1d5: {  	s15 =	stileid.u32;
	[sflag:s18] =	ssyncadd.s32 $0xFFFFF800  }
0x1d6: {  	s10 =	sshll.u32 s15, $0x6;
	[bflag:$0x0] =	sbarrier.arrive $0xFFFF  }
0x1d7: {  	s11 =	sshrl.u32 s24, $0x3;
	s10 =	sor.u32 $0x1C07, s10;
	s12 =	rddreg [dreg:$0x12]  }
0x1d8: {  	[hbm:s12], [sflag:s10] =	dma.local [spmem:s11], $0x2800  }
0x1d9: {  	_ =	swait.ge [sflag:s18], $0x2800  }
0x1da: {  	s28 =	rddreg [dreg:$0x1d]  }
0x1db: {  	s29 =	rddreg [dreg:$0x13];
	s11 =	sadd.s32 $0x1, s28  }
0x1dc: {  	p0 =	sne.s32 s11, s29  }
.Ltmp7:
0x1dd: {  	_ = 	snop;
	(pc) =	sbr.rel @p0 .LBB2_1-.Ltmp7, $3  }
0x1de: {  	_ =	sdelay $0x1  }
0x1df: {  	[sflag:s18] =	ssyncset.done $0x0  }
0x1e0: {  	[sflag:s18] =	ssyncadd.s32 $0xFFFFD800  }
0x1e1: {  	_ =	sfence.sel $0x180000  }
0x1e2: {  	[bflag:$0x0] =	sbarrier.arrive $0xFFFF  }
0x1e3: {  	_ =	strace $0x90000047  }
0x1e4: {  	s0 =	stileid.u32;
	[bflag:$0x2] =	sbarrier.arrive $0xFFFF  }
0x1e5: {  	p0 =	sne.s32 s0, $0x0;
	s0 =	rddreg [dreg:$0x4]  }
0x1e6: {  	s0 =	sadd.s32 @!p0 $0x100000, s0  }
0x1e7: {  	[sflag:s0] =	ssyncadd.tile.s32 @!p0 $0x1;
	_ =	shalt  }
.Lfunc_end2:
_tile_overlayer_lowered:
.L_overlay_start_2:
0x1e8: {  	(tag) =	ssettag $0x2  }
0x1e9: {  	s0 =	rddreg [dreg:$0x0];
	s2 =	stileid.u32  }
0x1ea: {  	s1 =	rddreg [dreg:$0x1];
	p0 =	sne.s32 s2, $0x0  }
0x1eb: {  	s3 =	rddreg [dreg:$0x2];
	[bflag:$0x3] =	sbarrier.arrive $0xFFFF;
	s2 =	simm.s32 @!p0 $0x1C07  }
0x1ec: {  	[timem:s3], [sflag:s2] =	dma.local @!p0 [hbm:s0], s1  }
0x1ed: {  	s0 =	simm.s32 @!p0 $0x7  }
0x1ee: {  	_ =	swait.ge @!p0 [sflag:s0], s1  }
0x1ef: {  	s1 =	ssub.s32 @!p0 $0x0, s1;
	[sflag:s0] =	ssyncset.done @!p0 $0x0  }
0x1f0: {  	[sflag:s0] =	ssyncadd.s32 @!p0 s1  }
0x1f1: {  	[bflag:$0x3] =	sbarrier.arrive $0xFFFF  }
0x1f2: {  	_ =	shalt  }

</sc_bundles>
